<compile_context>
chip_gen: v7x
topology: tpu7x:2x2x1
jax: 0.10.2.dev20260603
libtpu: 0.0.44.dev20260713+nightly
codegen_flags: <defaults>
</compile_context>

<pallas_src>
import functools

import jax
import jax.numpy as jnp
from jax import lax
from jax.experimental import pallas as pl
from jax.experimental.pallas import tpu as pltpu
from jax.experimental.pallas import tpu_sc as plsc

H = 512
W = 512
BZ = 4
NV = 5023
NF = 9976
D = 8

NW = 32
NFT = BZ * NF
FPW = 1248
NFP = NW * FPW
NVT = BZ * NV
NVP = 20096
PIX = BZ * H * W
PPW = PIX // NW
CH2 = 2496
CH3 = 2048
NCH = 9
ROWW = 16

_mesh = plsc.VectorSubcoreMesh(core_axis_name="c", subcore_axis_name="s")
_cparams = pltpu.CompilerParams(needs_layout_passes=False,
                                use_tc_tiling_on_sc=False)


def _wid():
    return lax.axis_index("s") * 2 + lax.axis_index("c")


@functools.partial(
    pl.kernel,
    mesh=_mesh,
    compiler_params=_cparams,
    out_type=(
        jax.ShapeDtypeStruct((NFP,), jnp.int32),
        jax.ShapeDtypeStruct((NFP,), jnp.float32),
        jax.ShapeDtypeStruct((NFP,), jnp.int32),
        jax.ShapeDtypeStruct((NFP * ROWW,), jnp.float32),
    ),
    scratch_types=[
        pltpu.VMEM((FPW,), jnp.int32),
        pltpu.VMEM((FPW,), jnp.int32),
        pltpu.VMEM((FPW,), jnp.int32),
        pltpu.VMEM((NVP,), jnp.float32),
        pltpu.VMEM((NVP,), jnp.float32),
        pltpu.VMEM((NVP,), jnp.float32),
        pltpu.VMEM((24 * FPW,), jnp.float32),
        pltpu.VMEM((FPW * ROWW,), jnp.float32),
        pltpu.VMEM((FPW,), jnp.int32),
        pltpu.VMEM((FPW,), jnp.float32),
        pltpu.VMEM((FPW,), jnp.int32),
    ],
)
def _phase1(i0_hbm, i1_hbm, i2_hbm, vx_hbm, vy_hbm, vz_hbm, a_hbm,
            lin_out, d_out, fid_out, rows_out,
            i0_v, i1_v, i2_v, vx_v, vy_v, vz_v, a_v, rowbuf,
            lin_v, d_v, fid_v):
    wid = _wid()
    base = wid * FPW
    pltpu.sync_copy(i0_hbm.at[pl.ds(base, FPW)], i0_v)
    pltpu.sync_copy(i1_hbm.at[pl.ds(base, FPW)], i1_v)
    pltpu.sync_copy(i2_hbm.at[pl.ds(base, FPW)], i2_v)
    pltpu.sync_copy(vx_hbm, vx_v)
    pltpu.sync_copy(vy_hbm, vy_v)
    pltpu.sync_copy(vz_hbm, vz_v)
    for r in range(24):
        pltpu.sync_copy(a_hbm.at[pl.ds(r * NFP + base, FPW)],
                        a_v.at[pl.ds(r * FPW, FPW)])

    zero16 = jnp.zeros((16,), jnp.float32)

    def zrow(j, carry):
        rowbuf[pl.ds(j * 16, 16)] = zero16
        return carry

    lax.fori_loop(0, FPW * ROWW // 16, zrow, 0)

    third = jnp.float32(1.0 / 3.0)
    ones16 = jnp.full((16,), 1.0, jnp.float32)

    def body(i, carry):
        o = i * 16
        lanes = lax.iota(jnp.int32, 16)
        gf = base + o + lanes
        validf = gf < NFT
        g0 = i0_v[pl.ds(o, 16)]
        g1 = i1_v[pl.ds(o, 16)]
        g2 = i2_v[pl.ds(o, 16)]
        x0 = plsc.load_gather(vx_v, [g0]) * (W / 2) + (W / 2)
        x1 = plsc.load_gather(vx_v, [g1]) * (W / 2) + (W / 2)
        x2 = plsc.load_gather(vx_v, [g2]) * (W / 2) + (W / 2)
        y0 = plsc.load_gather(vy_v, [g0]) * (H / 2) + (H / 2)
        y1 = plsc.load_gather(vy_v, [g1]) * (H / 2) + (H / 2)
        y2 = plsc.load_gather(vy_v, [g2]) * (H / 2) + (H / 2)
        z0 = plsc.load_gather(vz_v, [g0]) * (W / 2)
        z1 = plsc.load_gather(vz_v, [g1]) * (W / 2)
        z2 = plsc.load_gather(vz_v, [g2]) * (W / 2)
        cx = ((x0 + x1) + x2) / 3.0
        cy = ((y0 + y1) + y2) / 3.0
        cz = ((z0 + z1) + z2) / 3.0
        px = jnp.clip(cx.astype(jnp.int32), 0, W - 1)
        py = jnp.clip(cy.astype(jnp.int32), 0, H - 1)
        b = ((gf >= NF).astype(jnp.int32)
             + (gf >= 2 * NF).astype(jnp.int32)
             + (gf >= 3 * NF).astype(jnp.int32))
        lin = (b * H + py) * W + px
        lin_v[pl.ds(o, 16)] = lin
        d_v[pl.ds(o, 16)] = jnp.where(validf, cz, jnp.float32(1e30))
        fid_v[pl.ds(o, 16)] = jnp.where(validf, gf, -1)
        rowb = (o + lanes) * ROWW
        for c in range(8):
            a0 = a_v[pl.ds((0 * 8 + c) * FPW + o, 16)]
            a1 = a_v[pl.ds((1 * 8 + c) * FPW + o, 16)]
            a2 = a_v[pl.ds((2 * 8 + c) * FPW + o, 16)]
            m = (a0 * third + a1 * third) + a2 * third
            plsc.store_scatter(rowbuf, [rowb + c], m)
        plsc.store_scatter(rowbuf, [rowb + 8], ones16)
        return carry

    lax.fori_loop(0, FPW // 16, body, 0)

    pltpu.sync_copy(lin_v, lin_out.at[pl.ds(base, FPW)])
    pltpu.sync_copy(d_v, d_out.at[pl.ds(base, FPW)])
    pltpu.sync_copy(fid_v, fid_out.at[pl.ds(base, FPW)])
    pltpu.sync_copy(rowbuf, rows_out.at[pl.ds(base * ROWW, FPW * ROWW)])


@functools.partial(
    pl.kernel,
    mesh=_mesh,
    compiler_params=_cparams,
    out_type=jax.ShapeDtypeStruct((PIX,), jnp.int32),
    scratch_types=[
        pltpu.VMEM((PPW,), jnp.float32),
        pltpu.VMEM((PPW,), jnp.int32),
        pltpu.VMEM((CH2,), jnp.int32),
        pltpu.VMEM((CH2,), jnp.float32),
        pltpu.VMEM((CH2,), jnp.int32),
    ],
)
def _phase2(lin_hbm, d_hbm, fid_hbm, fidbuf_out,
            dep_loc, fid_loc, cl, cd, cf):
    wid = _wid()
    lo = wid * PPW
    init_d = jnp.full((16,), 1e6, jnp.float32)
    init_f = jnp.full((16,), -1, jnp.int32)

    def initb(j, carry):
        dep_loc[pl.ds(j * 16, 16)] = init_d
        fid_loc[pl.ds(j * 16, 16)] = init_f
        return carry

    lax.fori_loop(0, PPW // 16, initb, 0)

    def chunk(cidx, carry):
        co = cidx * CH2
        pltpu.sync_copy(lin_hbm.at[pl.ds(co, CH2)], cl)
        pltpu.sync_copy(d_hbm.at[pl.ds(co, CH2)], cd)
        pltpu.sync_copy(fid_hbm.at[pl.ds(co, CH2)], cf)

        def vb(j, c2):
            lin = cl[pl.ds(j * 16, 16)]
            d = cd[pl.ds(j * 16, 16)]
            fid = cf[pl.ds(j * 16, 16)]
            mine = (lin >= lo) & (lin < lo + PPW)
            loc = jnp.where(mine, lin - lo, 0)
            gd = plsc.load_gather(dep_loc, [loc])
            gfi = plsc.load_gather(fid_loc, [loc])
            m = mine & ((d < gd) | ((d == gd) & (fid > gfi)))

            def wcond(mm):
                return jnp.any(mm)

            def wbody(mm):
                plsc.store_scatter(dep_loc, [loc], d, mask=mm)
                plsc.store_scatter(fid_loc, [loc], fid, mask=mm)
                gd2 = plsc.load_gather(dep_loc, [loc])
                gf2 = plsc.load_gather(fid_loc, [loc])
                return mine & ((d < gd2) | ((d == gd2) & (fid > gf2)))

            lax.while_loop(wcond, wbody, m)
            return c2

        lax.fori_loop(0, CH2 // 16, vb, 0)
        return carry

    lax.fori_loop(0, NFP // CH2, chunk, 0)
    pltpu.sync_copy(fid_loc, fidbuf_out.at[pl.ds(lo, PPW)])


@functools.partial(
    pl.kernel,
    mesh=_mesh,
    compiler_params=_cparams,
    out_type=jax.ShapeDtypeStruct((BZ * NCH * H * W,), jnp.float32),
    scratch_types=[
        pltpu.VMEM((PPW,), jnp.int32),
        pltpu.VMEM((CH3,), jnp.int32),
        pltpu.VMEM((CH3, ROWW), jnp.float32),
        pltpu.VMEM((NCH * CH3,), jnp.float32),
        pltpu.VMEM((16 * 17,), jnp.float32),
        pltpu.SemaphoreType.DMA,
    ],
)
def _phase3(fidbuf_hbm, rows_hbm, out_hbm,
            fid_v, idx_v, rows_v, planes, wide, sem):
    wid = _wid()
    lo = wid * PPW
    b = wid // 8
    blk = wid - b * 8
    obase = b * (NCH * H * W) + blk * PPW
    pltpu.sync_copy(fidbuf_hbm.at[pl.ds(lo, PPW)], fid_v)

    def chunk(t, carry):
        to = t * CH3

        def bi(j, c2):
            f = fid_v[pl.ds(to + j * 16, 16)]
            idx_v[pl.ds(j * 16, 16)] = jnp.where(f > -1, f, 0)
            return c2

        lax.fori_loop(0, CH3 // 16, bi, 0)

        def grp(g, c2):
            gb = g * 16
            for l in range(16):
                wide[pl.ds(l * 17, 16)] = rows_v[gb + l]
            lanes17 = lax.iota(jnp.int32, 16) * 17
            f = fid_v[pl.ds(to + gb, 16)]
            valid = f > -1
            for c in range(8):
                vals = plsc.load_gather(wide, [lanes17 + c])
                planes[pl.ds(c * CH3 + gb, 16)] = jnp.where(valid, vals, 0.0)
            planes[pl.ds(8 * CH3 + gb, 16)] = jnp.where(
                valid, jnp.float32(1.0), 0.0)
            return c2

        lax.fori_loop(0, CH3 // 16, grp, 0)
        for c in range(NCH):
            pltpu.sync_copy(planes.at[pl.ds(c * CH3, CH3)],
                            out_hbm.at[pl.ds(obase + c * (H * W) + to, CH3)])
        return carry

    lax.fori_loop(0, PPW // CH3, chunk, 0)


def kernel(vertices, faces, attributes):
    v32 = vertices.astype(jnp.float32)
    offs = (jnp.arange(BZ, dtype=jnp.int32) * NV)[:, None, None]
    gfaces = (faces.astype(jnp.int32) + offs)
    gT = jnp.transpose(gfaces, (2, 0, 1)).reshape(3, NFT)
    gTp = jnp.pad(gT, ((0, 0), (0, NFP - NFT)))
    vT = jnp.transpose(v32, (2, 0, 1)).reshape(3, NVT)
    vTp = jnp.pad(vT, ((0, 0), (0, NVP - NVT)))
    aT = jnp.transpose(attributes.astype(jnp.float32), (2, 3, 0, 1)).reshape(24, NFT)
    aTp = jnp.pad(aT, ((0, 0), (0, NFP - NFT))).reshape(24 * NFP)

    lin, d, fid, rows = _phase1(gTp[0], gTp[1], gTp[2],
                                vTp[0], vTp[1], vTp[2], aTp)
    fidbuf = _phase2(lin, d, fid)
    out = _phase3(fidbuf, rows.reshape(NFP, ROWW))
    return out.reshape(BZ, NCH, H, W)

# --- scband reference (transcript-rebuilt; emitter-appended) ---
"""Pipeline reference for scband-standard-rasterizer-37391985279422 (READ-ONLY COPY).

The authoritative reference and input builder live on the scoring server;
editing this copy changes nothing except your own understanding.
"""

import jax, jax.numpy as jnp
import numpy as np

H = 512
W = 512
BZ = 4
NV = 5023
NF = 9976
D = 8


def setup_inputs(seed: int = 0):
    key = jax.random.key(seed)
    k1, k2, k3 = jax.random.split(key, 3)
    vertices = jax.random.normal(k1, (BZ, NV, 3), dtype=jnp.float32)
    faces = jax.random.randint(k2, (BZ, NF, 3), 0, NV)
    attributes = jax.random.normal(k3, (BZ, NF, 3, D), dtype=jnp.float32)
    return {"vertices": vertices, "faces": faces, "attributes": attributes}


def face_vertices(vertices, faces):
    bz, nv = vertices.shape[0], vertices.shape[1]
    offs = (jnp.arange(bz) * nv)[:, None, None]
    flat = vertices.reshape(bz * nv, vertices.shape[-1])
    return flat[faces + offs]


def rasterize(f_vs, h, w):
    # Stand-in for the (unavailable, non-differentiable) CUDA standard_rasterize kernel.
    # Point-splat rasterization: each face splats its centroid pixel with scatter-min
    # depth; winning face index recovered with scatter-max. Preserves the
    # scatter-into-buffers memory pattern of the original kernel.
    bz, nf = f_vs.shape[0], f_vs.shape[1]
    cent = f_vs.mean(axis=2)  # [bz, nf, 3]
    px = jnp.clip(cent[..., 0].astype(jnp.int32), 0, w - 1)
    py = jnp.clip(cent[..., 1].astype(jnp.int32), 0, h - 1)
    depth = cent[..., 2]
    bidx = jnp.broadcast_to(jnp.arange(bz)[:, None], (bz, nf))
    lin = ((bidx * h + py) * w + px).reshape(-1)
    d = depth.reshape(-1)
    fid = (bidx * nf + jnp.arange(nf)[None, :]).reshape(-1)  # global face id (bn*nf + f), as in CUDA buffer
    depth_buffer = jnp.full((bz * h * w,), 1000000.0, jnp.float32).at[lin].min(d)
    winner = d <= depth_buffer[lin]
    tri = jnp.full((bz * h * w,), -1, jnp.int32).at[lin].max(
        jnp.where(winner, fid, -1).astype(jnp.int32))
    valid = tri > -1
    bary = jnp.where(valid[:, None], jnp.full((bz * h * w, 3), 1.0 / 3.0, jnp.float32), 0.0)
    return (depth_buffer.reshape(bz, h, w), tri.reshape(bz, h, w),
            bary.reshape(bz, h, w, 3))


def _forward(vertices, attributes, faces):
    h, w = H, W
    v = vertices.astype(jnp.float32)
    v = v.at[..., 0].set(v[..., 0] * w / 2 + w / 2)
    v = v.at[..., 1].set(v[..., 1] * h / 2 + h / 2)
    v = v.at[..., 2].set(v[..., 2] * w / 2)
    f_vs = face_vertices(v, faces)
    depth_buffer, triangle_buffer, baryw_buffer = rasterize(f_vs, h, w)
    # original rasterizer is explicitly non-differentiable
    triangle_buffer = jax.lax.stop_gradient(triangle_buffer)
    baryw_buffer = jax.lax.stop_gradient(baryw_buffer)
    pix_to_face = triangle_buffer[:, :, :, None].astype(jnp.int32)  # [N,H,W,1]
    bary_coords = baryw_buffer[:, :, :, None, :]  # [N,H,W,1,3]
    vismask = (pix_to_face > -1).astype(jnp.float32)
    Dd = attributes.shape[-1]
    attrs = attributes.reshape(attributes.shape[0] * attributes.shape[1], 3, Dd)
    N, Hh, Ww, K = pix_to_face.shape
    mask = pix_to_face == -1
    p2f = jnp.where(mask, 0, pix_to_face)
    idx = p2f.reshape(N * Hh * Ww * K)
    pixel_face_vals = attrs[idx].reshape(N, Hh, Ww, K, 3, Dd)
    pixel_vals = (bary_coords[..., None] * pixel_face_vals).sum(axis=-2)  # [N,H,W,K,Dd]
    pixel_vals = jnp.where(mask[..., None], 0.0, pixel_vals)
    pixel_vals = jnp.transpose(pixel_vals[:, :, :, 0], (0, 3, 1, 2))  # [N,Dd,H,W]
    out = jnp.concatenate([pixel_vals, vismask[:, :, :, 0][:, None, :, :]], axis=1)
    return out


def reference(vertices, faces, attributes):
    return _forward(vertices, attributes, faces)

if __name__ == "__main__":
    import jax
    _d = setup_inputs()
    print(jax.jit(kernel)(*tuple(_d.values())))

</pallas_src>

<mosaic_0001>
#map = affine_map<(d0, d1) -> (0)>
#map1 = affine_map<(d0, d1) -> (0, 0)>
module attributes {stable_mosaic.version = 14 : i64} {
  func.func @_phase3(%arg0: i32, %arg1: i32, %arg2: memref<1048576xi32, #tpu.memory_space<hbm>>, %arg3: memref<39936x16xf32, #tpu.memory_space<hbm>>, %arg4: memref<9437184xf32, #tpu.memory_space<hbm>>, %arg5: memref<32768xi32, #tpu.memory_space<vmem>>, %arg6: memref<2048xi32, #tpu.memory_space<vmem>>, %arg7: memref<2048x16xf32, #tpu.memory_space<vmem>>, %arg8: memref<18432xf32, #tpu.memory_space<vmem>>, %arg9: memref<272xf32, #tpu.memory_space<vmem>>, %arg10: memref<!tpu.dma_semaphore, #tpu.memory_space<semaphore_mem>>) attributes {dimension_semantics = [#tpu.dimension_semantics<core_parallel>, #tpu.dimension_semantics<subcore_parallel>], iteration_bounds = array<i64: 2, 16>, scalar_prefetch = 0 : i64, scratch_operands = 6 : i64, tpu.core_type = #tpu.core_type<sc_vector_subcore>, window_params = [{transform_indices = #map}, {transform_indices = #map1}, {transform_indices = #map}]} {
    %mul3A = arith.constant 2 : i32
    %mul3A_0 = arith.muli %arg1, %mul3A : i32
    %add3A = arith.addi %mul3A_0, %arg0 : i32
    %mul3A_1 = arith.constant 32768 : i32
    %mul3A_2 = arith.muli %add3A, %mul3A_1 : i32
    %jit3A = arith.constant 8 : i32
    %div3A = arith.divsi %add3A, %jit3A : i32
    %sign3A = arith.constant 0 : i32
    %sign3A_3 = arith.cmpi sgt, %add3A, %sign3A : i32
    %sign3A_4 = arith.extui %sign3A_3 : i1 to i32
    %sign3A_5 = arith.constant 0 : i32
    %sign3A_6 = arith.cmpi slt, %add3A, %sign3A_5 : i32
    %sign3A_7 = arith.extui %sign3A_6 : i1 to i32
    %sign3A_8 = arith.subi %sign3A_4, %sign3A_7 : i32
    %sign3A_9 = arith.constant 0 : i32
    %sign3A_10 = arith.cmpi sgt, %jit3A, %sign3A_9 : i32
    %sign3A_11 = arith.extui %sign3A_10 : i1 to i32
    %sign3A_12 = arith.constant 0 : i32
    %sign3A_13 = arith.cmpi slt, %jit3A, %sign3A_12 : i32
    %sign3A_14 = arith.extui %sign3A_13 : i1 to i32
    %sign3A_15 = arith.subi %sign3A_11, %sign3A_14 : i32
    %ne3A = arith.cmpi ne, %sign3A_8, %sign3A_15 : i32
    %rem3A = arith.remsi %add3A, %jit3A : i32
    %ne3A_16 = arith.constant 0 : i32
    %ne3A_17 = arith.cmpi ne, %rem3A, %ne3A_16 : i32
    %and3A = arith.andi %ne3A, %ne3A_17 : i1
    %sub3A = arith.constant 1 : i32
    %sub3A_18 = arith.subi %div3A, %sub3A : i32
    %select_n3A = arith.select %and3A, %sub3A_18, %div3A : i32
    %mul3A_19 = arith.constant 8 : i32
    %mul3A_20 = arith.muli %select_n3A, %mul3A_19 : i32
    %sub3A_21 = arith.subi %add3A, %mul3A_20 : i32
    %mul3A_22 = arith.constant 2359296 : i32
    %mul3A_23 = arith.muli %select_n3A, %mul3A_22 : i32
    %mul3A_24 = arith.constant 32768 : i32
    %mul3A_25 = arith.muli %sub3A_21, %mul3A_24 : i32
    %add3A_26 = arith.addi %mul3A_23, %mul3A_25 : i32
    "tpu.region"() ({
      %run_scoped3A = tpu.sem_alloc : memref<!tpu.dma_semaphore, #tpu.memory_space<semaphore_mem>>
      %dma_start3A = tpu.memref_slice %arg2[%mul3A_2] : memref<1048576xi32, #tpu.memory_space<hbm>> -> memref<32768xi32, #tpu.memory_space<hbm>>
      %dma_start3A_32 = tpu.memref_slice %arg2[%mul3A_2] : memref<1048576xi32, #tpu.memory_space<hbm>> -> memref<32768xi32, #tpu.memory_space<hbm>>
      tpu.enqueue_dma source(%dma_start3A_32 : memref<32768xi32, #tpu.memory_space<hbm>>) target(%arg5 : memref<32768xi32, #tpu.memory_space<vmem>>) target_semaphore(%run_scoped3A : memref<!tpu.dma_semaphore, #tpu.memory_space<semaphore_mem>>)
      %dma_wait3A = tpu.memref_slice %arg2[%mul3A_2] : memref<1048576xi32, #tpu.memory_space<hbm>> -> memref<32768xi32, #tpu.memory_space<hbm>>
      %dma_wait3A_33 = tpu.memref_slice %arg2[%mul3A_2] : memref<1048576xi32, #tpu.memory_space<hbm>> -> memref<32768xi32, #tpu.memory_space<hbm>>
      tpu.wait_dma2 semaphore(%run_scoped3A : memref<!tpu.dma_semaphore, #tpu.memory_space<semaphore_mem>>) src(%dma_wait3A_33 : memref<32768xi32, #tpu.memory_space<hbm>>) dst(%arg5 : memref<32768xi32, #tpu.memory_space<vmem>>)
      tpu.yield
    }) : () -> ()
    %scan3A = arith.constant 0 : i32
    %scan3A_27 = arith.constant 0 : i32
    %scan3A_28 = arith.constant 16 : i32
    %scan3A_29 = arith.addi %scan3A_27, %scan3A_28 : i32
    %scan3A_30 = arith.constant 1 : i32
    scf.for %scan3A_32 = %scan3A_27 to %scan3A_29 step %scan3A_30  : i32 {
      %mul3A_33 = arith.constant 2048 : i32
      %mul3A_34 = arith.muli %scan3A_32, %mul3A_33 : i32
      %scan3A_35 = arith.constant 0 : i32
      %scan3A_36 = arith.constant 0 : i32
      %scan3A_37 = arith.constant 128 : i32
      %scan3A_38 = arith.addi %scan3A_36, %scan3A_37 : i32
      %scan3A_39 = arith.constant 1 : i32
      scf.for %scan3A_74 = %scan3A_36 to %scan3A_38 step %scan3A_39  : i32 {
        %mul3A_75 = arith.constant 16 : i32
        %mul3A_76 = arith.muli %scan3A_74, %mul3A_75 : i32
        %add3A_77 = arith.addi %mul3A_34, %mul3A_76 : i32
        %get3A = arith.index_cast %add3A_77 : i32 to index
        %get3A_78 = tpu.vector_load %arg5[%get3A] {strides = array<i32>} : memref<32768xi32, #tpu.memory_space<vmem>>, vector<16xi32>,
        %gt3A = arith.constant -1 : i32
        %gt3A_79 = vector.broadcast %gt3A : i32 to vector<16xi32>
        %gt3A_80 = arith.cmpi sgt, %get3A_78, %gt3A_79 : vector<16xi32>
        %jit3A_81 = arith.constant 0 : i32
        %broadcast_in_dim3A = vector.broadcast %jit3A_81 : i32 to vector<16xi32>
        %select_n3A_82 = arith.select %gt3A_80, %get3A_78, %broadcast_in_dim3A : vector<16xi1>, vector<16xi32>
        %mul3A_83 = arith.constant 16 : i32
        %mul3A_84 = arith.muli %scan3A_74, %mul3A_83 : i32
        %swap3A = arith.index_cast %mul3A_84 : i32 to index
        %swap3A_85 = tpu.vector_load %arg6[%swap3A] {strides = array<i32>} : memref<2048xi32, #tpu.memory_space<vmem>>, vector<16xi32>,
        tpu.vector_store %arg6[%swap3A], %select_n3A_82 {strides = array<i32>} : memref<2048xi32, #tpu.memory_space<vmem>>, vector<16xi32>,
      }
      %scan3A_40 = arith.constant 128 : i32
      %scan3A_41 = arith.constant 0 : i32
      %scan3A_42 = arith.constant 0 : i32
      %scan3A_43 = arith.constant 128 : i32
      %scan3A_44 = arith.addi %scan3A_42, %scan3A_43 : i32
      %scan3A_45 = arith.constant 1 : i32
      scf.for %scan3A_74 = %scan3A_42 to %scan3A_44 step %scan3A_45  : i32 {
        %mul3A_75 = arith.constant 16 : i32
        %mul3A_76 = arith.muli %scan3A_74, %mul3A_75 : i32
        %add3A_77 = arith.constant 0 : i32
        %add3A_78 = arith.addi %mul3A_76, %add3A_77 : i32
        %get3A = arith.index_cast %add3A_78 : i32 to index
        %get3A_79 = arith.constant 0 : index
        %get3A_80 = tpu.vector_load %arg7[%get3A, %get3A_79] {strides = array<i32>} : memref<2048x16xf32, #tpu.memory_space<vmem>>, vector<16xf32>,
        %swap3A = arith.constant 0 : index
        %swap3A_81 = tpu.vector_load %arg9[%swap3A] {strides = array<i32>} : memref<272xf32, #tpu.memory_space<vmem>>, vector<16xf32>,
        tpu.vector_store %arg9[%swap3A], %get3A_80 {strides = array<i32>} : memref<272xf32, #tpu.memory_space<vmem>>, vector<16xf32>,
        %add3A_82 = arith.constant 1 : i32
        %add3A_83 = arith.addi %mul3A_76, %add3A_82 : i32
        %get3A_84 = arith.index_cast %add3A_83 : i32 to index
        %get3A_85 = arith.constant 0 : index
        %get3A_86 = tpu.vector_load %arg7[%get3A_84, %get3A_85] {strides = array<i32>} : memref<2048x16xf32, #tpu.memory_space<vmem>>, vector<16xf32>,
        %swap3A_87 = arith.constant 17 : index
        %swap3A_88 = tpu.vector_load %arg9[%swap3A_87] {strides = array<i32>} : memref<272xf32, #tpu.memory_space<vmem>>, vector<16xf32>,
        tpu.vector_store %arg9[%swap3A_87], %get3A_86 {strides = array<i32>} : memref<272xf32, #tpu.memory_space<vmem>>, vector<16xf32>,
        %add3A_89 = arith.constant 2 : i32
        %add3A_90 = arith.addi %mul3A_76, %add3A_89 : i32
        %get3A_91 = arith.index_cast %add3A_90 : i32 to index
        %get3A_92 = arith.constant 0 : index
        %get3A_93 = tpu.vector_load %arg7[%get3A_91, %get3A_92] {strides = array<i32>} : memref<2048x16xf32, #tpu.memory_space<vmem>>, vector<16xf32>,
        %swap3A_94 = arith.constant 34 : index
        %swap3A_95 = tpu.vector_load %arg9[%swap3A_94] {strides = array<i32>} : memref<272xf32, #tpu.memory_space<vmem>>, vector<16xf32>,
        tpu.vector_store %arg9[%swap3A_94], %get3A_93 {strides = array<i32>} : memref<272xf32, #tpu.memory_space<vmem>>, vector<16xf32>,
        %add3A_96 = arith.constant 3 : i32
        %add3A_97 = arith.addi %mul3A_76, %add3A_96 : i32
        %get3A_98 = arith.index_cast %add3A_97 : i32 to index
        %get3A_99 = arith.constant 0 : index
        %get3A_100 = tpu.vector_load %arg7[%get3A_98, %get3A_99] {strides = array<i32>} : memref<2048x16xf32, #tpu.memory_space<vmem>>, vector<16xf32>,
        %swap3A_101 = arith.constant 51 : index
        %swap3A_102 = tpu.vector_load %arg9[%swap3A_101] {strides = array<i32>} : memref<272xf32, #tpu.memory_space<vmem>>, vector<16xf32>,
        tpu.vector_store %arg9[%swap3A_101], %get3A_100 {strides = array<i32>} : memref<272xf32, #tpu.memory_space<vmem>>, vector<16xf32>,
        %add3A_103 = arith.constant 4 : i32
        %add3A_104 = arith.addi %mul3A_76, %add3A_103 : i32
        %get3A_105 = arith.index_cast %add3A_104 : i32 to index
        %get3A_106 = arith.constant 0 : index
        %get3A_107 = tpu.vector_load %arg7[%get3A_105, %get3A_106] {strides = array<i32>} : memref<2048x16xf32, #tpu.memory_space<vmem>>, vector<16xf32>,
        %swap3A_108 = arith.constant 68 : index
        %swap3A_109 = tpu.vector_load %arg9[%swap3A_108] {strides = array<i32>} : memref<272xf32, #tpu.memory_space<vmem>>, vector<16xf32>,
        tpu.vector_store %arg9[%swap3A_108], %get3A_107 {strides = array<i32>} : memref<272xf32, #tpu.memory_space<vmem>>, vector<16xf32>,
        %add3A_110 = arith.constant 5 : i32
        %add3A_111 = arith.addi %mul3A_76, %add3A_110 : i32
        %get3A_112 = arith.index_cast %add3A_111 : i32 to index
        %get3A_113 = arith.constant 0 : index
        %get3A_114 = tpu.vector_load %arg7[%get3A_112, %get3A_113] {strides = array<i32>} : memref<2048x16xf32, #tpu.memory_space<vmem>>, vector<16xf32>,
        %swap3A_115 = arith.constant 85 : index
        %swap3A_116 = tpu.vector_load %arg9[%swap3A_115] {strides = array<i32>} : memref<272xf32, #tpu.memory_space<vmem>>, vector<16xf32>,
        tpu.vector_store %arg9[%swap3A_115], %get3A_114 {strides = array<i32>} : memref<272xf32, #tpu.memory_space<vmem>>, vector<16xf32>,
        %add3A_117 = arith.constant 6 : i32
        %add3A_118 = arith.addi %mul3A_76, %add3A_117 : i32
        %get3A_119 = arith.index_cast %add3A_118 : i32 to index
        %get3A_120 = arith.constant 0 : index
        %get3A_121 = tpu.vector_load %arg7[%get3A_119, %get3A_120] {strides = array<i32>} : memref<2048x16xf32, #tpu.memory_space<vmem>>, vector<16xf32>,
        %swap3A_122 = arith.constant 102 : index
        %swap3A_123 = tpu.vector_load %arg9[%swap3A_122] {strides = array<i32>} : memref<272xf32, #tpu.memory_space<vmem>>, vector<16xf32>,
        tpu.vector_store %arg9[%swap3A_122], %get3A_121 {strides = array<i32>} : memref<272xf32, #tpu.memory_space<vmem>>, vector<16xf32>,
        %add3A_124 = arith.constant 7 : i32
        %add3A_125 = arith.addi %mul3A_76, %add3A_124 : i32
        %get3A_126 = arith.index_cast %add3A_125 : i32 to index
        %get3A_127 = arith.constant 0 : index
        %get3A_128 = tpu.vector_load %arg7[%get3A_126, %get3A_127] {strides = array<i32>} : memref<2048x16xf32, #tpu.memory_space<vmem>>, vector<16xf32>,
        %swap3A_129 = arith.constant 119 : index
        %swap3A_130 = tpu.vector_load %arg9[%swap3A_129] {strides = array<i32>} : memref<272xf32, #tpu.memory_space<vmem>>, vector<16xf32>,
        tpu.vector_store %arg9[%swap3A_129], %get3A_128 {strides = array<i32>} : memref<272xf32, #tpu.memory_space<vmem>>, vector<16xf32>,
        %add3A_131 = arith.constant 8 : i32
        %add3A_132 = arith.addi %mul3A_76, %add3A_131 : i32
        %get3A_133 = arith.index_cast %add3A_132 : i32 to index
        %get3A_134 = arith.constant 0 : index
        %get3A_135 = tpu.vector_load %arg7[%get3A_133, %get3A_134] {strides = array<i32>} : memref<2048x16xf32, #tpu.memory_space<vmem>>, vector<16xf32>,
        %swap3A_136 = arith.constant 136 : index
        %swap3A_137 = tpu.vector_load %arg9[%swap3A_136] {strides = array<i32>} : memref<272xf32, #tpu.memory_space<vmem>>, vector<16xf32>,
        tpu.vector_store %arg9[%swap3A_136], %get3A_135 {strides = array<i32>} : memref<272xf32, #tpu.memory_space<vmem>>, vector<16xf32>,
        %add3A_138 = arith.constant 9 : i32
        %add3A_139 = arith.addi %mul3A_76, %add3A_138 : i32
        %get3A_140 = arith.index_cast %add3A_139 : i32 to index
        %get3A_141 = arith.constant 0 : index
        %get3A_142 = tpu.vector_load %arg7[%get3A_140, %get3A_141] {strides = array<i32>} : memref<2048x16xf32, #tpu.memory_space<vmem>>, vector<16xf32>,
        %swap3A_143 = arith.constant 153 : index
        %swap3A_144 = tpu.vector_load %arg9[%swap3A_143] {strides = array<i32>} : memref<272xf32, #tpu.memory_space<vmem>>, vector<16xf32>,
        tpu.vector_store %arg9[%swap3A_143], %get3A_142 {strides = array<i32>} : memref<272xf32, #tpu.memory_space<vmem>>, vector<16xf32>,
        %add3A_145 = arith.constant 10 : i32
        %add3A_146 = arith.addi %mul3A_76, %add3A_145 : i32
        %get3A_147 = arith.index_cast %add3A_146 : i32 to index
        %get3A_148 = arith.constant 0 : index
        %get3A_149 = tpu.vector_load %arg7[%get3A_147, %get3A_148] {strides = array<i32>} : memref<2048x16xf32, #tpu.memory_space<vmem>>, vector<16xf32>,
        %swap3A_150 = arith.constant 170 : index
        %swap3A_151 = tpu.vector_load %arg9[%swap3A_150] {strides = array<i32>} : memref<272xf32, #tpu.memory_space<vmem>>, vector<16xf32>,
        tpu.vector_store %arg9[%swap3A_150], %get3A_149 {strides = array<i32>} : memref<272xf32, #tpu.memory_space<vmem>>, vector<16xf32>,
        %add3A_152 = arith.constant 11 : i32
        %add3A_153 = arith.addi %mul3A_76, %add3A_152 : i32
        %get3A_154 = arith.index_cast %add3A_153 : i32 to index
        %get3A_155 = arith.constant 0 : index
        %get3A_156 = tpu.vector_load %arg7[%get3A_154, %get3A_155] {strides = array<i32>} : memref<2048x16xf32, #tpu.memory_space<vmem>>, vector<16xf32>,
        %swap3A_157 = arith.constant 187 : index
        %swap3A_158 = tpu.vector_load %arg9[%swap3A_157] {strides = array<i32>} : memref<272xf32, #tpu.memory_space<vmem>>, vector<16xf32>,
        tpu.vector_store %arg9[%swap3A_157], %get3A_156 {strides = array<i32>} : memref<272xf32, #tpu.memory_space<vmem>>, vector<16xf32>,
        %add3A_159 = arith.constant 12 : i32
        %add3A_160 = arith.addi %mul3A_76, %add3A_159 : i32
        %get3A_161 = arith.index_cast %add3A_160 : i32 to index
        %get3A_162 = arith.constant 0 : index
        %get3A_163 = tpu.vector_load %arg7[%get3A_161, %get3A_162] {strides = array<i32>} : memref<2048x16xf32, #tpu.memory_space<vmem>>, vector<16xf32>,
        %swap3A_164 = arith.constant 204 : index
        %swap3A_165 = tpu.vector_load %arg9[%swap3A_164] {strides = array<i32>} : memref<272xf32, #tpu.memory_space<vmem>>, vector<16xf32>,
        tpu.vector_store %arg9[%swap3A_164], %get3A_163 {strides = array<i32>} : memref<272xf32, #tpu.memory_space<vmem>>, vector<16xf32>,
        %add3A_166 = arith.constant 13 : i32
        %add3A_167 = arith.addi %mul3A_76, %add3A_166 : i32
        %get3A_168 = arith.index_cast %add3A_167 : i32 to index
        %get3A_169 = arith.constant 0 : index
        %get3A_170 = tpu.vector_load %arg7[%get3A_168, %get3A_169] {strides = array<i32>} : memref<2048x16xf32, #tpu.memory_space<vmem>>, vector<16xf32>,
        %swap3A_171 = arith.constant 221 : index
        %swap3A_172 = tpu.vector_load %arg9[%swap3A_171] {strides = array<i32>} : memref<272xf32, #tpu.memory_space<vmem>>, vector<16xf32>,
        tpu.vector_store %arg9[%swap3A_171], %get3A_170 {strides = array<i32>} : memref<272xf32, #tpu.memory_space<vmem>>, vector<16xf32>,
        %add3A_173 = arith.constant 14 : i32
        %add3A_174 = arith.addi %mul3A_76, %add3A_173 : i32
        %get3A_175 = arith.index_cast %add3A_174 : i32 to index
        %get3A_176 = arith.constant 0 : index
        %get3A_177 = tpu.vector_load %arg7[%get3A_175, %get3A_176] {strides = array<i32>} : memref<2048x16xf32, #tpu.memory_space<vmem>>, vector<16xf32>,
        %swap3A_178 = arith.constant 238 : index
        %swap3A_179 = tpu.vector_load %arg9[%swap3A_178] {strides = array<i32>} : memref<272xf32, #tpu.memory_space<vmem>>, vector<16xf32>,
        tpu.vector_store %arg9[%swap3A_178], %get3A_177 {strides = array<i32>} : memref<272xf32, #tpu.memory_space<vmem>>, vector<16xf32>,
        %add3A_180 = arith.constant 15 : i32
        %add3A_181 = arith.addi %mul3A_76, %add3A_180 : i32
        %get3A_182 = arith.index_cast %add3A_181 : i32 to index
        %get3A_183 = arith.constant 0 : index
        %get3A_184 = tpu.vector_load %arg7[%get3A_182, %get3A_183] {strides = array<i32>} : memref<2048x16xf32, #tpu.memory_space<vmem>>, vector<16xf32>,
        %swap3A_185 = arith.constant 255 : index
        %swap3A_186 = tpu.vector_load %arg9[%swap3A_185] {strides = array<i32>} : memref<272xf32, #tpu.memory_space<vmem>>, vector<16xf32>,
        tpu.vector_store %arg9[%swap3A_185], %get3A_184 {strides = array<i32>} : memref<272xf32, #tpu.memory_space<vmem>>, vector<16xf32>,
        %iota3A = tpu.iota {dimensions = array<i32: 0>} : vector<16xi32>
        %mul3A_187 = arith.constant 17 : i32
        %mul3A_188 = vector.broadcast %mul3A_187 : i32 to vector<16xi32>
        %mul3A_189 = arith.muli %iota3A, %mul3A_188 : vector<16xi32>
        %add3A_190 = arith.addi %mul3A_34, %mul3A_76 : i32
        %get3A_191 = arith.index_cast %add3A_190 : i32 to index
        %get3A_192 = tpu.vector_load %arg5[%get3A_191] {strides = array<i32>} : memref<32768xi32, #tpu.memory_space<vmem>>, vector<16xi32>,
        %gt3A = arith.constant -1 : i32
        %gt3A_193 = vector.broadcast %gt3A : i32 to vector<16xi32>
        %gt3A_194 = arith.cmpi sgt, %get3A_192, %gt3A_193 : vector<16xi32>
        %add3A_195 = arith.constant 0 : i32
        %add3A_196 = vector.broadcast %add3A_195 : i32 to vector<16xi32>
        %add3A_197 = arith.addi %mul3A_189, %add3A_196 : vector<16xi32>
        %gather3A = tpu.vector_load_idx %arg9[%add3A_197] : memref<272xf32, #tpu.memory_space<vmem>>[vector<16xi32>], vector<16xf32>,
        %jit3A_198 = arith.constant 0.000000e+00 : f32
        %broadcast_in_dim3A = vector.broadcast %jit3A_198 : f32 to vector<16xf32>
        %select_n3A_199 = arith.select %gt3A_194, %gather3A, %broadcast_in_dim3A : vector<16xi1>, vector<16xf32>
        %add3A_200 = arith.constant 0 : i32
        %add3A_201 = arith.addi %add3A_200, %mul3A_76 : i32
        %swap3A_202 = arith.index_cast %add3A_201 : i32 to index
        %swap3A_203 = tpu.vector_load %arg8[%swap3A_202] {strides = array<i32>} : memref<18432xf32, #tpu.memory_space<vmem>>, vector<16xf32>,
        tpu.vector_store %arg8[%swap3A_202], %select_n3A_199 {strides = array<i32>} : memref<18432xf32, #tpu.memory_space<vmem>>, vector<16xf32>,
        %add3A_204 = arith.constant 1 : i32
        %add3A_205 = vector.broadcast %add3A_204 : i32 to vector<16xi32>
        %add3A_206 = arith.addi %mul3A_189, %add3A_205 : vector<16xi32>
        %gather3A_207 = tpu.vector_load_idx %arg9[%add3A_206] : memref<272xf32, #tpu.memory_space<vmem>>[vector<16xi32>], vector<16xf32>,
        %jit3A_208 = arith.constant 0.000000e+00 : f32
        %broadcast_in_dim3A_209 = vector.broadcast %jit3A_208 : f32 to vector<16xf32>
        %select_n3A_210 = arith.select %gt3A_194, %gather3A_207, %broadcast_in_dim3A_209 : vector<16xi1>, vector<16xf32>
        %add3A_211 = arith.constant 2048 : i32
        %add3A_212 = arith.addi %add3A_211, %mul3A_76 : i32
        %swap3A_213 = arith.index_cast %add3A_212 : i32 to index
        %swap3A_214 = tpu.vector_load %arg8[%swap3A_213] {strides = array<i32>} : memref<18432xf32, #tpu.memory_space<vmem>>, vector<16xf32>,
        tpu.vector_store %arg8[%swap3A_213], %select_n3A_210 {strides = array<i32>} : memref<18432xf32, #tpu.memory_space<vmem>>, vector<16xf32>,
        %add3A_215 = arith.constant 2 : i32
        %add3A_216 = vector.broadcast %add3A_215 : i32 to vector<16xi32>
        %add3A_217 = arith.addi %mul3A_189, %add3A_216 : vector<16xi32>
        %gather3A_218 = tpu.vector_load_idx %arg9[%add3A_217] : memref<272xf32, #tpu.memory_space<vmem>>[vector<16xi32>], vector<16xf32>,
        %jit3A_219 = arith.constant 0.000000e+00 : f32
        %broadcast_in_dim3A_220 = vector.broadcast %jit3A_219 : f32 to vector<16xf32>
        %select_n3A_221 = arith.select %gt3A_194, %gather3A_218, %broadcast_in_dim3A_220 : vector<16xi1>, vector<16xf32>
        %add3A_222 = arith.constant 4096 : i32
        %add3A_223 = arith.addi %add3A_222, %mul3A_76 : i32
        %swap3A_224 = arith.index_cast %add3A_223 : i32 to index
        %swap3A_225 = tpu.vector_load %arg8[%swap3A_224] {strides = array<i32>} : memref<18432xf32, #tpu.memory_space<vmem>>, vector<16xf32>,
        tpu.vector_store %arg8[%swap3A_224], %select_n3A_221 {strides = array<i32>} : memref<18432xf32, #tpu.memory_space<vmem>>, vector<16xf32>,
        %add3A_226 = arith.constant 3 : i32
        %add3A_227 = vector.broadcast %add3A_226 : i32 to vector<16xi32>
        %add3A_228 = arith.addi %mul3A_189, %add3A_227 : vector<16xi32>
        %gather3A_229 = tpu.vector_load_idx %arg9[%add3A_228] : memref<272xf32, #tpu.memory_space<vmem>>[vector<16xi32>], vector<16xf32>,
        %jit3A_230 = arith.constant 0.000000e+00 : f32
        %broadcast_in_dim3A_231 = vector.broadcast %jit3A_230 : f32 to vector<16xf32>
        %select_n3A_232 = arith.select %gt3A_194, %gather3A_229, %broadcast_in_dim3A_231 : vector<16xi1>, vector<16xf32>
        %add3A_233 = arith.constant 6144 : i32
        %add3A_234 = arith.addi %add3A_233, %mul3A_76 : i32
        %swap3A_235 = arith.index_cast %add3A_234 : i32 to index
        %swap3A_236 = tpu.vector_load %arg8[%swap3A_235] {strides = array<i32>} : memref<18432xf32, #tpu.memory_space<vmem>>, vector<16xf32>,
        tpu.vector_store %arg8[%swap3A_235], %select_n3A_232 {strides = array<i32>} : memref<18432xf32, #tpu.memory_space<vmem>>, vector<16xf32>,
        %add3A_237 = arith.constant 4 : i32
        %add3A_238 = vector.broadcast %add3A_237 : i32 to vector<16xi32>
        %add3A_239 = arith.addi %mul3A_189, %add3A_238 : vector<16xi32>
        %gather3A_240 = tpu.vector_load_idx %arg9[%add3A_239] : memref<272xf32, #tpu.memory_space<vmem>>[vector<16xi32>], vector<16xf32>,
        %jit3A_241 = arith.constant 0.000000e+00 : f32
        %broadcast_in_dim3A_242 = vector.broadcast %jit3A_241 : f32 to vector<16xf32>
        %select_n3A_243 = arith.select %gt3A_194, %gather3A_240, %broadcast_in_dim3A_242 : vector<16xi1>, vector<16xf32>
        %add3A_244 = arith.constant 8192 : i32
        %add3A_245 = arith.addi %add3A_244, %mul3A_76 : i32
        %swap3A_246 = arith.index_cast %add3A_245 : i32 to index
        %swap3A_247 = tpu.vector_load %arg8[%swap3A_246] {strides = array<i32>} : memref<18432xf32, #tpu.memory_space<vmem>>, vector<16xf32>,
        tpu.vector_store %arg8[%swap3A_246], %select_n3A_243 {strides = array<i32>} : memref<18432xf32, #tpu.memory_space<vmem>>, vector<16xf32>,
        %add3A_248 = arith.constant 5 : i32
        %add3A_249 = vector.broadcast %add3A_248 : i32 to vector<16xi32>
        %add3A_250 = arith.addi %mul3A_189, %add3A_249 : vector<16xi32>
        %gather3A_251 = tpu.vector_load_idx %arg9[%add3A_250] : memref<272xf32, #tpu.memory_space<vmem>>[vector<16xi32>], vector<16xf32>,
        %jit3A_252 = arith.constant 0.000000e+00 : f32
        %broadcast_in_dim3A_253 = vector.broadcast %jit3A_252 : f32 to vector<16xf32>
        %select_n3A_254 = arith.select %gt3A_194, %gather3A_251, %broadcast_in_dim3A_253 : vector<16xi1>, vector<16xf32>
        %add3A_255 = arith.constant 10240 : i32
        %add3A_256 = arith.addi %add3A_255, %mul3A_76 : i32
        %swap3A_257 = arith.index_cast %add3A_256 : i32 to index
        %swap3A_258 = tpu.vector_load %arg8[%swap3A_257] {strides = array<i32>} : memref<18432xf32, #tpu.memory_space<vmem>>, vector<16xf32>,
        tpu.vector_store %arg8[%swap3A_257], %select_n3A_254 {strides = array<i32>} : memref<18432xf32, #tpu.memory_space<vmem>>, vector<16xf32>,
        %add3A_259 = arith.constant 6 : i32
        %add3A_260 = vector.broadcast %add3A_259 : i32 to vector<16xi32>
        %add3A_261 = arith.addi %mul3A_189, %add3A_260 : vector<16xi32>
        %gather3A_262 = tpu.vector_load_idx %arg9[%add3A_261] : memref<272xf32, #tpu.memory_space<vmem>>[vector<16xi32>], vector<16xf32>,
        %jit3A_263 = arith.constant 0.000000e+00 : f32
        %broadcast_in_dim3A_264 = vector.broadcast %jit3A_263 : f32 to vector<16xf32>
        %select_n3A_265 = arith.select %gt3A_194, %gather3A_262, %broadcast_in_dim3A_264 : vector<16xi1>, vector<16xf32>
        %add3A_266 = arith.constant 12288 : i32
        %add3A_267 = arith.addi %add3A_266, %mul3A_76 : i32
        %swap3A_268 = arith.index_cast %add3A_267 : i32 to index
        %swap3A_269 = tpu.vector_load %arg8[%swap3A_268] {strides = array<i32>} : memref<18432xf32, #tpu.memory_space<vmem>>, vector<16xf32>,
        tpu.vector_store %arg8[%swap3A_268], %select_n3A_265 {strides = array<i32>} : memref<18432xf32, #tpu.memory_space<vmem>>, vector<16xf32>,
        %add3A_270 = arith.constant 7 : i32
        %add3A_271 = vector.broadcast %add3A_270 : i32 to vector<16xi32>
        %add3A_272 = arith.addi %mul3A_189, %add3A_271 : vector<16xi32>
        %gather3A_273 = tpu.vector_load_idx %arg9[%add3A_272] : memref<272xf32, #tpu.memory_space<vmem>>[vector<16xi32>], vector<16xf32>,
        %jit3A_274 = arith.constant 0.000000e+00 : f32
        %broadcast_in_dim3A_275 = vector.broadcast %jit3A_274 : f32 to vector<16xf32>
        %select_n3A_276 = arith.select %gt3A_194, %gather3A_273, %broadcast_in_dim3A_275 : vector<16xi1>, vector<16xf32>
        %add3A_277 = arith.constant 14336 : i32
        %add3A_278 = arith.addi %add3A_277, %mul3A_76 : i32
        %swap3A_279 = arith.index_cast %add3A_278 : i32 to index
        %swap3A_280 = tpu.vector_load %arg8[%swap3A_279] {strides = array<i32>} : memref<18432xf32, #tpu.memory_space<vmem>>, vector<16xf32>,
        tpu.vector_store %arg8[%swap3A_279], %select_n3A_276 {strides = array<i32>} : memref<18432xf32, #tpu.memory_space<vmem>>, vector<16xf32>,
        %jit3A_281 = arith.constant 1.000000e+00 : f32
        %jit3A_282 = arith.constant 0.000000e+00 : f32
        %broadcast_in_dim3A_283 = vector.broadcast %jit3A_281 : f32 to vector<16xf32>
        %broadcast_in_dim3A_284 = vector.broadcast %jit3A_282 : f32 to vector<16xf32>
        %select_n3A_285 = arith.select %gt3A_194, %broadcast_in_dim3A_283, %broadcast_in_dim3A_284 : vector<16xi1>, vector<16xf32>
        %add3A_286 = arith.constant 16384 : i32
        %add3A_287 = arith.addi %add3A_286, %mul3A_76 : i32
        %swap3A_288 = arith.index_cast %add3A_287 : i32 to index
        %swap3A_289 = tpu.vector_load %arg8[%swap3A_288] {strides = array<i32>} : memref<18432xf32, #tpu.memory_space<vmem>>, vector<16xf32>,
        tpu.vector_store %arg8[%swap3A_288], %select_n3A_285 {strides = array<i32>} : memref<18432xf32, #tpu.memory_space<vmem>>, vector<16xf32>,
      }
      %scan3A_46 = arith.constant 128 : i32
      %add3A_47 = arith.constant 0 : i32
      %add3A_48 = arith.addi %add3A_26, %add3A_47 : i32
      %add3A_49 = arith.addi %add3A_48, %mul3A_34 : i32
      "tpu.region"() ({
        %run_scoped3A = tpu.sem_alloc : memref<!tpu.dma_semaphore, #tpu.memory_space<semaphore_mem>>
        %dma_start3A = arith.constant 0 : i32
        %dma_start3A_74 = tpu.memref_slice %arg8[%dma_start3A] : memref<18432xf32, #tpu.memory_space<vmem>> -> memref<2048xf32, #tpu.memory_space<vmem>>
        %dma_start3A_75 = tpu.memref_slice %arg4[%add3A_49] : memref<9437184xf32, #tpu.memory_space<hbm>> -> memref<2048xf32, #tpu.memory_space<hbm>>
        %dma_start3A_76 = tpu.memref_slice %arg4[%add3A_49] : memref<9437184xf32, #tpu.memory_space<hbm>> -> memref<2048xf32, #tpu.memory_space<hbm>>
        %dma_start3A_77 = arith.constant 0 : i32
        %dma_start3A_78 = tpu.memref_slice %arg8[%dma_start3A_77] : memref<18432xf32, #tpu.memory_space<vmem>> -> memref<2048xf32, #tpu.memory_space<vmem>>
        tpu.enqueue_dma source(%dma_start3A_78 : memref<2048xf32, #tpu.memory_space<vmem>>) target(%dma_start3A_76 : memref<2048xf32, #tpu.memory_space<hbm>>) target_semaphore(%run_scoped3A : memref<!tpu.dma_semaphore, #tpu.memory_space<semaphore_mem>>)
        %dma_wait3A = arith.constant 0 : i32
        %dma_wait3A_79 = tpu.memref_slice %arg8[%dma_wait3A] : memref<18432xf32, #tpu.memory_space<vmem>> -> memref<2048xf32, #tpu.memory_space<vmem>>
        %dma_wait3A_80 = tpu.memref_slice %arg4[%add3A_49] : memref<9437184xf32, #tpu.memory_space<hbm>> -> memref<2048xf32, #tpu.memory_space<hbm>>
        %dma_wait3A_81 = tpu.memref_slice %arg4[%add3A_49] : memref<9437184xf32, #tpu.memory_space<hbm>> -> memref<2048xf32, #tpu.memory_space<hbm>>
        %dma_wait3A_82 = arith.constant 0 : i32
        %dma_wait3A_83 = tpu.memref_slice %arg8[%dma_wait3A_82] : memref<18432xf32, #tpu.memory_space<vmem>> -> memref<2048xf32, #tpu.memory_space<vmem>>
        tpu.wait_dma2 semaphore(%run_scoped3A : memref<!tpu.dma_semaphore, #tpu.memory_space<semaphore_mem>>) src(%dma_wait3A_83 : memref<2048xf32, #tpu.memory_space<vmem>>) dst(%dma_wait3A_81 : memref<2048xf32, #tpu.memory_space<hbm>>)
        tpu.yield
      }) : () -> ()
      %add3A_50 = arith.constant 262144 : i32
      %add3A_51 = arith.addi %add3A_26, %add3A_50 : i32
      %add3A_52 = arith.addi %add3A_51, %mul3A_34 : i32
      "tpu.region"() ({
        %run_scoped3A = tpu.sem_alloc : memref<!tpu.dma_semaphore, #tpu.memory_space<semaphore_mem>>
        %dma_start3A = arith.constant 2048 : i32
        %dma_start3A_74 = tpu.memref_slice %arg8[%dma_start3A] : memref<18432xf32, #tpu.memory_space<vmem>> -> memref<2048xf32, #tpu.memory_space<vmem>>
        %dma_start3A_75 = tpu.memref_slice %arg4[%add3A_52] : memref<9437184xf32, #tpu.memory_space<hbm>> -> memref<2048xf32, #tpu.memory_space<hbm>>
        %dma_start3A_76 = tpu.memref_slice %arg4[%add3A_52] : memref<9437184xf32, #tpu.memory_space<hbm>> -> memref<2048xf32, #tpu.memory_space<hbm>>
        %dma_start3A_77 = arith.constant 2048 : i32
        %dma_start3A_78 = tpu.memref_slice %arg8[%dma_start3A_77] : memref<18432xf32, #tpu.memory_space<vmem>> -> memref<2048xf32, #tpu.memory_space<vmem>>
        tpu.enqueue_dma source(%dma_start3A_78 : memref<2048xf32, #tpu.memory_space<vmem>>) target(%dma_start3A_76 : memref<2048xf32, #tpu.memory_space<hbm>>) target_semaphore(%run_scoped3A : memref<!tpu.dma_semaphore, #tpu.memory_space<semaphore_mem>>)
        %dma_wait3A = arith.constant 2048 : i32
        %dma_wait3A_79 = tpu.memref_slice %arg8[%dma_wait3A] : memref<18432xf32, #tpu.memory_space<vmem>> -> memref<2048xf32, #tpu.memory_space<vmem>>
        %dma_wait3A_80 = tpu.memref_slice %arg4[%add3A_52] : memref<9437184xf32, #tpu.memory_space<hbm>> -> memref<2048xf32, #tpu.memory_space<hbm>>
        %dma_wait3A_81 = tpu.memref_slice %arg4[%add3A_52] : memref<9437184xf32, #tpu.memory_space<hbm>> -> memref<2048xf32, #tpu.memory_space<hbm>>
        %dma_wait3A_82 = arith.constant 2048 : i32
        %dma_wait3A_83 = tpu.memref_slice %arg8[%dma_wait3A_82] : memref<18432xf32, #tpu.memory_space<vmem>> -> memref<2048xf32, #tpu.memory_space<vmem>>
        tpu.wait_dma2 semaphore(%run_scoped3A : memref<!tpu.dma_semaphore, #tpu.memory_space<semaphore_mem>>) src(%dma_wait3A_83 : memref<2048xf32, #tpu.memory_space<vmem>>) dst(%dma_wait3A_81 : memref<2048xf32, #tpu.memory_space<hbm>>)
        tpu.yield
      }) : () -> ()
      %add3A_53 = arith.constant 524288 : i32
      %add3A_54 = arith.addi %add3A_26, %add3A_53 : i32
      %add3A_55 = arith.addi %add3A_54, %mul3A_34 : i32
      "tpu.region"() ({
        %run_scoped3A = tpu.sem_alloc : memref<!tpu.dma_semaphore, #tpu.memory_space<semaphore_mem>>
        %dma_start3A = arith.constant 4096 : i32
        %dma_start3A_74 = tpu.memref_slice %arg8[%dma_start3A] : memref<18432xf32, #tpu.memory_space<vmem>> -> memref<2048xf32, #tpu.memory_space<vmem>>
        %dma_start3A_75 = tpu.memref_slice %arg4[%add3A_55] : memref<9437184xf32, #tpu.memory_space<hbm>> -> memref<2048xf32, #tpu.memory_space<hbm>>
        %dma_start3A_76 = tpu.memref_slice %arg4[%add3A_55] : memref<9437184xf32, #tpu.memory_space<hbm>> -> memref<2048xf32, #tpu.memory_space<hbm>>
        %dma_start3A_77 = arith.constant 4096 : i32
        %dma_start3A_78 = tpu.memref_slice %arg8[%dma_start3A_77] : memref<18432xf32, #tpu.memory_space<vmem>> -> memref<2048xf32, #tpu.memory_space<vmem>>
        tpu.enqueue_dma source(%dma_start3A_78 : memref<2048xf32, #tpu.memory_space<vmem>>) target(%dma_start3A_76 : memref<2048xf32, #tpu.memory_space<hbm>>) target_semaphore(%run_scoped3A : memref<!tpu.dma_semaphore, #tpu.memory_space<semaphore_mem>>)
        %dma_wait3A = arith.constant 4096 : i32
        %dma_wait3A_79 = tpu.memref_slice %arg8[%dma_wait3A] : memref<18432xf32, #tpu.memory_space<vmem>> -> memref<2048xf32, #tpu.memory_space<vmem>>
        %dma_wait3A_80 = tpu.memref_slice %arg4[%add3A_55] : memref<9437184xf32, #tpu.memory_space<hbm>> -> memref<2048xf32, #tpu.memory_space<hbm>>
        %dma_wait3A_81 = tpu.memref_slice %arg4[%add3A_55] : memref<9437184xf32, #tpu.memory_space<hbm>> -> memref<2048xf32, #tpu.memory_space<hbm>>
        %dma_wait3A_82 = arith.constant 4096 : i32
        %dma_wait3A_83 = tpu.memref_slice %arg8[%dma_wait3A_82] : memref<18432xf32, #tpu.memory_space<vmem>> -> memref<2048xf32, #tpu.memory_space<vmem>>
        tpu.wait_dma2 semaphore(%run_scoped3A : memref<!tpu.dma_semaphore, #tpu.memory_space<semaphore_mem>>) src(%dma_wait3A_83 : memref<2048xf32, #tpu.memory_space<vmem>>) dst(%dma_wait3A_81 : memref<2048xf32, #tpu.memory_space<hbm>>)
        tpu.yield
      }) : () -> ()
      %add3A_56 = arith.constant 786432 : i32
      %add3A_57 = arith.addi %add3A_26, %add3A_56 : i32
      %add3A_58 = arith.addi %add3A_57, %mul3A_34 : i32
      "tpu.region"() ({
        %run_scoped3A = tpu.sem_alloc : memref<!tpu.dma_semaphore, #tpu.memory_space<semaphore_mem>>
        %dma_start3A = arith.constant 6144 : i32
        %dma_start3A_74 = tpu.memref_slice %arg8[%dma_start3A] : memref<18432xf32, #tpu.memory_space<vmem>> -> memref<2048xf32, #tpu.memory_space<vmem>>
        %dma_start3A_75 = tpu.memref_slice %arg4[%add3A_58] : memref<9437184xf32, #tpu.memory_space<hbm>> -> memref<2048xf32, #tpu.memory_space<hbm>>
        %dma_start3A_76 = tpu.memref_slice %arg4[%add3A_58] : memref<9437184xf32, #tpu.memory_space<hbm>> -> memref<2048xf32, #tpu.memory_space<hbm>>
        %dma_start3A_77 = arith.constant 6144 : i32
        %dma_start3A_78 = tpu.memref_slice %arg8[%dma_start3A_77] : memref<18432xf32, #tpu.memory_space<vmem>> -> memref<2048xf32, #tpu.memory_space<vmem>>
        tpu.enqueue_dma source(%dma_start3A_78 : memref<2048xf32, #tpu.memory_space<vmem>>) target(%dma_start3A_76 : memref<2048xf32, #tpu.memory_space<hbm>>) target_semaphore(%run_scoped3A : memref<!tpu.dma_semaphore, #tpu.memory_space<semaphore_mem>>)
        %dma_wait3A = arith.constant 6144 : i32
        %dma_wait3A_79 = tpu.memref_slice %arg8[%dma_wait3A] : memref<18432xf32, #tpu.memory_space<vmem>> -> memref<2048xf32, #tpu.memory_space<vmem>>
        %dma_wait3A_80 = tpu.memref_slice %arg4[%add3A_58] : memref<9437184xf32, #tpu.memory_space<hbm>> -> memref<2048xf32, #tpu.memory_space<hbm>>
        %dma_wait3A_81 = tpu.memref_slice %arg4[%add3A_58] : memref<9437184xf32, #tpu.memory_space<hbm>> -> memref<2048xf32, #tpu.memory_space<hbm>>
        %dma_wait3A_82 = arith.constant 6144 : i32
        %dma_wait3A_83 = tpu.memref_slice %arg8[%dma_wait3A_82] : memref<18432xf32, #tpu.memory_space<vmem>> -> memref<2048xf32, #tpu.memory_space<vmem>>
        tpu.wait_dma2 semaphore(%run_scoped3A : memref<!tpu.dma_semaphore, #tpu.memory_space<semaphore_mem>>) src(%dma_wait3A_83 : memref<2048xf32, #tpu.memory_space<vmem>>) dst(%dma_wait3A_81 : memref<2048xf32, #tpu.memory_space<hbm>>)
        tpu.yield
      }) : () -> ()
      %add3A_59 = arith.constant 1048576 : i32
      %add3A_60 = arith.addi %add3A_26, %add3A_59 : i32
      %add3A_61 = arith.addi %add3A_60, %mul3A_34 : i32
      "tpu.region"() ({
        %run_scoped3A = tpu.sem_alloc : memref<!tpu.dma_semaphore, #tpu.memory_space<semaphore_mem>>
        %dma_start3A = arith.constant 8192 : i32
        %dma_start3A_74 = tpu.memref_slice %arg8[%dma_start3A] : memref<18432xf32, #tpu.memory_space<vmem>> -> memref<2048xf32, #tpu.memory_space<vmem>>
        %dma_start3A_75 = tpu.memref_slice %arg4[%add3A_61] : memref<9437184xf32, #tpu.memory_space<hbm>> -> memref<2048xf32, #tpu.memory_space<hbm>>
        %dma_start3A_76 = tpu.memref_slice %arg4[%add3A_61] : memref<9437184xf32, #tpu.memory_space<hbm>> -> memref<2048xf32, #tpu.memory_space<hbm>>
        %dma_start3A_77 = arith.constant 8192 : i32
        %dma_start3A_78 = tpu.memref_slice %arg8[%dma_start3A_77] : memref<18432xf32, #tpu.memory_space<vmem>> -> memref<2048xf32, #tpu.memory_space<vmem>>
        tpu.enqueue_dma source(%dma_start3A_78 : memref<2048xf32, #tpu.memory_space<vmem>>) target(%dma_start3A_76 : memref<2048xf32, #tpu.memory_space<hbm>>) target_semaphore(%run_scoped3A : memref<!tpu.dma_semaphore, #tpu.memory_space<semaphore_mem>>)
        %dma_wait3A = arith.constant 8192 : i32
        %dma_wait3A_79 = tpu.memref_slice %arg8[%dma_wait3A] : memref<18432xf32, #tpu.memory_space<vmem>> -> memref<2048xf32, #tpu.memory_space<vmem>>
        %dma_wait3A_80 = tpu.memref_slice %arg4[%add3A_61] : memref<9437184xf32, #tpu.memory_space<hbm>> -> memref<2048xf32, #tpu.memory_space<hbm>>
        %dma_wait3A_81 = tpu.memref_slice %arg4[%add3A_61] : memref<9437184xf32, #tpu.memory_space<hbm>> -> memref<2048xf32, #tpu.memory_space<hbm>>
        %dma_wait3A_82 = arith.constant 8192 : i32
        %dma_wait3A_83 = tpu.memref_slice %arg8[%dma_wait3A_82] : memref<18432xf32, #tpu.memory_space<vmem>> -> memref<2048xf32, #tpu.memory_space<vmem>>
        tpu.wait_dma2 semaphore(%run_scoped3A : memref<!tpu.dma_semaphore, #tpu.memory_space<semaphore_mem>>) src(%dma_wait3A_83 : memref<2048xf32, #tpu.memory_space<vmem>>) dst(%dma_wait3A_81 : memref<2048xf32, #tpu.memory_space<hbm>>)
        tpu.yield
      }) : () -> ()
      %add3A_62 = arith.constant 1310720 : i32
      %add3A_63 = arith.addi %add3A_26, %add3A_62 : i32
      %add3A_64 = arith.addi %add3A_63, %mul3A_34 : i32
      "tpu.region"() ({
        %run_scoped3A = tpu.sem_alloc : memref<!tpu.dma_semaphore, #tpu.memory_space<semaphore_mem>>
        %dma_start3A = arith.constant 10240 : i32
        %dma_start3A_74 = tpu.memref_slice %arg8[%dma_start3A] : memref<18432xf32, #tpu.memory_space<vmem>> -> memref<2048xf32, #tpu.memory_space<vmem>>
        %dma_start3A_75 = tpu.memref_slice %arg4[%add3A_64] : memref<9437184xf32, #tpu.memory_space<hbm>> -> memref<2048xf32, #tpu.memory_space<hbm>>
        %dma_start3A_76 = tpu.memref_slice %arg4[%add3A_64] : memref<9437184xf32, #tpu.memory_space<hbm>> -> memref<2048xf32, #tpu.memory_space<hbm>>
        %dma_start3A_77 = arith.constant 10240 : i32
        %dma_start3A_78 = tpu.memref_slice %arg8[%dma_start3A_77] : memref<18432xf32, #tpu.memory_space<vmem>> -> memref<2048xf32, #tpu.memory_space<vmem>>
        tpu.enqueue_dma source(%dma_start3A_78 : memref<2048xf32, #tpu.memory_space<vmem>>) target(%dma_start3A_76 : memref<2048xf32, #tpu.memory_space<hbm>>) target_semaphore(%run_scoped3A : memref<!tpu.dma_semaphore, #tpu.memory_space<semaphore_mem>>)
        %dma_wait3A = arith.constant 10240 : i32
        %dma_wait3A_79 = tpu.memref_slice %arg8[%dma_wait3A] : memref<18432xf32, #tpu.memory_space<vmem>> -> memref<2048xf32, #tpu.memory_space<vmem>>
        %dma_wait3A_80 = tpu.memref_slice %arg4[%add3A_64] : memref<9437184xf32, #tpu.memory_space<hbm>> -> memref<2048xf32, #tpu.memory_space<hbm>>
        %dma_wait3A_81 = tpu.memref_slice %arg4[%add3A_64] : memref<9437184xf32, #tpu.memory_space<hbm>> -> memref<2048xf32, #tpu.memory_space<hbm>>
        %dma_wait3A_82 = arith.constant 10240 : i32
        %dma_wait3A_83 = tpu.memref_slice %arg8[%dma_wait3A_82] : memref<18432xf32, #tpu.memory_space<vmem>> -> memref<2048xf32, #tpu.memory_space<vmem>>
        tpu.wait_dma2 semaphore(%run_scoped3A : memref<!tpu.dma_semaphore, #tpu.memory_space<semaphore_mem>>) src(%dma_wait3A_83 : memref<2048xf32, #tpu.memory_space<vmem>>) dst(%dma_wait3A_81 : memref<2048xf32, #tpu.memory_space<hbm>>)
        tpu.yield
      }) : () -> ()
      %add3A_65 = arith.constant 1572864 : i32
      %add3A_66 = arith.addi %add3A_26, %add3A_65 : i32
      %add3A_67 = arith.addi %add3A_66, %mul3A_34 : i32
      "tpu.region"() ({
        %run_scoped3A = tpu.sem_alloc : memref<!tpu.dma_semaphore, #tpu.memory_space<semaphore_mem>>
        %dma_start3A = arith.constant 12288 : i32
        %dma_start3A_74 = tpu.memref_slice %arg8[%dma_start3A] : memref<18432xf32, #tpu.memory_space<vmem>> -> memref<2048xf32, #tpu.memory_space<vmem>>
        %dma_start3A_75 = tpu.memref_slice %arg4[%add3A_67] : memref<9437184xf32, #tpu.memory_space<hbm>> -> memref<2048xf32, #tpu.memory_space<hbm>>
        %dma_start3A_76 = tpu.memref_slice %arg4[%add3A_67] : memref<9437184xf32, #tpu.memory_space<hbm>> -> memref<2048xf32, #tpu.memory_space<hbm>>
        %dma_start3A_77 = arith.constant 12288 : i32
        %dma_start3A_78 = tpu.memref_slice %arg8[%dma_start3A_77] : memref<18432xf32, #tpu.memory_space<vmem>> -> memref<2048xf32, #tpu.memory_space<vmem>>
        tpu.enqueue_dma source(%dma_start3A_78 : memref<2048xf32, #tpu.memory_space<vmem>>) target(%dma_start3A_76 : memref<2048xf32, #tpu.memory_space<hbm>>) target_semaphore(%run_scoped3A : memref<!tpu.dma_semaphore, #tpu.memory_space<semaphore_mem>>)
        %dma_wait3A = arith.constant 12288 : i32
        %dma_wait3A_79 = tpu.memref_slice %arg8[%dma_wait3A] : memref<18432xf32, #tpu.memory_space<vmem>> -> memref<2048xf32, #tpu.memory_space<vmem>>
        %dma_wait3A_80 = tpu.memref_slice %arg4[%add3A_67] : memref<9437184xf32, #tpu.memory_space<hbm>> -> memref<2048xf32, #tpu.memory_space<hbm>>
        %dma_wait3A_81 = tpu.memref_slice %arg4[%add3A_67] : memref<9437184xf32, #tpu.memory_space<hbm>> -> memref<2048xf32, #tpu.memory_space<hbm>>
        %dma_wait3A_82 = arith.constant 12288 : i32
        %dma_wait3A_83 = tpu.memref_slice %arg8[%dma_wait3A_82] : memref<18432xf32, #tpu.memory_space<vmem>> -> memref<2048xf32, #tpu.memory_space<vmem>>
        tpu.wait_dma2 semaphore(%run_scoped3A : memref<!tpu.dma_semaphore, #tpu.memory_space<semaphore_mem>>) src(%dma_wait3A_83 : memref<2048xf32, #tpu.memory_space<vmem>>) dst(%dma_wait3A_81 : memref<2048xf32, #tpu.memory_space<hbm>>)
        tpu.yield
      }) : () -> ()
      %add3A_68 = arith.constant 1835008 : i32
      %add3A_69 = arith.addi %add3A_26, %add3A_68 : i32
      %add3A_70 = arith.addi %add3A_69, %mul3A_34 : i32
      "tpu.region"() ({
        %run_scoped3A = tpu.sem_alloc : memref<!tpu.dma_semaphore, #tpu.memory_space<semaphore_mem>>
        %dma_start3A = arith.constant 14336 : i32
        %dma_start3A_74 = tpu.memref_slice %arg8[%dma_start3A] : memref<18432xf32, #tpu.memory_space<vmem>> -> memref<2048xf32, #tpu.memory_space<vmem>>
        %dma_start3A_75 = tpu.memref_slice %arg4[%add3A_70] : memref<9437184xf32, #tpu.memory_space<hbm>> -> memref<2048xf32, #tpu.memory_space<hbm>>
        %dma_start3A_76 = tpu.memref_slice %arg4[%add3A_70] : memref<9437184xf32, #tpu.memory_space<hbm>> -> memref<2048xf32, #tpu.memory_space<hbm>>
        %dma_start3A_77 = arith.constant 14336 : i32
        %dma_start3A_78 = tpu.memref_slice %arg8[%dma_start3A_77] : memref<18432xf32, #tpu.memory_space<vmem>> -> memref<2048xf32, #tpu.memory_space<vmem>>
        tpu.enqueue_dma source(%dma_start3A_78 : memref<2048xf32, #tpu.memory_space<vmem>>) target(%dma_start3A_76 : memref<2048xf32, #tpu.memory_space<hbm>>) target_semaphore(%run_scoped3A : memref<!tpu.dma_semaphore, #tpu.memory_space<semaphore_mem>>)
        %dma_wait3A = arith.constant 14336 : i32
        %dma_wait3A_79 = tpu.memref_slice %arg8[%dma_wait3A] : memref<18432xf32, #tpu.memory_space<vmem>> -> memref<2048xf32, #tpu.memory_space<vmem>>
        %dma_wait3A_80 = tpu.memref_slice %arg4[%add3A_70] : memref<9437184xf32, #tpu.memory_space<hbm>> -> memref<2048xf32, #tpu.memory_space<hbm>>
        %dma_wait3A_81 = tpu.memref_slice %arg4[%add3A_70] : memref<9437184xf32, #tpu.memory_space<hbm>> -> memref<2048xf32, #tpu.memory_space<hbm>>
        %dma_wait3A_82 = arith.constant 14336 : i32
        %dma_wait3A_83 = tpu.memref_slice %arg8[%dma_wait3A_82] : memref<18432xf32, #tpu.memory_space<vmem>> -> memref<2048xf32, #tpu.memory_space<vmem>>
        tpu.wait_dma2 semaphore(%run_scoped3A : memref<!tpu.dma_semaphore, #tpu.memory_space<semaphore_mem>>) src(%dma_wait3A_83 : memref<2048xf32, #tpu.memory_space<vmem>>) dst(%dma_wait3A_81 : memref<2048xf32, #tpu.memory_space<hbm>>)
        tpu.yield
      }) : () -> ()
      %add3A_71 = arith.constant 2097152 : i32
      %add3A_72 = arith.addi %add3A_26, %add3A_71 : i32
      %add3A_73 = arith.addi %add3A_72, %mul3A_34 : i32
      "tpu.region"() ({
        %run_scoped3A = tpu.sem_alloc : memref<!tpu.dma_semaphore, #tpu.memory_space<semaphore_mem>>
        %dma_start3A = arith.constant 16384 : i32
        %dma_start3A_74 = tpu.memref_slice %arg8[%dma_start3A] : memref<18432xf32, #tpu.memory_space<vmem>> -> memref<2048xf32, #tpu.memory_space<vmem>>
        %dma_start3A_75 = tpu.memref_slice %arg4[%add3A_73] : memref<9437184xf32, #tpu.memory_space<hbm>> -> memref<2048xf32, #tpu.memory_space<hbm>>
        %dma_start3A_76 = tpu.memref_slice %arg4[%add3A_73] : memref<9437184xf32, #tpu.memory_space<hbm>> -> memref<2048xf32, #tpu.memory_space<hbm>>
        %dma_start3A_77 = arith.constant 16384 : i32
        %dma_start3A_78 = tpu.memref_slice %arg8[%dma_start3A_77] : memref<18432xf32, #tpu.memory_space<vmem>> -> memref<2048xf32, #tpu.memory_space<vmem>>
        tpu.enqueue_dma source(%dma_start3A_78 : memref<2048xf32, #tpu.memory_space<vmem>>) target(%dma_start3A_76 : memref<2048xf32, #tpu.memory_space<hbm>>) target_semaphore(%run_scoped3A : memref<!tpu.dma_semaphore, #tpu.memory_space<semaphore_mem>>)
        %dma_wait3A = arith.constant 16384 : i32
        %dma_wait3A_79 = tpu.memref_slice %arg8[%dma_wait3A] : memref<18432xf32, #tpu.memory_space<vmem>> -> memref<2048xf32, #tpu.memory_space<vmem>>
        %dma_wait3A_80 = tpu.memref_slice %arg4[%add3A_73] : memref<9437184xf32, #tpu.memory_space<hbm>> -> memref<2048xf32, #tpu.memory_space<hbm>>
        %dma_wait3A_81 = tpu.memref_slice %arg4[%add3A_73] : memref<9437184xf32, #tpu.memory_space<hbm>> -> memref<2048xf32, #tpu.memory_space<hbm>>
        %dma_wait3A_82 = arith.constant 16384 : i32
        %dma_wait3A_83 = tpu.memref_slice %arg8[%dma_wait3A_82] : memref<18432xf32, #tpu.memory_space<vmem>> -> memref<2048xf32, #tpu.memory_space<vmem>>
        tpu.wait_dma2 semaphore(%run_scoped3A : memref<!tpu.dma_semaphore, #tpu.memory_space<semaphore_mem>>) src(%dma_wait3A_83 : memref<2048xf32, #tpu.memory_space<vmem>>) dst(%dma_wait3A_81 : memref<2048xf32, #tpu.memory_space<hbm>>)
        tpu.yield
      }) : () -> ()
    }
    %scan3A_31 = arith.constant 16 : i32
    return
  }
}

#map = affine_map<(d0, d1) -> (0)>
module attributes {stable_mosaic.version = 14 : i64} {
  func.func @_phase2(%arg0: i32, %arg1: i32, %arg2: memref<39936xi32, #tpu.memory_space<hbm>>, %arg3: memref<39936xf32, #tpu.memory_space<hbm>>, %arg4: memref<39936xi32, #tpu.memory_space<hbm>>, %arg5: memref<1048576xi32, #tpu.memory_space<hbm>>, %arg6: memref<32768xf32, #tpu.memory_space<vmem>>, %arg7: memref<32768xi32, #tpu.memory_space<vmem>>, %arg8: memref<2496xi32, #tpu.memory_space<vmem>>, %arg9: memref<2496xf32, #tpu.memory_space<vmem>>, %arg10: memref<2496xi32, #tpu.memory_space<vmem>>) attributes {dimension_semantics = [#tpu.dimension_semantics<core_parallel>, #tpu.dimension_semantics<subcore_parallel>], iteration_bounds = array<i64: 2, 16>, scalar_prefetch = 0 : i64, scratch_operands = 5 : i64, tpu.core_type = #tpu.core_type<sc_vector_subcore>, window_params = [{transform_indices = #map}, {transform_indices = #map}, {transform_indices = #map}, {transform_indices = #map}]} {
    %mul3A = arith.constant 2 : i32
    %mul3A_0 = arith.muli %arg1, %mul3A : i32
    %add3A = arith.addi %mul3A_0, %arg0 : i32
    %mul3A_1 = arith.constant 32768 : i32
    %mul3A_2 = arith.muli %add3A, %mul3A_1 : i32
    %broadcast_in_dim3A = arith.constant 1.000000e+06 : f32
    %broadcast_in_dim3A_3 = vector.broadcast %broadcast_in_dim3A : f32 to vector<16xf32>
    %broadcast_in_dim3A_4 = arith.constant -1 : i32
    %broadcast_in_dim3A_5 = vector.broadcast %broadcast_in_dim3A_4 : i32 to vector<16xi32>
    %scan3A = arith.constant 0 : i32
    %scan3A_6 = arith.constant 0 : i32
    %scan3A_7 = arith.constant 2048 : i32
    %scan3A_8 = arith.addi %scan3A_6, %scan3A_7 : i32
    %scan3A_9 = arith.constant 1 : i32
    scf.for %scan3A_17 = %scan3A_6 to %scan3A_8 step %scan3A_9  : i32 {
      %mul3A_18 = arith.constant 16 : i32
      %mul3A_19 = arith.muli %scan3A_17, %mul3A_18 : i32
      %swap3A = arith.index_cast %mul3A_19 : i32 to index
      %swap3A_20 = tpu.vector_load %arg6[%swap3A] {strides = array<i32>} : memref<32768xf32, #tpu.memory_space<vmem>>, vector<16xf32>,
      tpu.vector_store %arg6[%swap3A], %broadcast_in_dim3A_3 {strides = array<i32>} : memref<32768xf32, #tpu.memory_space<vmem>>, vector<16xf32>,
      %mul3A_21 = arith.constant 16 : i32
      %mul3A_22 = arith.muli %scan3A_17, %mul3A_21 : i32
      %swap3A_23 = arith.index_cast %mul3A_22 : i32 to index
      %swap3A_24 = tpu.vector_load %arg7[%swap3A_23] {strides = array<i32>} : memref<32768xi32, #tpu.memory_space<vmem>>, vector<16xi32>,
      tpu.vector_store %arg7[%swap3A_23], %broadcast_in_dim3A_5 {strides = array<i32>} : memref<32768xi32, #tpu.memory_space<vmem>>, vector<16xi32>,
    }
    %scan3A_10 = arith.constant 2048 : i32
    %scan3A_11 = arith.constant 0 : i32
    %scan3A_12 = arith.constant 0 : i32
    %scan3A_13 = arith.constant 16 : i32
    %scan3A_14 = arith.addi %scan3A_12, %scan3A_13 : i32
    %scan3A_15 = arith.constant 1 : i32
    scf.for %scan3A_17 = %scan3A_12 to %scan3A_14 step %scan3A_15  : i32 {
      %mul3A_18 = arith.constant 2496 : i32
      %mul3A_19 = arith.muli %scan3A_17, %mul3A_18 : i32
      "tpu.region"() ({
        %run_scoped3A = tpu.sem_alloc : memref<!tpu.dma_semaphore, #tpu.memory_space<semaphore_mem>>
        %dma_start3A = tpu.memref_slice %arg2[%mul3A_19] : memref<39936xi32, #tpu.memory_space<hbm>> -> memref<2496xi32, #tpu.memory_space<hbm>>
        %dma_start3A_26 = tpu.memref_slice %arg2[%mul3A_19] : memref<39936xi32, #tpu.memory_space<hbm>> -> memref<2496xi32, #tpu.memory_space<hbm>>
        tpu.enqueue_dma source(%dma_start3A_26 : memref<2496xi32, #tpu.memory_space<hbm>>) target(%arg8 : memref<2496xi32, #tpu.memory_space<vmem>>) target_semaphore(%run_scoped3A : memref<!tpu.dma_semaphore, #tpu.memory_space<semaphore_mem>>)
        %dma_wait3A = tpu.memref_slice %arg2[%mul3A_19] : memref<39936xi32, #tpu.memory_space<hbm>> -> memref<2496xi32, #tpu.memory_space<hbm>>
        %dma_wait3A_27 = tpu.memref_slice %arg2[%mul3A_19] : memref<39936xi32, #tpu.memory_space<hbm>> -> memref<2496xi32, #tpu.memory_space<hbm>>
        tpu.wait_dma2 semaphore(%run_scoped3A : memref<!tpu.dma_semaphore, #tpu.memory_space<semaphore_mem>>) src(%dma_wait3A_27 : memref<2496xi32, #tpu.memory_space<hbm>>) dst(%arg8 : memref<2496xi32, #tpu.memory_space<vmem>>)
        tpu.yield
      }) : () -> ()
      "tpu.region"() ({
        %run_scoped3A = tpu.sem_alloc : memref<!tpu.dma_semaphore, #tpu.memory_space<semaphore_mem>>
        %dma_start3A = tpu.memref_slice %arg3[%mul3A_19] : memref<39936xf32, #tpu.memory_space<hbm>> -> memref<2496xf32, #tpu.memory_space<hbm>>
        %dma_start3A_26 = tpu.memref_slice %arg3[%mul3A_19] : memref<39936xf32, #tpu.memory_space<hbm>> -> memref<2496xf32, #tpu.memory_space<hbm>>
        tpu.enqueue_dma source(%dma_start3A_26 : memref<2496xf32, #tpu.memory_space<hbm>>) target(%arg9 : memref<2496xf32, #tpu.memory_space<vmem>>) target_semaphore(%run_scoped3A : memref<!tpu.dma_semaphore, #tpu.memory_space<semaphore_mem>>)
        %dma_wait3A = tpu.memref_slice %arg3[%mul3A_19] : memref<39936xf32, #tpu.memory_space<hbm>> -> memref<2496xf32, #tpu.memory_space<hbm>>
        %dma_wait3A_27 = tpu.memref_slice %arg3[%mul3A_19] : memref<39936xf32, #tpu.memory_space<hbm>> -> memref<2496xf32, #tpu.memory_space<hbm>>
        tpu.wait_dma2 semaphore(%run_scoped3A : memref<!tpu.dma_semaphore, #tpu.memory_space<semaphore_mem>>) src(%dma_wait3A_27 : memref<2496xf32, #tpu.memory_space<hbm>>) dst(%arg9 : memref<2496xf32, #tpu.memory_space<vmem>>)
        tpu.yield
      }) : () -> ()
      "tpu.region"() ({
        %run_scoped3A = tpu.sem_alloc : memref<!tpu.dma_semaphore, #tpu.memory_space<semaphore_mem>>
        %dma_start3A = tpu.memref_slice %arg4[%mul3A_19] : memref<39936xi32, #tpu.memory_space<hbm>> -> memref<2496xi32, #tpu.memory_space<hbm>>
        %dma_start3A_26 = tpu.memref_slice %arg4[%mul3A_19] : memref<39936xi32, #tpu.memory_space<hbm>> -> memref<2496xi32, #tpu.memory_space<hbm>>
        tpu.enqueue_dma source(%dma_start3A_26 : memref<2496xi32, #tpu.memory_space<hbm>>) target(%arg10 : memref<2496xi32, #tpu.memory_space<vmem>>) target_semaphore(%run_scoped3A : memref<!tpu.dma_semaphore, #tpu.memory_space<semaphore_mem>>)
        %dma_wait3A = tpu.memref_slice %arg4[%mul3A_19] : memref<39936xi32, #tpu.memory_space<hbm>> -> memref<2496xi32, #tpu.memory_space<hbm>>
        %dma_wait3A_27 = tpu.memref_slice %arg4[%mul3A_19] : memref<39936xi32, #tpu.memory_space<hbm>> -> memref<2496xi32, #tpu.memory_space<hbm>>
        tpu.wait_dma2 semaphore(%run_scoped3A : memref<!tpu.dma_semaphore, #tpu.memory_space<semaphore_mem>>) src(%dma_wait3A_27 : memref<2496xi32, #tpu.memory_space<hbm>>) dst(%arg10 : memref<2496xi32, #tpu.memory_space<vmem>>)
        tpu.yield
      }) : () -> ()
      %scan3A_20 = arith.constant 0 : i32
      %scan3A_21 = arith.constant 0 : i32
      %scan3A_22 = arith.constant 156 : i32
      %scan3A_23 = arith.addi %scan3A_21, %scan3A_22 : i32
      %scan3A_24 = arith.constant 1 : i32
      scf.for %scan3A_26 = %scan3A_21 to %scan3A_23 step %scan3A_24  : i32 {
        %mul3A_27 = arith.constant 16 : i32
        %mul3A_28 = arith.muli %scan3A_26, %mul3A_27 : i32
        %get3A = arith.index_cast %mul3A_28 : i32 to index
        %get3A_29 = tpu.vector_load %arg8[%get3A] {strides = array<i32>} : memref<2496xi32, #tpu.memory_space<vmem>>, vector<16xi32>,
        %mul3A_30 = arith.constant 16 : i32
        %mul3A_31 = arith.muli %scan3A_26, %mul3A_30 : i32
        %get3A_32 = arith.index_cast %mul3A_31 : i32 to index
        %get3A_33 = tpu.vector_load %arg9[%get3A_32] {strides = array<i32>} : memref<2496xf32, #tpu.memory_space<vmem>>, vector<16xf32>,
        %mul3A_34 = arith.constant 16 : i32
        %mul3A_35 = arith.muli %scan3A_26, %mul3A_34 : i32
        %get3A_36 = arith.index_cast %mul3A_35 : i32 to index
        %get3A_37 = tpu.vector_load %arg10[%get3A_36] {strides = array<i32>} : memref<2496xi32, #tpu.memory_space<vmem>>, vector<16xi32>,
        %ge3A = vector.broadcast %mul3A_2 : i32 to vector<16xi32>
        %ge3A_38 = arith.cmpi sge, %get3A_29, %ge3A : vector<16xi32>
        %add3A_39 = arith.constant 32768 : i32
        %add3A_40 = arith.addi %mul3A_2, %add3A_39 : i32
        %lt3A = vector.broadcast %add3A_40 : i32 to vector<16xi32>
        %lt3A_41 = arith.cmpi slt, %get3A_29, %lt3A : vector<16xi32>
        %and3A = arith.andi %ge3A_38, %lt3A_41 : vector<16xi1>
        %sub3A = vector.broadcast %mul3A_2 : i32 to vector<16xi32>
        %sub3A_42 = arith.subi %get3A_29, %sub3A : vector<16xi32>
        %jit3A = arith.constant 0 : i32
        %broadcast_in_dim3A_43 = vector.broadcast %jit3A : i32 to vector<16xi32>
        %select_n3A = arith.select %and3A, %sub3A_42, %broadcast_in_dim3A_43 : vector<16xi1>, vector<16xi32>
        %gather3A = tpu.vector_load_idx %arg6[%select_n3A] : memref<32768xf32, #tpu.memory_space<vmem>>[vector<16xi32>], vector<16xf32>,
        %gather3A_44 = tpu.vector_load_idx %arg7[%select_n3A] : memref<32768xi32, #tpu.memory_space<vmem>>[vector<16xi32>], vector<16xi32>,
        %lt3A_45 = arith.cmpf olt, %get3A_33, %gather3A : vector<16xf32>
        %eq3A = arith.cmpf oeq, %get3A_33, %gather3A : vector<16xf32>
        %gt3A = arith.cmpi sgt, %get3A_37, %gather3A_44 : vector<16xi32>
        %and3A_46 = arith.andi %eq3A, %gt3A : vector<16xi1>
        %or3A = arith.ori %lt3A_45, %and3A_46 : vector<16xi1>
        %and3A_47 = arith.andi %and3A, %or3A : vector<16xi1>
        %while3A = scf.while (%while3A_48 = %and3A_47) : (vector<16xi1>) -> vector<16xi1> {
          %reduce_or3A = arith.constant 1.000000e+00 : f32
          %reduce_or3A_49 = arith.constant 0.000000e+00 : f32
          %reduce_or3A_50 = vector.broadcast %reduce_or3A : f32 to vector<16xf32>
          %reduce_or3A_51 = vector.broadcast %reduce_or3A_49 : f32 to vector<16xf32>
          %reduce_or3A_52 = arith.select %while3A_48, %reduce_or3A_50, %reduce_or3A_51 : vector<16xi1>, vector<16xf32>
          %reduce_or3A_53 = arith.constant true
          %reduce_or3A_54 = vector.broadcast %reduce_or3A_53 : i1 to vector<16xi1>
          %reduce_or3A_55 = tpu.scan <max>, %reduce_or3A_52 masked %reduce_or3A_54 : vector<16xf32>, vector<16xi1> -> vector<16xf32>
          %reduce_or3A_56 = vector.extract %reduce_or3A_55[15] : f32 from vector<16xf32>
          %reduce_or3A_57 = arith.constant 0.000000e+00 : f32
          %reduce_or3A_58 = arith.cmpf ogt, %reduce_or3A_56, %reduce_or3A_57 : f32
          scf.condition(%reduce_or3A_58) %while3A_48 : vector<16xi1>
        } do {
        ^bb0(%while3A_48: vector<16xi1>):
          tpu.vector_store_idx %arg6[%select_n3A], %get3A_33 masked %while3A_48 : memref<32768xf32, #tpu.memory_space<vmem>>[vector<16xi32>], vector<16xf32>, vector<16xi1>
          tpu.vector_store_idx %arg7[%select_n3A], %get3A_37 masked %while3A_48 : memref<32768xi32, #tpu.memory_space<vmem>>[vector<16xi32>], vector<16xi32>, vector<16xi1>
          %gather3A_49 = tpu.vector_load_idx %arg6[%select_n3A] : memref<32768xf32, #tpu.memory_space<vmem>>[vector<16xi32>], vector<16xf32>,
          %gather3A_50 = tpu.vector_load_idx %arg7[%select_n3A] : memref<32768xi32, #tpu.memory_space<vmem>>[vector<16xi32>], vector<16xi32>,
          %lt3A_51 = arith.cmpf olt, %get3A_33, %gather3A_49 : vector<16xf32>
          %eq3A_52 = arith.cmpf oeq, %get3A_33, %gather3A_49 : vector<16xf32>
          %gt3A_53 = arith.cmpi sgt, %get3A_37, %gather3A_50 : vector<16xi32>
          %and3A_54 = arith.andi %eq3A_52, %gt3A_53 : vector<16xi1>
          %or3A_55 = arith.ori %lt3A_51, %and3A_54 : vector<16xi1>
          %and3A_56 = arith.andi %and3A, %or3A_55 : vector<16xi1>
          scf.yield %and3A_56 : vector<16xi1>
        }
      }
      %scan3A_25 = arith.constant 156 : i32
    }
    %scan3A_16 = arith.constant 16 : i32
    "tpu.region"() ({
      %run_scoped3A = tpu.sem_alloc : memref<!tpu.dma_semaphore, #tpu.memory_space<semaphore_mem>>
      %dma_start3A = tpu.memref_slice %arg5[%mul3A_2] : memref<1048576xi32, #tpu.memory_space<hbm>> -> memref<32768xi32, #tpu.memory_space<hbm>>
      %dma_start3A_17 = tpu.memref_slice %arg5[%mul3A_2] : memref<1048576xi32, #tpu.memory_space<hbm>> -> memref<32768xi32, #tpu.memory_space<hbm>>
      tpu.enqueue_dma source(%arg7 : memref<32768xi32, #tpu.memory_space<vmem>>) target(%dma_start3A_17 : memref<32768xi32, #tpu.memory_space<hbm>>) target_semaphore(%run_scoped3A : memref<!tpu.dma_semaphore, #tpu.memory_space<semaphore_mem>>)
      %dma_wait3A = tpu.memref_slice %arg5[%mul3A_2] : memref<1048576xi32, #tpu.memory_space<hbm>> -> memref<32768xi32, #tpu.memory_space<hbm>>
      %dma_wait3A_18 = tpu.memref_slice %arg5[%mul3A_2] : memref<1048576xi32, #tpu.memory_space<hbm>> -> memref<32768xi32, #tpu.memory_space<hbm>>
      tpu.wait_dma2 semaphore(%run_scoped3A : memref<!tpu.dma_semaphore, #tpu.memory_space<semaphore_mem>>) src(%arg7 : memref<32768xi32, #tpu.memory_space<vmem>>) dst(%dma_wait3A_18 : memref<32768xi32, #tpu.memory_space<hbm>>)
      tpu.yield
    }) : () -> ()
    return
  }
}

#map = affine_map<(d0, d1) -> (0)>
module attributes {stable_mosaic.version = 14 : i64} {
  func.func @_phase1(%arg0: i32, %arg1: i32, %arg2: memref<39936xi32, #tpu.memory_space<hbm>>, %arg3: memref<39936xi32, #tpu.memory_space<hbm>>, %arg4: memref<39936xi32, #tpu.memory_space<hbm>>, %arg5: memref<20096xf32, #tpu.memory_space<hbm>>, %arg6: memref<20096xf32, #tpu.memory_space<hbm>>, %arg7: memref<20096xf32, #tpu.memory_space<hbm>>, %arg8: memref<958464xf32, #tpu.memory_space<hbm>>, %arg9: memref<39936xi32, #tpu.memory_space<hbm>>, %arg10: memref<39936xf32, #tpu.memory_space<hbm>>, %arg11: memref<39936xi32, #tpu.memory_space<hbm>>, %arg12: memref<638976xf32, #tpu.memory_space<hbm>>, %arg13: memref<1248xi32, #tpu.memory_space<vmem>>, %arg14: memref<1248xi32, #tpu.memory_space<vmem>>, %arg15: memref<1248xi32, #tpu.memory_space<vmem>>, %arg16: memref<20096xf32, #tpu.memory_space<vmem>>, %arg17: memref<20096xf32, #tpu.memory_space<vmem>>, %arg18: memref<20096xf32, #tpu.memory_space<vmem>>, %arg19: memref<29952xf32, #tpu.memory_space<vmem>>, %arg20: memref<19968xf32, #tpu.memory_space<vmem>>, %arg21: memref<1248xi32, #tpu.memory_space<vmem>>, %arg22: memref<1248xf32, #tpu.memory_space<vmem>>, %arg23: memref<1248xi32, #tpu.memory_space<vmem>>) attributes {dimension_semantics = [#tpu.dimension_semantics<core_parallel>, #tpu.dimension_semantics<subcore_parallel>], iteration_bounds = array<i64: 2, 16>, scalar_prefetch = 0 : i64, scratch_operands = 11 : i64, tpu.core_type = #tpu.core_type<sc_vector_subcore>, window_params = [{transform_indices = #map}, {transform_indices = #map}, {transform_indices = #map}, {transform_indices = #map}, {transform_indices = #map}, {transform_indices = #map}, {transform_indices = #map}, {transform_indices = #map}, {transform_indices = #map}, {transform_indices = #map}, {transform_indices = #map}]} {
    %mul3A = arith.constant 2 : i32
    %mul3A_0 = arith.muli %arg1, %mul3A : i32
    %add3A = arith.addi %mul3A_0, %arg0 : i32
    %mul3A_1 = arith.constant 1248 : i32
    %mul3A_2 = arith.muli %add3A, %mul3A_1 : i32
    "tpu.region"() ({
      %run_scoped3A = tpu.sem_alloc : memref<!tpu.dma_semaphore, #tpu.memory_space<semaphore_mem>>
      %dma_start3A = tpu.memref_slice %arg2[%mul3A_2] : memref<39936xi32, #tpu.memory_space<hbm>> -> memref<1248xi32, #tpu.memory_space<hbm>>
      %dma_start3A_68 = tpu.memref_slice %arg2[%mul3A_2] : memref<39936xi32, #tpu.memory_space<hbm>> -> memref<1248xi32, #tpu.memory_space<hbm>>
      tpu.enqueue_dma source(%dma_start3A_68 : memref<1248xi32, #tpu.memory_space<hbm>>) target(%arg13 : memref<1248xi32, #tpu.memory_space<vmem>>) target_semaphore(%run_scoped3A : memref<!tpu.dma_semaphore, #tpu.memory_space<semaphore_mem>>)
      %dma_wait3A = tpu.memref_slice %arg2[%mul3A_2] : memref<39936xi32, #tpu.memory_space<hbm>> -> memref<1248xi32, #tpu.memory_space<hbm>>
      %dma_wait3A_69 = tpu.memref_slice %arg2[%mul3A_2] : memref<39936xi32, #tpu.memory_space<hbm>> -> memref<1248xi32, #tpu.memory_space<hbm>>
      tpu.wait_dma2 semaphore(%run_scoped3A : memref<!tpu.dma_semaphore, #tpu.memory_space<semaphore_mem>>) src(%dma_wait3A_69 : memref<1248xi32, #tpu.memory_space<hbm>>) dst(%arg13 : memref<1248xi32, #tpu.memory_space<vmem>>)
      tpu.yield
    }) : () -> ()
    "tpu.region"() ({
      %run_scoped3A = tpu.sem_alloc : memref<!tpu.dma_semaphore, #tpu.memory_space<semaphore_mem>>
      %dma_start3A = tpu.memref_slice %arg3[%mul3A_2] : memref<39936xi32, #tpu.memory_space<hbm>> -> memref<1248xi32, #tpu.memory_space<hbm>>
      %dma_start3A_68 = tpu.memref_slice %arg3[%mul3A_2] : memref<39936xi32, #tpu.memory_space<hbm>> -> memref<1248xi32, #tpu.memory_space<hbm>>
      tpu.enqueue_dma source(%dma_start3A_68 : memref<1248xi32, #tpu.memory_space<hbm>>) target(%arg14 : memref<1248xi32, #tpu.memory_space<vmem>>) target_semaphore(%run_scoped3A : memref<!tpu.dma_semaphore, #tpu.memory_space<semaphore_mem>>)
      %dma_wait3A = tpu.memref_slice %arg3[%mul3A_2] : memref<39936xi32, #tpu.memory_space<hbm>> -> memref<1248xi32, #tpu.memory_space<hbm>>
      %dma_wait3A_69 = tpu.memref_slice %arg3[%mul3A_2] : memref<39936xi32, #tpu.memory_space<hbm>> -> memref<1248xi32, #tpu.memory_space<hbm>>
      tpu.wait_dma2 semaphore(%run_scoped3A : memref<!tpu.dma_semaphore, #tpu.memory_space<semaphore_mem>>) src(%dma_wait3A_69 : memref<1248xi32, #tpu.memory_space<hbm>>) dst(%arg14 : memref<1248xi32, #tpu.memory_space<vmem>>)
      tpu.yield
    }) : () -> ()
    "tpu.region"() ({
      %run_scoped3A = tpu.sem_alloc : memref<!tpu.dma_semaphore, #tpu.memory_space<semaphore_mem>>
      %dma_start3A = tpu.memref_slice %arg4[%mul3A_2] : memref<39936xi32, #tpu.memory_space<hbm>> -> memref<1248xi32, #tpu.memory_space<hbm>>
      %dma_start3A_68 = tpu.memref_slice %arg4[%mul3A_2] : memref<39936xi32, #tpu.memory_space<hbm>> -> memref<1248xi32, #tpu.memory_space<hbm>>
      tpu.enqueue_dma source(%dma_start3A_68 : memref<1248xi32, #tpu.memory_space<hbm>>) target(%arg15 : memref<1248xi32, #tpu.memory_space<vmem>>) target_semaphore(%run_scoped3A : memref<!tpu.dma_semaphore, #tpu.memory_space<semaphore_mem>>)
      %dma_wait3A = tpu.memref_slice %arg4[%mul3A_2] : memref<39936xi32, #tpu.memory_space<hbm>> -> memref<1248xi32, #tpu.memory_space<hbm>>
      %dma_wait3A_69 = tpu.memref_slice %arg4[%mul3A_2] : memref<39936xi32, #tpu.memory_space<hbm>> -> memref<1248xi32, #tpu.memory_space<hbm>>
      tpu.wait_dma2 semaphore(%run_scoped3A : memref<!tpu.dma_semaphore, #tpu.memory_space<semaphore_mem>>) src(%dma_wait3A_69 : memref<1248xi32, #tpu.memory_space<hbm>>) dst(%arg15 : memref<1248xi32, #tpu.memory_space<vmem>>)
      tpu.yield
    }) : () -> ()
    "tpu.region"() ({
      %run_scoped3A = tpu.sem_alloc : memref<!tpu.dma_semaphore, #tpu.memory_space<semaphore_mem>>
      tpu.enqueue_dma source(%arg5 : memref<20096xf32, #tpu.memory_space<hbm>>) target(%arg16 : memref<20096xf32, #tpu.memory_space<vmem>>) target_semaphore(%run_scoped3A : memref<!tpu.dma_semaphore, #tpu.memory_space<semaphore_mem>>)
      tpu.wait_dma2 semaphore(%run_scoped3A : memref<!tpu.dma_semaphore, #tpu.memory_space<semaphore_mem>>) src(%arg5 : memref<20096xf32, #tpu.memory_space<hbm>>) dst(%arg16 : memref<20096xf32, #tpu.memory_space<vmem>>)
      tpu.yield
    }) : () -> ()
    "tpu.region"() ({
      %run_scoped3A = tpu.sem_alloc : memref<!tpu.dma_semaphore, #tpu.memory_space<semaphore_mem>>
      tpu.enqueue_dma source(%arg6 : memref<20096xf32, #tpu.memory_space<hbm>>) target(%arg17 : memref<20096xf32, #tpu.memory_space<vmem>>) target_semaphore(%run_scoped3A : memref<!tpu.dma_semaphore, #tpu.memory_space<semaphore_mem>>)
      tpu.wait_dma2 semaphore(%run_scoped3A : memref<!tpu.dma_semaphore, #tpu.memory_space<semaphore_mem>>) src(%arg6 : memref<20096xf32, #tpu.memory_space<hbm>>) dst(%arg17 : memref<20096xf32, #tpu.memory_space<vmem>>)
      tpu.yield
    }) : () -> ()
    "tpu.region"() ({
      %run_scoped3A = tpu.sem_alloc : memref<!tpu.dma_semaphore, #tpu.memory_space<semaphore_mem>>
      tpu.enqueue_dma source(%arg7 : memref<20096xf32, #tpu.memory_space<hbm>>) target(%arg18 : memref<20096xf32, #tpu.memory_space<vmem>>) target_semaphore(%run_scoped3A : memref<!tpu.dma_semaphore, #tpu.memory_space<semaphore_mem>>)
      tpu.wait_dma2 semaphore(%run_scoped3A : memref<!tpu.dma_semaphore, #tpu.memory_space<semaphore_mem>>) src(%arg7 : memref<20096xf32, #tpu.memory_space<hbm>>) dst(%arg18 : memref<20096xf32, #tpu.memory_space<vmem>>)
      tpu.yield
    }) : () -> ()
    %add3A_3 = arith.constant 0 : i32
    %add3A_4 = arith.addi %add3A_3, %mul3A_2 : i32
    "tpu.region"() ({
      %run_scoped3A = tpu.sem_alloc : memref<!tpu.dma_semaphore, #tpu.memory_space<semaphore_mem>>
      %dma_start3A = arith.constant 0 : i32
      %dma_start3A_68 = tpu.memref_slice %arg19[%dma_start3A] : memref<29952xf32, #tpu.memory_space<vmem>> -> memref<1248xf32, #tpu.memory_space<vmem>>
      %dma_start3A_69 = tpu.memref_slice %arg8[%add3A_4] : memref<958464xf32, #tpu.memory_space<hbm>> -> memref<1248xf32, #tpu.memory_space<hbm>>
      %dma_start3A_70 = arith.constant 0 : i32
      %dma_start3A_71 = tpu.memref_slice %arg19[%dma_start3A_70] : memref<29952xf32, #tpu.memory_space<vmem>> -> memref<1248xf32, #tpu.memory_space<vmem>>
      %dma_start3A_72 = tpu.memref_slice %arg8[%add3A_4] : memref<958464xf32, #tpu.memory_space<hbm>> -> memref<1248xf32, #tpu.memory_space<hbm>>
      tpu.enqueue_dma source(%dma_start3A_72 : memref<1248xf32, #tpu.memory_space<hbm>>) target(%dma_start3A_71 : memref<1248xf32, #tpu.memory_space<vmem>>) target_semaphore(%run_scoped3A : memref<!tpu.dma_semaphore, #tpu.memory_space<semaphore_mem>>)
      %dma_wait3A = arith.constant 0 : i32
      %dma_wait3A_73 = tpu.memref_slice %arg19[%dma_wait3A] : memref<29952xf32, #tpu.memory_space<vmem>> -> memref<1248xf32, #tpu.memory_space<vmem>>
      %dma_wait3A_74 = tpu.memref_slice %arg8[%add3A_4] : memref<958464xf32, #tpu.memory_space<hbm>> -> memref<1248xf32, #tpu.memory_space<hbm>>
      %dma_wait3A_75 = arith.constant 0 : i32
      %dma_wait3A_76 = tpu.memref_slice %arg19[%dma_wait3A_75] : memref<29952xf32, #tpu.memory_space<vmem>> -> memref<1248xf32, #tpu.memory_space<vmem>>
      %dma_wait3A_77 = tpu.memref_slice %arg8[%add3A_4] : memref<958464xf32, #tpu.memory_space<hbm>> -> memref<1248xf32, #tpu.memory_space<hbm>>
      tpu.wait_dma2 semaphore(%run_scoped3A : memref<!tpu.dma_semaphore, #tpu.memory_space<semaphore_mem>>) src(%dma_wait3A_77 : memref<1248xf32, #tpu.memory_space<hbm>>) dst(%dma_wait3A_76 : memref<1248xf32, #tpu.memory_space<vmem>>)
      tpu.yield
    }) : () -> ()
    %add3A_5 = arith.constant 39936 : i32
    %add3A_6 = arith.addi %add3A_5, %mul3A_2 : i32
    "tpu.region"() ({
      %run_scoped3A = tpu.sem_alloc : memref<!tpu.dma_semaphore, #tpu.memory_space<semaphore_mem>>
      %dma_start3A = arith.constant 1248 : i32
      %dma_start3A_68 = tpu.memref_slice %arg19[%dma_start3A] : memref<29952xf32, #tpu.memory_space<vmem>> -> memref<1248xf32, #tpu.memory_space<vmem>>
      %dma_start3A_69 = tpu.memref_slice %arg8[%add3A_6] : memref<958464xf32, #tpu.memory_space<hbm>> -> memref<1248xf32, #tpu.memory_space<hbm>>
      %dma_start3A_70 = arith.constant 1248 : i32
      %dma_start3A_71 = tpu.memref_slice %arg19[%dma_start3A_70] : memref<29952xf32, #tpu.memory_space<vmem>> -> memref<1248xf32, #tpu.memory_space<vmem>>
      %dma_start3A_72 = tpu.memref_slice %arg8[%add3A_6] : memref<958464xf32, #tpu.memory_space<hbm>> -> memref<1248xf32, #tpu.memory_space<hbm>>
      tpu.enqueue_dma source(%dma_start3A_72 : memref<1248xf32, #tpu.memory_space<hbm>>) target(%dma_start3A_71 : memref<1248xf32, #tpu.memory_space<vmem>>) target_semaphore(%run_scoped3A : memref<!tpu.dma_semaphore, #tpu.memory_space<semaphore_mem>>)
      %dma_wait3A = arith.constant 1248 : i32
      %dma_wait3A_73 = tpu.memref_slice %arg19[%dma_wait3A] : memref<29952xf32, #tpu.memory_space<vmem>> -> memref<1248xf32, #tpu.memory_space<vmem>>
      %dma_wait3A_74 = tpu.memref_slice %arg8[%add3A_6] : memref<958464xf32, #tpu.memory_space<hbm>> -> memref<1248xf32, #tpu.memory_space<hbm>>
      %dma_wait3A_75 = arith.constant 1248 : i32
      %dma_wait3A_76 = tpu.memref_slice %arg19[%dma_wait3A_75] : memref<29952xf32, #tpu.memory_space<vmem>> -> memref<1248xf32, #tpu.memory_space<vmem>>
      %dma_wait3A_77 = tpu.memref_slice %arg8[%add3A_6] : memref<958464xf32, #tpu.memory_space<hbm>> -> memref<1248xf32, #tpu.memory_space<hbm>>
      tpu.wait_dma2 semaphore(%run_scoped3A : memref<!tpu.dma_semaphore, #tpu.memory_space<semaphore_mem>>) src(%dma_wait3A_77 : memref<1248xf32, #tpu.memory_space<hbm>>) dst(%dma_wait3A_76 : memref<1248xf32, #tpu.memory_space<vmem>>)
      tpu.yield
    }) : () -> ()
    %add3A_7 = arith.constant 79872 : i32
    %add3A_8 = arith.addi %add3A_7, %mul3A_2 : i32
    "tpu.region"() ({
      %run_scoped3A = tpu.sem_alloc : memref<!tpu.dma_semaphore, #tpu.memory_space<semaphore_mem>>
      %dma_start3A = arith.constant 2496 : i32
      %dma_start3A_68 = tpu.memref_slice %arg19[%dma_start3A] : memref<29952xf32, #tpu.memory_space<vmem>> -> memref<1248xf32, #tpu.memory_space<vmem>>
      %dma_start3A_69 = tpu.memref_slice %arg8[%add3A_8] : memref<958464xf32, #tpu.memory_space<hbm>> -> memref<1248xf32, #tpu.memory_space<hbm>>
      %dma_start3A_70 = arith.constant 2496 : i32
      %dma_start3A_71 = tpu.memref_slice %arg19[%dma_start3A_70] : memref<29952xf32, #tpu.memory_space<vmem>> -> memref<1248xf32, #tpu.memory_space<vmem>>
      %dma_start3A_72 = tpu.memref_slice %arg8[%add3A_8] : memref<958464xf32, #tpu.memory_space<hbm>> -> memref<1248xf32, #tpu.memory_space<hbm>>
      tpu.enqueue_dma source(%dma_start3A_72 : memref<1248xf32, #tpu.memory_space<hbm>>) target(%dma_start3A_71 : memref<1248xf32, #tpu.memory_space<vmem>>) target_semaphore(%run_scoped3A : memref<!tpu.dma_semaphore, #tpu.memory_space<semaphore_mem>>)
      %dma_wait3A = arith.constant 2496 : i32
      %dma_wait3A_73 = tpu.memref_slice %arg19[%dma_wait3A] : memref<29952xf32, #tpu.memory_space<vmem>> -> memref<1248xf32, #tpu.memory_space<vmem>>
      %dma_wait3A_74 = tpu.memref_slice %arg8[%add3A_8] : memref<958464xf32, #tpu.memory_space<hbm>> -> memref<1248xf32, #tpu.memory_space<hbm>>
      %dma_wait3A_75 = arith.constant 2496 : i32
      %dma_wait3A_76 = tpu.memref_slice %arg19[%dma_wait3A_75] : memref<29952xf32, #tpu.memory_space<vmem>> -> memref<1248xf32, #tpu.memory_space<vmem>>
      %dma_wait3A_77 = tpu.memref_slice %arg8[%add3A_8] : memref<958464xf32, #tpu.memory_space<hbm>> -> memref<1248xf32, #tpu.memory_space<hbm>>
      tpu.wait_dma2 semaphore(%run_scoped3A : memref<!tpu.dma_semaphore, #tpu.memory_space<semaphore_mem>>) src(%dma_wait3A_77 : memref<1248xf32, #tpu.memory_space<hbm>>) dst(%dma_wait3A_76 : memref<1248xf32, #tpu.memory_space<vmem>>)
      tpu.yield
    }) : () -> ()
    %add3A_9 = arith.constant 119808 : i32
    %add3A_10 = arith.addi %add3A_9, %mul3A_2 : i32
    "tpu.region"() ({
      %run_scoped3A = tpu.sem_alloc : memref<!tpu.dma_semaphore, #tpu.memory_space<semaphore_mem>>
      %dma_start3A = arith.constant 3744 : i32
      %dma_start3A_68 = tpu.memref_slice %arg19[%dma_start3A] : memref<29952xf32, #tpu.memory_space<vmem>> -> memref<1248xf32, #tpu.memory_space<vmem>>
      %dma_start3A_69 = tpu.memref_slice %arg8[%add3A_10] : memref<958464xf32, #tpu.memory_space<hbm>> -> memref<1248xf32, #tpu.memory_space<hbm>>
      %dma_start3A_70 = arith.constant 3744 : i32
      %dma_start3A_71 = tpu.memref_slice %arg19[%dma_start3A_70] : memref<29952xf32, #tpu.memory_space<vmem>> -> memref<1248xf32, #tpu.memory_space<vmem>>
      %dma_start3A_72 = tpu.memref_slice %arg8[%add3A_10] : memref<958464xf32, #tpu.memory_space<hbm>> -> memref<1248xf32, #tpu.memory_space<hbm>>
      tpu.enqueue_dma source(%dma_start3A_72 : memref<1248xf32, #tpu.memory_space<hbm>>) target(%dma_start3A_71 : memref<1248xf32, #tpu.memory_space<vmem>>) target_semaphore(%run_scoped3A : memref<!tpu.dma_semaphore, #tpu.memory_space<semaphore_mem>>)
      %dma_wait3A = arith.constant 3744 : i32
      %dma_wait3A_73 = tpu.memref_slice %arg19[%dma_wait3A] : memref<29952xf32, #tpu.memory_space<vmem>> -> memref<1248xf32, #tpu.memory_space<vmem>>
      %dma_wait3A_74 = tpu.memref_slice %arg8[%add3A_10] : memref<958464xf32, #tpu.memory_space<hbm>> -> memref<1248xf32, #tpu.memory_space<hbm>>
      %dma_wait3A_75 = arith.constant 3744 : i32
      %dma_wait3A_76 = tpu.memref_slice %arg19[%dma_wait3A_75] : memref<29952xf32, #tpu.memory_space<vmem>> -> memref<1248xf32, #tpu.memory_space<vmem>>
      %dma_wait3A_77 = tpu.memref_slice %arg8[%add3A_10] : memref<958464xf32, #tpu.memory_space<hbm>> -> memref<1248xf32, #tpu.memory_space<hbm>>
      tpu.wait_dma2 semaphore(%run_scoped3A : memref<!tpu.dma_semaphore, #tpu.memory_space<semaphore_mem>>) src(%dma_wait3A_77 : memref<1248xf32, #tpu.memory_space<hbm>>) dst(%dma_wait3A_76 : memref<1248xf32, #tpu.memory_space<vmem>>)
      tpu.yield
    }) : () -> ()
    %add3A_11 = arith.constant 159744 : i32
    %add3A_12 = arith.addi %add3A_11, %mul3A_2 : i32
    "tpu.region"() ({
      %run_scoped3A = tpu.sem_alloc : memref<!tpu.dma_semaphore, #tpu.memory_space<semaphore_mem>>
      %dma_start3A = arith.constant 4992 : i32
      %dma_start3A_68 = tpu.memref_slice %arg19[%dma_start3A] : memref<29952xf32, #tpu.memory_space<vmem>> -> memref<1248xf32, #tpu.memory_space<vmem>>
      %dma_start3A_69 = tpu.memref_slice %arg8[%add3A_12] : memref<958464xf32, #tpu.memory_space<hbm>> -> memref<1248xf32, #tpu.memory_space<hbm>>
      %dma_start3A_70 = arith.constant 4992 : i32
      %dma_start3A_71 = tpu.memref_slice %arg19[%dma_start3A_70] : memref<29952xf32, #tpu.memory_space<vmem>> -> memref<1248xf32, #tpu.memory_space<vmem>>
      %dma_start3A_72 = tpu.memref_slice %arg8[%add3A_12] : memref<958464xf32, #tpu.memory_space<hbm>> -> memref<1248xf32, #tpu.memory_space<hbm>>
      tpu.enqueue_dma source(%dma_start3A_72 : memref<1248xf32, #tpu.memory_space<hbm>>) target(%dma_start3A_71 : memref<1248xf32, #tpu.memory_space<vmem>>) target_semaphore(%run_scoped3A : memref<!tpu.dma_semaphore, #tpu.memory_space<semaphore_mem>>)
      %dma_wait3A = arith.constant 4992 : i32
      %dma_wait3A_73 = tpu.memref_slice %arg19[%dma_wait3A] : memref<29952xf32, #tpu.memory_space<vmem>> -> memref<1248xf32, #tpu.memory_space<vmem>>
      %dma_wait3A_74 = tpu.memref_slice %arg8[%add3A_12] : memref<958464xf32, #tpu.memory_space<hbm>> -> memref<1248xf32, #tpu.memory_space<hbm>>
      %dma_wait3A_75 = arith.constant 4992 : i32
      %dma_wait3A_76 = tpu.memref_slice %arg19[%dma_wait3A_75] : memref<29952xf32, #tpu.memory_space<vmem>> -> memref<1248xf32, #tpu.memory_space<vmem>>
      %dma_wait3A_77 = tpu.memref_slice %arg8[%add3A_12] : memref<958464xf32, #tpu.memory_space<hbm>> -> memref<1248xf32, #tpu.memory_space<hbm>>
      tpu.wait_dma2 semaphore(%run_scoped3A : memref<!tpu.dma_semaphore, #tpu.memory_space<semaphore_mem>>) src(%dma_wait3A_77 : memref<1248xf32, #tpu.memory_space<hbm>>) dst(%dma_wait3A_76 : memref<1248xf32, #tpu.memory_space<vmem>>)
      tpu.yield
    }) : () -> ()
    %add3A_13 = arith.constant 199680 : i32
    %add3A_14 = arith.addi %add3A_13, %mul3A_2 : i32
    "tpu.region"() ({
      %run_scoped3A = tpu.sem_alloc : memref<!tpu.dma_semaphore, #tpu.memory_space<semaphore_mem>>
      %dma_start3A = arith.constant 6240 : i32
      %dma_start3A_68 = tpu.memref_slice %arg19[%dma_start3A] : memref<29952xf32, #tpu.memory_space<vmem>> -> memref<1248xf32, #tpu.memory_space<vmem>>
      %dma_start3A_69 = tpu.memref_slice %arg8[%add3A_14] : memref<958464xf32, #tpu.memory_space<hbm>> -> memref<1248xf32, #tpu.memory_space<hbm>>
      %dma_start3A_70 = arith.constant 6240 : i32
      %dma_start3A_71 = tpu.memref_slice %arg19[%dma_start3A_70] : memref<29952xf32, #tpu.memory_space<vmem>> -> memref<1248xf32, #tpu.memory_space<vmem>>
      %dma_start3A_72 = tpu.memref_slice %arg8[%add3A_14] : memref<958464xf32, #tpu.memory_space<hbm>> -> memref<1248xf32, #tpu.memory_space<hbm>>
      tpu.enqueue_dma source(%dma_start3A_72 : memref<1248xf32, #tpu.memory_space<hbm>>) target(%dma_start3A_71 : memref<1248xf32, #tpu.memory_space<vmem>>) target_semaphore(%run_scoped3A : memref<!tpu.dma_semaphore, #tpu.memory_space<semaphore_mem>>)
      %dma_wait3A = arith.constant 6240 : i32
      %dma_wait3A_73 = tpu.memref_slice %arg19[%dma_wait3A] : memref<29952xf32, #tpu.memory_space<vmem>> -> memref<1248xf32, #tpu.memory_space<vmem>>
      %dma_wait3A_74 = tpu.memref_slice %arg8[%add3A_14] : memref<958464xf32, #tpu.memory_space<hbm>> -> memref<1248xf32, #tpu.memory_space<hbm>>
      %dma_wait3A_75 = arith.constant 6240 : i32
      %dma_wait3A_76 = tpu.memref_slice %arg19[%dma_wait3A_75] : memref<29952xf32, #tpu.memory_space<vmem>> -> memref<1248xf32, #tpu.memory_space<vmem>>
      %dma_wait3A_77 = tpu.memref_slice %arg8[%add3A_14] : memref<958464xf32, #tpu.memory_space<hbm>> -> memref<1248xf32, #tpu.memory_space<hbm>>
      tpu.wait_dma2 semaphore(%run_scoped3A : memref<!tpu.dma_semaphore, #tpu.memory_space<semaphore_mem>>) src(%dma_wait3A_77 : memref<1248xf32, #tpu.memory_space<hbm>>) dst(%dma_wait3A_76 : memref<1248xf32, #tpu.memory_space<vmem>>)
      tpu.yield
    }) : () -> ()
    %add3A_15 = arith.constant 239616 : i32
    %add3A_16 = arith.addi %add3A_15, %mul3A_2 : i32
    "tpu.region"() ({
      %run_scoped3A = tpu.sem_alloc : memref<!tpu.dma_semaphore, #tpu.memory_space<semaphore_mem>>
      %dma_start3A = arith.constant 7488 : i32
      %dma_start3A_68 = tpu.memref_slice %arg19[%dma_start3A] : memref<29952xf32, #tpu.memory_space<vmem>> -> memref<1248xf32, #tpu.memory_space<vmem>>
      %dma_start3A_69 = tpu.memref_slice %arg8[%add3A_16] : memref<958464xf32, #tpu.memory_space<hbm>> -> memref<1248xf32, #tpu.memory_space<hbm>>
      %dma_start3A_70 = arith.constant 7488 : i32
      %dma_start3A_71 = tpu.memref_slice %arg19[%dma_start3A_70] : memref<29952xf32, #tpu.memory_space<vmem>> -> memref<1248xf32, #tpu.memory_space<vmem>>
      %dma_start3A_72 = tpu.memref_slice %arg8[%add3A_16] : memref<958464xf32, #tpu.memory_space<hbm>> -> memref<1248xf32, #tpu.memory_space<hbm>>
      tpu.enqueue_dma source(%dma_start3A_72 : memref<1248xf32, #tpu.memory_space<hbm>>) target(%dma_start3A_71 : memref<1248xf32, #tpu.memory_space<vmem>>) target_semaphore(%run_scoped3A : memref<!tpu.dma_semaphore, #tpu.memory_space<semaphore_mem>>)
      %dma_wait3A = arith.constant 7488 : i32
      %dma_wait3A_73 = tpu.memref_slice %arg19[%dma_wait3A] : memref<29952xf32, #tpu.memory_space<vmem>> -> memref<1248xf32, #tpu.memory_space<vmem>>
      %dma_wait3A_74 = tpu.memref_slice %arg8[%add3A_16] : memref<958464xf32, #tpu.memory_space<hbm>> -> memref<1248xf32, #tpu.memory_space<hbm>>
      %dma_wait3A_75 = arith.constant 7488 : i32
      %dma_wait3A_76 = tpu.memref_slice %arg19[%dma_wait3A_75] : memref<29952xf32, #tpu.memory_space<vmem>> -> memref<1248xf32, #tpu.memory_space<vmem>>
      %dma_wait3A_77 = tpu.memref_slice %arg8[%add3A_16] : memref<958464xf32, #tpu.memory_space<hbm>> -> memref<1248xf32, #tpu.memory_space<hbm>>
      tpu.wait_dma2 semaphore(%run_scoped3A : memref<!tpu.dma_semaphore, #tpu.memory_space<semaphore_mem>>) src(%dma_wait3A_77 : memref<1248xf32, #tpu.memory_space<hbm>>) dst(%dma_wait3A_76 : memref<1248xf32, #tpu.memory_space<vmem>>)
      tpu.yield
    }) : () -> ()
    %add3A_17 = arith.constant 279552 : i32
    %add3A_18 = arith.addi %add3A_17, %mul3A_2 : i32
    "tpu.region"() ({
      %run_scoped3A = tpu.sem_alloc : memref<!tpu.dma_semaphore, #tpu.memory_space<semaphore_mem>>
      %dma_start3A = arith.constant 8736 : i32
      %dma_start3A_68 = tpu.memref_slice %arg19[%dma_start3A] : memref<29952xf32, #tpu.memory_space<vmem>> -> memref<1248xf32, #tpu.memory_space<vmem>>
      %dma_start3A_69 = tpu.memref_slice %arg8[%add3A_18] : memref<958464xf32, #tpu.memory_space<hbm>> -> memref<1248xf32, #tpu.memory_space<hbm>>
      %dma_start3A_70 = arith.constant 8736 : i32
      %dma_start3A_71 = tpu.memref_slice %arg19[%dma_start3A_70] : memref<29952xf32, #tpu.memory_space<vmem>> -> memref<1248xf32, #tpu.memory_space<vmem>>
      %dma_start3A_72 = tpu.memref_slice %arg8[%add3A_18] : memref<958464xf32, #tpu.memory_space<hbm>> -> memref<1248xf32, #tpu.memory_space<hbm>>
      tpu.enqueue_dma source(%dma_start3A_72 : memref<1248xf32, #tpu.memory_space<hbm>>) target(%dma_start3A_71 : memref<1248xf32, #tpu.memory_space<vmem>>) target_semaphore(%run_scoped3A : memref<!tpu.dma_semaphore, #tpu.memory_space<semaphore_mem>>)
      %dma_wait3A = arith.constant 8736 : i32
      %dma_wait3A_73 = tpu.memref_slice %arg19[%dma_wait3A] : memref<29952xf32, #tpu.memory_space<vmem>> -> memref<1248xf32, #tpu.memory_space<vmem>>
      %dma_wait3A_74 = tpu.memref_slice %arg8[%add3A_18] : memref<958464xf32, #tpu.memory_space<hbm>> -> memref<1248xf32, #tpu.memory_space<hbm>>
      %dma_wait3A_75 = arith.constant 8736 : i32
      %dma_wait3A_76 = tpu.memref_slice %arg19[%dma_wait3A_75] : memref<29952xf32, #tpu.memory_space<vmem>> -> memref<1248xf32, #tpu.memory_space<vmem>>
      %dma_wait3A_77 = tpu.memref_slice %arg8[%add3A_18] : memref<958464xf32, #tpu.memory_space<hbm>> -> memref<1248xf32, #tpu.memory_space<hbm>>
      tpu.wait_dma2 semaphore(%run_scoped3A : memref<!tpu.dma_semaphore, #tpu.memory_space<semaphore_mem>>) src(%dma_wait3A_77 : memref<1248xf32, #tpu.memory_space<hbm>>) dst(%dma_wait3A_76 : memref<1248xf32, #tpu.memory_space<vmem>>)
      tpu.yield
    }) : () -> ()
    %add3A_19 = arith.constant 319488 : i32
    %add3A_20 = arith.addi %add3A_19, %mul3A_2 : i32
    "tpu.region"() ({
      %run_scoped3A = tpu.sem_alloc : memref<!tpu.dma_semaphore, #tpu.memory_space<semaphore_mem>>
      %dma_start3A = arith.constant 9984 : i32
      %dma_start3A_68 = tpu.memref_slice %arg19[%dma_start3A] : memref<29952xf32, #tpu.memory_space<vmem>> -> memref<1248xf32, #tpu.memory_space<vmem>>
      %dma_start3A_69 = tpu.memref_slice %arg8[%add3A_20] : memref<958464xf32, #tpu.memory_space<hbm>> -> memref<1248xf32, #tpu.memory_space<hbm>>
      %dma_start3A_70 = arith.constant 9984 : i32
      %dma_start3A_71 = tpu.memref_slice %arg19[%dma_start3A_70] : memref<29952xf32, #tpu.memory_space<vmem>> -> memref<1248xf32, #tpu.memory_space<vmem>>
      %dma_start3A_72 = tpu.memref_slice %arg8[%add3A_20] : memref<958464xf32, #tpu.memory_space<hbm>> -> memref<1248xf32, #tpu.memory_space<hbm>>
      tpu.enqueue_dma source(%dma_start3A_72 : memref<1248xf32, #tpu.memory_space<hbm>>) target(%dma_start3A_71 : memref<1248xf32, #tpu.memory_space<vmem>>) target_semaphore(%run_scoped3A : memref<!tpu.dma_semaphore, #tpu.memory_space<semaphore_mem>>)
      %dma_wait3A = arith.constant 9984 : i32
      %dma_wait3A_73 = tpu.memref_slice %arg19[%dma_wait3A] : memref<29952xf32, #tpu.memory_space<vmem>> -> memref<1248xf32, #tpu.memory_space<vmem>>
      %dma_wait3A_74 = tpu.memref_slice %arg8[%add3A_20] : memref<958464xf32, #tpu.memory_space<hbm>> -> memref<1248xf32, #tpu.memory_space<hbm>>
      %dma_wait3A_75 = arith.constant 9984 : i32
      %dma_wait3A_76 = tpu.memref_slice %arg19[%dma_wait3A_75] : memref<29952xf32, #tpu.memory_space<vmem>> -> memref<1248xf32, #tpu.memory_space<vmem>>
      %dma_wait3A_77 = tpu.memref_slice %arg8[%add3A_20] : memref<958464xf32, #tpu.memory_space<hbm>> -> memref<1248xf32, #tpu.memory_space<hbm>>
      tpu.wait_dma2 semaphore(%run_scoped3A : memref<!tpu.dma_semaphore, #tpu.memory_space<semaphore_mem>>) src(%dma_wait3A_77 : memref<1248xf32, #tpu.memory_space<hbm>>) dst(%dma_wait3A_76 : memref<1248xf32, #tpu.memory_space<vmem>>)
      tpu.yield
    }) : () -> ()
    %add3A_21 = arith.constant 359424 : i32
    %add3A_22 = arith.addi %add3A_21, %mul3A_2 : i32
    "tpu.region"() ({
      %run_scoped3A = tpu.sem_alloc : memref<!tpu.dma_semaphore, #tpu.memory_space<semaphore_mem>>
      %dma_start3A = arith.constant 11232 : i32
      %dma_start3A_68 = tpu.memref_slice %arg19[%dma_start3A] : memref<29952xf32, #tpu.memory_space<vmem>> -> memref<1248xf32, #tpu.memory_space<vmem>>
      %dma_start3A_69 = tpu.memref_slice %arg8[%add3A_22] : memref<958464xf32, #tpu.memory_space<hbm>> -> memref<1248xf32, #tpu.memory_space<hbm>>
      %dma_start3A_70 = arith.constant 11232 : i32
      %dma_start3A_71 = tpu.memref_slice %arg19[%dma_start3A_70] : memref<29952xf32, #tpu.memory_space<vmem>> -> memref<1248xf32, #tpu.memory_space<vmem>>
      %dma_start3A_72 = tpu.memref_slice %arg8[%add3A_22] : memref<958464xf32, #tpu.memory_space<hbm>> -> memref<1248xf32, #tpu.memory_space<hbm>>
      tpu.enqueue_dma source(%dma_start3A_72 : memref<1248xf32, #tpu.memory_space<hbm>>) target(%dma_start3A_71 : memref<1248xf32, #tpu.memory_space<vmem>>) target_semaphore(%run_scoped3A : memref<!tpu.dma_semaphore, #tpu.memory_space<semaphore_mem>>)
      %dma_wait3A = arith.constant 11232 : i32
      %dma_wait3A_73 = tpu.memref_slice %arg19[%dma_wait3A] : memref<29952xf32, #tpu.memory_space<vmem>> -> memref<1248xf32, #tpu.memory_space<vmem>>
      %dma_wait3A_74 = tpu.memref_slice %arg8[%add3A_22] : memref<958464xf32, #tpu.memory_space<hbm>> -> memref<1248xf32, #tpu.memory_space<hbm>>
      %dma_wait3A_75 = arith.constant 11232 : i32
      %dma_wait3A_76 = tpu.memref_slice %arg19[%dma_wait3A_75] : memref<29952xf32, #tpu.memory_space<vmem>> -> memref<1248xf32, #tpu.memory_space<vmem>>
      %dma_wait3A_77 = tpu.memref_slice %arg8[%add3A_22] : memref<958464xf32, #tpu.memory_space<hbm>> -> memref<1248xf32, #tpu.memory_space<hbm>>
      tpu.wait_dma2 semaphore(%run_scoped3A : memref<!tpu.dma_semaphore, #tpu.memory_space<semaphore_mem>>) src(%dma_wait3A_77 : memref<1248xf32, #tpu.memory_space<hbm>>) dst(%dma_wait3A_76 : memref<1248xf32, #tpu.memory_space<vmem>>)
      tpu.yield
    }) : () -> ()
    %add3A_23 = arith.constant 399360 : i32
    %add3A_24 = arith.addi %add3A_23, %mul3A_2 : i32
    "tpu.region"() ({
      %run_scoped3A = tpu.sem_alloc : memref<!tpu.dma_semaphore, #tpu.memory_space<semaphore_mem>>
      %dma_start3A = arith.constant 12480 : i32
      %dma_start3A_68 = tpu.memref_slice %arg19[%dma_start3A] : memref<29952xf32, #tpu.memory_space<vmem>> -> memref<1248xf32, #tpu.memory_space<vmem>>
      %dma_start3A_69 = tpu.memref_slice %arg8[%add3A_24] : memref<958464xf32, #tpu.memory_space<hbm>> -> memref<1248xf32, #tpu.memory_space<hbm>>
      %dma_start3A_70 = arith.constant 12480 : i32
      %dma_start3A_71 = tpu.memref_slice %arg19[%dma_start3A_70] : memref<29952xf32, #tpu.memory_space<vmem>> -> memref<1248xf32, #tpu.memory_space<vmem>>
      %dma_start3A_72 = tpu.memref_slice %arg8[%add3A_24] : memref<958464xf32, #tpu.memory_space<hbm>> -> memref<1248xf32, #tpu.memory_space<hbm>>
      tpu.enqueue_dma source(%dma_start3A_72 : memref<1248xf32, #tpu.memory_space<hbm>>) target(%dma_start3A_71 : memref<1248xf32, #tpu.memory_space<vmem>>) target_semaphore(%run_scoped3A : memref<!tpu.dma_semaphore, #tpu.memory_space<semaphore_mem>>)
      %dma_wait3A = arith.constant 12480 : i32
      %dma_wait3A_73 = tpu.memref_slice %arg19[%dma_wait3A] : memref<29952xf32, #tpu.memory_space<vmem>> -> memref<1248xf32, #tpu.memory_space<vmem>>
      %dma_wait3A_74 = tpu.memref_slice %arg8[%add3A_24] : memref<958464xf32, #tpu.memory_space<hbm>> -> memref<1248xf32, #tpu.memory_space<hbm>>
      %dma_wait3A_75 = arith.constant 12480 : i32
      %dma_wait3A_76 = tpu.memref_slice %arg19[%dma_wait3A_75] : memref<29952xf32, #tpu.memory_space<vmem>> -> memref<1248xf32, #tpu.memory_space<vmem>>
      %dma_wait3A_77 = tpu.memref_slice %arg8[%add3A_24] : memref<958464xf32, #tpu.memory_space<hbm>> -> memref<1248xf32, #tpu.memory_space<hbm>>
      tpu.wait_dma2 semaphore(%run_scoped3A : memref<!tpu.dma_semaphore, #tpu.memory_space<semaphore_mem>>) src(%dma_wait3A_77 : memref<1248xf32, #tpu.memory_space<hbm>>) dst(%dma_wait3A_76 : memref<1248xf32, #tpu.memory_space<vmem>>)
      tpu.yield
    }) : () -> ()
    %add3A_25 = arith.constant 439296 : i32
    %add3A_26 = arith.addi %add3A_25, %mul3A_2 : i32
    "tpu.region"() ({
      %run_scoped3A = tpu.sem_alloc : memref<!tpu.dma_semaphore, #tpu.memory_space<semaphore_mem>>
      %dma_start3A = arith.constant 13728 : i32
      %dma_start3A_68 = tpu.memref_slice %arg19[%dma_start3A] : memref<29952xf32, #tpu.memory_space<vmem>> -> memref<1248xf32, #tpu.memory_space<vmem>>
      %dma_start3A_69 = tpu.memref_slice %arg8[%add3A_26] : memref<958464xf32, #tpu.memory_space<hbm>> -> memref<1248xf32, #tpu.memory_space<hbm>>
      %dma_start3A_70 = arith.constant 13728 : i32
      %dma_start3A_71 = tpu.memref_slice %arg19[%dma_start3A_70] : memref<29952xf32, #tpu.memory_space<vmem>> -> memref<1248xf32, #tpu.memory_space<vmem>>
      %dma_start3A_72 = tpu.memref_slice %arg8[%add3A_26] : memref<958464xf32, #tpu.memory_space<hbm>> -> memref<1248xf32, #tpu.memory_space<hbm>>
      tpu.enqueue_dma source(%dma_start3A_72 : memref<1248xf32, #tpu.memory_space<hbm>>) target(%dma_start3A_71 : memref<1248xf32, #tpu.memory_space<vmem>>) target_semaphore(%run_scoped3A : memref<!tpu.dma_semaphore, #tpu.memory_space<semaphore_mem>>)
      %dma_wait3A = arith.constant 13728 : i32
      %dma_wait3A_73 = tpu.memref_slice %arg19[%dma_wait3A] : memref<29952xf32, #tpu.memory_space<vmem>> -> memref<1248xf32, #tpu.memory_space<vmem>>
      %dma_wait3A_74 = tpu.memref_slice %arg8[%add3A_26] : memref<958464xf32, #tpu.memory_space<hbm>> -> memref<1248xf32, #tpu.memory_space<hbm>>
      %dma_wait3A_75 = arith.constant 13728 : i32
      %dma_wait3A_76 = tpu.memref_slice %arg19[%dma_wait3A_75] : memref<29952xf32, #tpu.memory_space<vmem>> -> memref<1248xf32, #tpu.memory_space<vmem>>
      %dma_wait3A_77 = tpu.memref_slice %arg8[%add3A_26] : memref<958464xf32, #tpu.memory_space<hbm>> -> memref<1248xf32, #tpu.memory_space<hbm>>
      tpu.wait_dma2 semaphore(%run_scoped3A : memref<!tpu.dma_semaphore, #tpu.memory_space<semaphore_mem>>) src(%dma_wait3A_77 : memref<1248xf32, #tpu.memory_space<hbm>>) dst(%dma_wait3A_76 : memref<1248xf32, #tpu.memory_space<vmem>>)
      tpu.yield
    }) : () -> ()
    %add3A_27 = arith.constant 479232 : i32
    %add3A_28 = arith.addi %add3A_27, %mul3A_2 : i32
    "tpu.region"() ({
      %run_scoped3A = tpu.sem_alloc : memref<!tpu.dma_semaphore, #tpu.memory_space<semaphore_mem>>
      %dma_start3A = arith.constant 14976 : i32
      %dma_start3A_68 = tpu.memref_slice %arg19[%dma_start3A] : memref<29952xf32, #tpu.memory_space<vmem>> -> memref<1248xf32, #tpu.memory_space<vmem>>
      %dma_start3A_69 = tpu.memref_slice %arg8[%add3A_28] : memref<958464xf32, #tpu.memory_space<hbm>> -> memref<1248xf32, #tpu.memory_space<hbm>>
      %dma_start3A_70 = arith.constant 14976 : i32
      %dma_start3A_71 = tpu.memref_slice %arg19[%dma_start3A_70] : memref<29952xf32, #tpu.memory_space<vmem>> -> memref<1248xf32, #tpu.memory_space<vmem>>
      %dma_start3A_72 = tpu.memref_slice %arg8[%add3A_28] : memref<958464xf32, #tpu.memory_space<hbm>> -> memref<1248xf32, #tpu.memory_space<hbm>>
      tpu.enqueue_dma source(%dma_start3A_72 : memref<1248xf32, #tpu.memory_space<hbm>>) target(%dma_start3A_71 : memref<1248xf32, #tpu.memory_space<vmem>>) target_semaphore(%run_scoped3A : memref<!tpu.dma_semaphore, #tpu.memory_space<semaphore_mem>>)
      %dma_wait3A = arith.constant 14976 : i32
      %dma_wait3A_73 = tpu.memref_slice %arg19[%dma_wait3A] : memref<29952xf32, #tpu.memory_space<vmem>> -> memref<1248xf32, #tpu.memory_space<vmem>>
      %dma_wait3A_74 = tpu.memref_slice %arg8[%add3A_28] : memref<958464xf32, #tpu.memory_space<hbm>> -> memref<1248xf32, #tpu.memory_space<hbm>>
      %dma_wait3A_75 = arith.constant 14976 : i32
      %dma_wait3A_76 = tpu.memref_slice %arg19[%dma_wait3A_75] : memref<29952xf32, #tpu.memory_space<vmem>> -> memref<1248xf32, #tpu.memory_space<vmem>>
      %dma_wait3A_77 = tpu.memref_slice %arg8[%add3A_28] : memref<958464xf32, #tpu.memory_space<hbm>> -> memref<1248xf32, #tpu.memory_space<hbm>>
      tpu.wait_dma2 semaphore(%run_scoped3A : memref<!tpu.dma_semaphore, #tpu.memory_space<semaphore_mem>>) src(%dma_wait3A_77 : memref<1248xf32, #tpu.memory_space<hbm>>) dst(%dma_wait3A_76 : memref<1248xf32, #tpu.memory_space<vmem>>)
      tpu.yield
    }) : () -> ()
    %add3A_29 = arith.constant 519168 : i32
    %add3A_30 = arith.addi %add3A_29, %mul3A_2 : i32
    "tpu.region"() ({
      %run_scoped3A = tpu.sem_alloc : memref<!tpu.dma_semaphore, #tpu.memory_space<semaphore_mem>>
      %dma_start3A = arith.constant 16224 : i32
      %dma_start3A_68 = tpu.memref_slice %arg19[%dma_start3A] : memref<29952xf32, #tpu.memory_space<vmem>> -> memref<1248xf32, #tpu.memory_space<vmem>>
      %dma_start3A_69 = tpu.memref_slice %arg8[%add3A_30] : memref<958464xf32, #tpu.memory_space<hbm>> -> memref<1248xf32, #tpu.memory_space<hbm>>
      %dma_start3A_70 = arith.constant 16224 : i32
      %dma_start3A_71 = tpu.memref_slice %arg19[%dma_start3A_70] : memref<29952xf32, #tpu.memory_space<vmem>> -> memref<1248xf32, #tpu.memory_space<vmem>>
      %dma_start3A_72 = tpu.memref_slice %arg8[%add3A_30] : memref<958464xf32, #tpu.memory_space<hbm>> -> memref<1248xf32, #tpu.memory_space<hbm>>
      tpu.enqueue_dma source(%dma_start3A_72 : memref<1248xf32, #tpu.memory_space<hbm>>) target(%dma_start3A_71 : memref<1248xf32, #tpu.memory_space<vmem>>) target_semaphore(%run_scoped3A : memref<!tpu.dma_semaphore, #tpu.memory_space<semaphore_mem>>)
      %dma_wait3A = arith.constant 16224 : i32
      %dma_wait3A_73 = tpu.memref_slice %arg19[%dma_wait3A] : memref<29952xf32, #tpu.memory_space<vmem>> -> memref<1248xf32, #tpu.memory_space<vmem>>
      %dma_wait3A_74 = tpu.memref_slice %arg8[%add3A_30] : memref<958464xf32, #tpu.memory_space<hbm>> -> memref<1248xf32, #tpu.memory_space<hbm>>
      %dma_wait3A_75 = arith.constant 16224 : i32
      %dma_wait3A_76 = tpu.memref_slice %arg19[%dma_wait3A_75] : memref<29952xf32, #tpu.memory_space<vmem>> -> memref<1248xf32, #tpu.memory_space<vmem>>
      %dma_wait3A_77 = tpu.memref_slice %arg8[%add3A_30] : memref<958464xf32, #tpu.memory_space<hbm>> -> memref<1248xf32, #tpu.memory_space<hbm>>
      tpu.wait_dma2 semaphore(%run_scoped3A : memref<!tpu.dma_semaphore, #tpu.memory_space<semaphore_mem>>) src(%dma_wait3A_77 : memref<1248xf32, #tpu.memory_space<hbm>>) dst(%dma_wait3A_76 : memref<1248xf32, #tpu.memory_space<vmem>>)
      tpu.yield
    }) : () -> ()
    %add3A_31 = arith.constant 559104 : i32
    %add3A_32 = arith.addi %add3A_31, %mul3A_2 : i32
    "tpu.region"() ({
      %run_scoped3A = tpu.sem_alloc : memref<!tpu.dma_semaphore, #tpu.memory_space<semaphore_mem>>
      %dma_start3A = arith.constant 17472 : i32
      %dma_start3A_68 = tpu.memref_slice %arg19[%dma_start3A] : memref<29952xf32, #tpu.memory_space<vmem>> -> memref<1248xf32, #tpu.memory_space<vmem>>
      %dma_start3A_69 = tpu.memref_slice %arg8[%add3A_32] : memref<958464xf32, #tpu.memory_space<hbm>> -> memref<1248xf32, #tpu.memory_space<hbm>>
      %dma_start3A_70 = arith.constant 17472 : i32
      %dma_start3A_71 = tpu.memref_slice %arg19[%dma_start3A_70] : memref<29952xf32, #tpu.memory_space<vmem>> -> memref<1248xf32, #tpu.memory_space<vmem>>
      %dma_start3A_72 = tpu.memref_slice %arg8[%add3A_32] : memref<958464xf32, #tpu.memory_space<hbm>> -> memref<1248xf32, #tpu.memory_space<hbm>>
      tpu.enqueue_dma source(%dma_start3A_72 : memref<1248xf32, #tpu.memory_space<hbm>>) target(%dma_start3A_71 : memref<1248xf32, #tpu.memory_space<vmem>>) target_semaphore(%run_scoped3A : memref<!tpu.dma_semaphore, #tpu.memory_space<semaphore_mem>>)
      %dma_wait3A = arith.constant 17472 : i32
      %dma_wait3A_73 = tpu.memref_slice %arg19[%dma_wait3A] : memref<29952xf32, #tpu.memory_space<vmem>> -> memref<1248xf32, #tpu.memory_space<vmem>>
      %dma_wait3A_74 = tpu.memref_slice %arg8[%add3A_32] : memref<958464xf32, #tpu.memory_space<hbm>> -> memref<1248xf32, #tpu.memory_space<hbm>>
      %dma_wait3A_75 = arith.constant 17472 : i32
      %dma_wait3A_76 = tpu.memref_slice %arg19[%dma_wait3A_75] : memref<29952xf32, #tpu.memory_space<vmem>> -> memref<1248xf32, #tpu.memory_space<vmem>>
      %dma_wait3A_77 = tpu.memref_slice %arg8[%add3A_32] : memref<958464xf32, #tpu.memory_space<hbm>> -> memref<1248xf32, #tpu.memory_space<hbm>>
      tpu.wait_dma2 semaphore(%run_scoped3A : memref<!tpu.dma_semaphore, #tpu.memory_space<semaphore_mem>>) src(%dma_wait3A_77 : memref<1248xf32, #tpu.memory_space<hbm>>) dst(%dma_wait3A_76 : memref<1248xf32, #tpu.memory_space<vmem>>)
      tpu.yield
    }) : () -> ()
    %add3A_33 = arith.constant 599040 : i32
    %add3A_34 = arith.addi %add3A_33, %mul3A_2 : i32
    "tpu.region"() ({
      %run_scoped3A = tpu.sem_alloc : memref<!tpu.dma_semaphore, #tpu.memory_space<semaphore_mem>>
      %dma_start3A = arith.constant 18720 : i32
      %dma_start3A_68 = tpu.memref_slice %arg19[%dma_start3A] : memref<29952xf32, #tpu.memory_space<vmem>> -> memref<1248xf32, #tpu.memory_space<vmem>>
      %dma_start3A_69 = tpu.memref_slice %arg8[%add3A_34] : memref<958464xf32, #tpu.memory_space<hbm>> -> memref<1248xf32, #tpu.memory_space<hbm>>
      %dma_start3A_70 = arith.constant 18720 : i32
      %dma_start3A_71 = tpu.memref_slice %arg19[%dma_start3A_70] : memref<29952xf32, #tpu.memory_space<vmem>> -> memref<1248xf32, #tpu.memory_space<vmem>>
      %dma_start3A_72 = tpu.memref_slice %arg8[%add3A_34] : memref<958464xf32, #tpu.memory_space<hbm>> -> memref<1248xf32, #tpu.memory_space<hbm>>
      tpu.enqueue_dma source(%dma_start3A_72 : memref<1248xf32, #tpu.memory_space<hbm>>) target(%dma_start3A_71 : memref<1248xf32, #tpu.memory_space<vmem>>) target_semaphore(%run_scoped3A : memref<!tpu.dma_semaphore, #tpu.memory_space<semaphore_mem>>)
      %dma_wait3A = arith.constant 18720 : i32
      %dma_wait3A_73 = tpu.memref_slice %arg19[%dma_wait3A] : memref<29952xf32, #tpu.memory_space<vmem>> -> memref<1248xf32, #tpu.memory_space<vmem>>
      %dma_wait3A_74 = tpu.memref_slice %arg8[%add3A_34] : memref<958464xf32, #tpu.memory_space<hbm>> -> memref<1248xf32, #tpu.memory_space<hbm>>
      %dma_wait3A_75 = arith.constant 18720 : i32
      %dma_wait3A_76 = tpu.memref_slice %arg19[%dma_wait3A_75] : memref<29952xf32, #tpu.memory_space<vmem>> -> memref<1248xf32, #tpu.memory_space<vmem>>
      %dma_wait3A_77 = tpu.memref_slice %arg8[%add3A_34] : memref<958464xf32, #tpu.memory_space<hbm>> -> memref<1248xf32, #tpu.memory_space<hbm>>
      tpu.wait_dma2 semaphore(%run_scoped3A : memref<!tpu.dma_semaphore, #tpu.memory_space<semaphore_mem>>) src(%dma_wait3A_77 : memref<1248xf32, #tpu.memory_space<hbm>>) dst(%dma_wait3A_76 : memref<1248xf32, #tpu.memory_space<vmem>>)
      tpu.yield
    }) : () -> ()
    %add3A_35 = arith.constant 638976 : i32
    %add3A_36 = arith.addi %add3A_35, %mul3A_2 : i32
    "tpu.region"() ({
      %run_scoped3A = tpu.sem_alloc : memref<!tpu.dma_semaphore, #tpu.memory_space<semaphore_mem>>
      %dma_start3A = arith.constant 19968 : i32
      %dma_start3A_68 = tpu.memref_slice %arg19[%dma_start3A] : memref<29952xf32, #tpu.memory_space<vmem>> -> memref<1248xf32, #tpu.memory_space<vmem>>
      %dma_start3A_69 = tpu.memref_slice %arg8[%add3A_36] : memref<958464xf32, #tpu.memory_space<hbm>> -> memref<1248xf32, #tpu.memory_space<hbm>>
      %dma_start3A_70 = arith.constant 19968 : i32
      %dma_start3A_71 = tpu.memref_slice %arg19[%dma_start3A_70] : memref<29952xf32, #tpu.memory_space<vmem>> -> memref<1248xf32, #tpu.memory_space<vmem>>
      %dma_start3A_72 = tpu.memref_slice %arg8[%add3A_36] : memref<958464xf32, #tpu.memory_space<hbm>> -> memref<1248xf32, #tpu.memory_space<hbm>>
      tpu.enqueue_dma source(%dma_start3A_72 : memref<1248xf32, #tpu.memory_space<hbm>>) target(%dma_start3A_71 : memref<1248xf32, #tpu.memory_space<vmem>>) target_semaphore(%run_scoped3A : memref<!tpu.dma_semaphore, #tpu.memory_space<semaphore_mem>>)
      %dma_wait3A = arith.constant 19968 : i32
      %dma_wait3A_73 = tpu.memref_slice %arg19[%dma_wait3A] : memref<29952xf32, #tpu.memory_space<vmem>> -> memref<1248xf32, #tpu.memory_space<vmem>>
      %dma_wait3A_74 = tpu.memref_slice %arg8[%add3A_36] : memref<958464xf32, #tpu.memory_space<hbm>> -> memref<1248xf32, #tpu.memory_space<hbm>>
      %dma_wait3A_75 = arith.constant 19968 : i32
      %dma_wait3A_76 = tpu.memref_slice %arg19[%dma_wait3A_75] : memref<29952xf32, #tpu.memory_space<vmem>> -> memref<1248xf32, #tpu.memory_space<vmem>>
      %dma_wait3A_77 = tpu.memref_slice %arg8[%add3A_36] : memref<958464xf32, #tpu.memory_space<hbm>> -> memref<1248xf32, #tpu.memory_space<hbm>>
      tpu.wait_dma2 semaphore(%run_scoped3A : memref<!tpu.dma_semaphore, #tpu.memory_space<semaphore_mem>>) src(%dma_wait3A_77 : memref<1248xf32, #tpu.memory_space<hbm>>) dst(%dma_wait3A_76 : memref<1248xf32, #tpu.memory_space<vmem>>)
      tpu.yield
    }) : () -> ()
    %add3A_37 = arith.constant 678912 : i32
    %add3A_38 = arith.addi %add3A_37, %mul3A_2 : i32
    "tpu.region"() ({
      %run_scoped3A = tpu.sem_alloc : memref<!tpu.dma_semaphore, #tpu.memory_space<semaphore_mem>>
      %dma_start3A = arith.constant 21216 : i32
      %dma_start3A_68 = tpu.memref_slice %arg19[%dma_start3A] : memref<29952xf32, #tpu.memory_space<vmem>> -> memref<1248xf32, #tpu.memory_space<vmem>>
      %dma_start3A_69 = tpu.memref_slice %arg8[%add3A_38] : memref<958464xf32, #tpu.memory_space<hbm>> -> memref<1248xf32, #tpu.memory_space<hbm>>
      %dma_start3A_70 = arith.constant 21216 : i32
      %dma_start3A_71 = tpu.memref_slice %arg19[%dma_start3A_70] : memref<29952xf32, #tpu.memory_space<vmem>> -> memref<1248xf32, #tpu.memory_space<vmem>>
      %dma_start3A_72 = tpu.memref_slice %arg8[%add3A_38] : memref<958464xf32, #tpu.memory_space<hbm>> -> memref<1248xf32, #tpu.memory_space<hbm>>
      tpu.enqueue_dma source(%dma_start3A_72 : memref<1248xf32, #tpu.memory_space<hbm>>) target(%dma_start3A_71 : memref<1248xf32, #tpu.memory_space<vmem>>) target_semaphore(%run_scoped3A : memref<!tpu.dma_semaphore, #tpu.memory_space<semaphore_mem>>)
      %dma_wait3A = arith.constant 21216 : i32
      %dma_wait3A_73 = tpu.memref_slice %arg19[%dma_wait3A] : memref<29952xf32, #tpu.memory_space<vmem>> -> memref<1248xf32, #tpu.memory_space<vmem>>
      %dma_wait3A_74 = tpu.memref_slice %arg8[%add3A_38] : memref<958464xf32, #tpu.memory_space<hbm>> -> memref<1248xf32, #tpu.memory_space<hbm>>
      %dma_wait3A_75 = arith.constant 21216 : i32
      %dma_wait3A_76 = tpu.memref_slice %arg19[%dma_wait3A_75] : memref<29952xf32, #tpu.memory_space<vmem>> -> memref<1248xf32, #tpu.memory_space<vmem>>
      %dma_wait3A_77 = tpu.memref_slice %arg8[%add3A_38] : memref<958464xf32, #tpu.memory_space<hbm>> -> memref<1248xf32, #tpu.memory_space<hbm>>
      tpu.wait_dma2 semaphore(%run_scoped3A : memref<!tpu.dma_semaphore, #tpu.memory_space<semaphore_mem>>) src(%dma_wait3A_77 : memref<1248xf32, #tpu.memory_space<hbm>>) dst(%dma_wait3A_76 : memref<1248xf32, #tpu.memory_space<vmem>>)
      tpu.yield
    }) : () -> ()
    %add3A_39 = arith.constant 718848 : i32
    %add3A_40 = arith.addi %add3A_39, %mul3A_2 : i32
    "tpu.region"() ({
      %run_scoped3A = tpu.sem_alloc : memref<!tpu.dma_semaphore, #tpu.memory_space<semaphore_mem>>
      %dma_start3A = arith.constant 22464 : i32
      %dma_start3A_68 = tpu.memref_slice %arg19[%dma_start3A] : memref<29952xf32, #tpu.memory_space<vmem>> -> memref<1248xf32, #tpu.memory_space<vmem>>
      %dma_start3A_69 = tpu.memref_slice %arg8[%add3A_40] : memref<958464xf32, #tpu.memory_space<hbm>> -> memref<1248xf32, #tpu.memory_space<hbm>>
      %dma_start3A_70 = arith.constant 22464 : i32
      %dma_start3A_71 = tpu.memref_slice %arg19[%dma_start3A_70] : memref<29952xf32, #tpu.memory_space<vmem>> -> memref<1248xf32, #tpu.memory_space<vmem>>
      %dma_start3A_72 = tpu.memref_slice %arg8[%add3A_40] : memref<958464xf32, #tpu.memory_space<hbm>> -> memref<1248xf32, #tpu.memory_space<hbm>>
      tpu.enqueue_dma source(%dma_start3A_72 : memref<1248xf32, #tpu.memory_space<hbm>>) target(%dma_start3A_71 : memref<1248xf32, #tpu.memory_space<vmem>>) target_semaphore(%run_scoped3A : memref<!tpu.dma_semaphore, #tpu.memory_space<semaphore_mem>>)
      %dma_wait3A = arith.constant 22464 : i32
      %dma_wait3A_73 = tpu.memref_slice %arg19[%dma_wait3A] : memref<29952xf32, #tpu.memory_space<vmem>> -> memref<1248xf32, #tpu.memory_space<vmem>>
      %dma_wait3A_74 = tpu.memref_slice %arg8[%add3A_40] : memref<958464xf32, #tpu.memory_space<hbm>> -> memref<1248xf32, #tpu.memory_space<hbm>>
      %dma_wait3A_75 = arith.constant 22464 : i32
      %dma_wait3A_76 = tpu.memref_slice %arg19[%dma_wait3A_75] : memref<29952xf32, #tpu.memory_space<vmem>> -> memref<1248xf32, #tpu.memory_space<vmem>>
      %dma_wait3A_77 = tpu.memref_slice %arg8[%add3A_40] : memref<958464xf32, #tpu.memory_space<hbm>> -> memref<1248xf32, #tpu.memory_space<hbm>>
      tpu.wait_dma2 semaphore(%run_scoped3A : memref<!tpu.dma_semaphore, #tpu.memory_space<semaphore_mem>>) src(%dma_wait3A_77 : memref<1248xf32, #tpu.memory_space<hbm>>) dst(%dma_wait3A_76 : memref<1248xf32, #tpu.memory_space<vmem>>)
      tpu.yield
    }) : () -> ()
    %add3A_41 = arith.constant 758784 : i32
    %add3A_42 = arith.addi %add3A_41, %mul3A_2 : i32
    "tpu.region"() ({
      %run_scoped3A = tpu.sem_alloc : memref<!tpu.dma_semaphore, #tpu.memory_space<semaphore_mem>>
      %dma_start3A = arith.constant 23712 : i32
      %dma_start3A_68 = tpu.memref_slice %arg19[%dma_start3A] : memref<29952xf32, #tpu.memory_space<vmem>> -> memref<1248xf32, #tpu.memory_space<vmem>>
      %dma_start3A_69 = tpu.memref_slice %arg8[%add3A_42] : memref<958464xf32, #tpu.memory_space<hbm>> -> memref<1248xf32, #tpu.memory_space<hbm>>
      %dma_start3A_70 = arith.constant 23712 : i32
      %dma_start3A_71 = tpu.memref_slice %arg19[%dma_start3A_70] : memref<29952xf32, #tpu.memory_space<vmem>> -> memref<1248xf32, #tpu.memory_space<vmem>>
      %dma_start3A_72 = tpu.memref_slice %arg8[%add3A_42] : memref<958464xf32, #tpu.memory_space<hbm>> -> memref<1248xf32, #tpu.memory_space<hbm>>
      tpu.enqueue_dma source(%dma_start3A_72 : memref<1248xf32, #tpu.memory_space<hbm>>) target(%dma_start3A_71 : memref<1248xf32, #tpu.memory_space<vmem>>) target_semaphore(%run_scoped3A : memref<!tpu.dma_semaphore, #tpu.memory_space<semaphore_mem>>)
      %dma_wait3A = arith.constant 23712 : i32
      %dma_wait3A_73 = tpu.memref_slice %arg19[%dma_wait3A] : memref<29952xf32, #tpu.memory_space<vmem>> -> memref<1248xf32, #tpu.memory_space<vmem>>
      %dma_wait3A_74 = tpu.memref_slice %arg8[%add3A_42] : memref<958464xf32, #tpu.memory_space<hbm>> -> memref<1248xf32, #tpu.memory_space<hbm>>
      %dma_wait3A_75 = arith.constant 23712 : i32
      %dma_wait3A_76 = tpu.memref_slice %arg19[%dma_wait3A_75] : memref<29952xf32, #tpu.memory_space<vmem>> -> memref<1248xf32, #tpu.memory_space<vmem>>
      %dma_wait3A_77 = tpu.memref_slice %arg8[%add3A_42] : memref<958464xf32, #tpu.memory_space<hbm>> -> memref<1248xf32, #tpu.memory_space<hbm>>
      tpu.wait_dma2 semaphore(%run_scoped3A : memref<!tpu.dma_semaphore, #tpu.memory_space<semaphore_mem>>) src(%dma_wait3A_77 : memref<1248xf32, #tpu.memory_space<hbm>>) dst(%dma_wait3A_76 : memref<1248xf32, #tpu.memory_space<vmem>>)
      tpu.yield
    }) : () -> ()
    %add3A_43 = arith.constant 798720 : i32
    %add3A_44 = arith.addi %add3A_43, %mul3A_2 : i32
    "tpu.region"() ({
      %run_scoped3A = tpu.sem_alloc : memref<!tpu.dma_semaphore, #tpu.memory_space<semaphore_mem>>
      %dma_start3A = arith.constant 24960 : i32
      %dma_start3A_68 = tpu.memref_slice %arg19[%dma_start3A] : memref<29952xf32, #tpu.memory_space<vmem>> -> memref<1248xf32, #tpu.memory_space<vmem>>
      %dma_start3A_69 = tpu.memref_slice %arg8[%add3A_44] : memref<958464xf32, #tpu.memory_space<hbm>> -> memref<1248xf32, #tpu.memory_space<hbm>>
      %dma_start3A_70 = arith.constant 24960 : i32
      %dma_start3A_71 = tpu.memref_slice %arg19[%dma_start3A_70] : memref<29952xf32, #tpu.memory_space<vmem>> -> memref<1248xf32, #tpu.memory_space<vmem>>
      %dma_start3A_72 = tpu.memref_slice %arg8[%add3A_44] : memref<958464xf32, #tpu.memory_space<hbm>> -> memref<1248xf32, #tpu.memory_space<hbm>>
      tpu.enqueue_dma source(%dma_start3A_72 : memref<1248xf32, #tpu.memory_space<hbm>>) target(%dma_start3A_71 : memref<1248xf32, #tpu.memory_space<vmem>>) target_semaphore(%run_scoped3A : memref<!tpu.dma_semaphore, #tpu.memory_space<semaphore_mem>>)
      %dma_wait3A = arith.constant 24960 : i32
      %dma_wait3A_73 = tpu.memref_slice %arg19[%dma_wait3A] : memref<29952xf32, #tpu.memory_space<vmem>> -> memref<1248xf32, #tpu.memory_space<vmem>>
      %dma_wait3A_74 = tpu.memref_slice %arg8[%add3A_44] : memref<958464xf32, #tpu.memory_space<hbm>> -> memref<1248xf32, #tpu.memory_space<hbm>>
      %dma_wait3A_75 = arith.constant 24960 : i32
      %dma_wait3A_76 = tpu.memref_slice %arg19[%dma_wait3A_75] : memref<29952xf32, #tpu.memory_space<vmem>> -> memref<1248xf32, #tpu.memory_space<vmem>>
      %dma_wait3A_77 = tpu.memref_slice %arg8[%add3A_44] : memref<958464xf32, #tpu.memory_space<hbm>> -> memref<1248xf32, #tpu.memory_space<hbm>>
      tpu.wait_dma2 semaphore(%run_scoped3A : memref<!tpu.dma_semaphore, #tpu.memory_space<semaphore_mem>>) src(%dma_wait3A_77 : memref<1248xf32, #tpu.memory_space<hbm>>) dst(%dma_wait3A_76 : memref<1248xf32, #tpu.memory_space<vmem>>)
      tpu.yield
    }) : () -> ()
    %add3A_45 = arith.constant 838656 : i32
    %add3A_46 = arith.addi %add3A_45, %mul3A_2 : i32
    "tpu.region"() ({
      %run_scoped3A = tpu.sem_alloc : memref<!tpu.dma_semaphore, #tpu.memory_space<semaphore_mem>>
      %dma_start3A = arith.constant 26208 : i32
      %dma_start3A_68 = tpu.memref_slice %arg19[%dma_start3A] : memref<29952xf32, #tpu.memory_space<vmem>> -> memref<1248xf32, #tpu.memory_space<vmem>>
      %dma_start3A_69 = tpu.memref_slice %arg8[%add3A_46] : memref<958464xf32, #tpu.memory_space<hbm>> -> memref<1248xf32, #tpu.memory_space<hbm>>
      %dma_start3A_70 = arith.constant 26208 : i32
      %dma_start3A_71 = tpu.memref_slice %arg19[%dma_start3A_70] : memref<29952xf32, #tpu.memory_space<vmem>> -> memref<1248xf32, #tpu.memory_space<vmem>>
      %dma_start3A_72 = tpu.memref_slice %arg8[%add3A_46] : memref<958464xf32, #tpu.memory_space<hbm>> -> memref<1248xf32, #tpu.memory_space<hbm>>
      tpu.enqueue_dma source(%dma_start3A_72 : memref<1248xf32, #tpu.memory_space<hbm>>) target(%dma_start3A_71 : memref<1248xf32, #tpu.memory_space<vmem>>) target_semaphore(%run_scoped3A : memref<!tpu.dma_semaphore, #tpu.memory_space<semaphore_mem>>)
      %dma_wait3A = arith.constant 26208 : i32
      %dma_wait3A_73 = tpu.memref_slice %arg19[%dma_wait3A] : memref<29952xf32, #tpu.memory_space<vmem>> -> memref<1248xf32, #tpu.memory_space<vmem>>
      %dma_wait3A_74 = tpu.memref_slice %arg8[%add3A_46] : memref<958464xf32, #tpu.memory_space<hbm>> -> memref<1248xf32, #tpu.memory_space<hbm>>
      %dma_wait3A_75 = arith.constant 26208 : i32
      %dma_wait3A_76 = tpu.memref_slice %arg19[%dma_wait3A_75] : memref<29952xf32, #tpu.memory_space<vmem>> -> memref<1248xf32, #tpu.memory_space<vmem>>
      %dma_wait3A_77 = tpu.memref_slice %arg8[%add3A_46] : memref<958464xf32, #tpu.memory_space<hbm>> -> memref<1248xf32, #tpu.memory_space<hbm>>
      tpu.wait_dma2 semaphore(%run_scoped3A : memref<!tpu.dma_semaphore, #tpu.memory_space<semaphore_mem>>) src(%dma_wait3A_77 : memref<1248xf32, #tpu.memory_space<hbm>>) dst(%dma_wait3A_76 : memref<1248xf32, #tpu.memory_space<vmem>>)
      tpu.yield
    }) : () -> ()
    %add3A_47 = arith.constant 878592 : i32
    %add3A_48 = arith.addi %add3A_47, %mul3A_2 : i32
    "tpu.region"() ({
      %run_scoped3A = tpu.sem_alloc : memref<!tpu.dma_semaphore, #tpu.memory_space<semaphore_mem>>
      %dma_start3A = arith.constant 27456 : i32
      %dma_start3A_68 = tpu.memref_slice %arg19[%dma_start3A] : memref<29952xf32, #tpu.memory_space<vmem>> -> memref<1248xf32, #tpu.memory_space<vmem>>
      %dma_start3A_69 = tpu.memref_slice %arg8[%add3A_48] : memref<958464xf32, #tpu.memory_space<hbm>> -> memref<1248xf32, #tpu.memory_space<hbm>>
      %dma_start3A_70 = arith.constant 27456 : i32
      %dma_start3A_71 = tpu.memref_slice %arg19[%dma_start3A_70] : memref<29952xf32, #tpu.memory_space<vmem>> -> memref<1248xf32, #tpu.memory_space<vmem>>
      %dma_start3A_72 = tpu.memref_slice %arg8[%add3A_48] : memref<958464xf32, #tpu.memory_space<hbm>> -> memref<1248xf32, #tpu.memory_space<hbm>>
      tpu.enqueue_dma source(%dma_start3A_72 : memref<1248xf32, #tpu.memory_space<hbm>>) target(%dma_start3A_71 : memref<1248xf32, #tpu.memory_space<vmem>>) target_semaphore(%run_scoped3A : memref<!tpu.dma_semaphore, #tpu.memory_space<semaphore_mem>>)
      %dma_wait3A = arith.constant 27456 : i32
      %dma_wait3A_73 = tpu.memref_slice %arg19[%dma_wait3A] : memref<29952xf32, #tpu.memory_space<vmem>> -> memref<1248xf32, #tpu.memory_space<vmem>>
      %dma_wait3A_74 = tpu.memref_slice %arg8[%add3A_48] : memref<958464xf32, #tpu.memory_space<hbm>> -> memref<1248xf32, #tpu.memory_space<hbm>>
      %dma_wait3A_75 = arith.constant 27456 : i32
      %dma_wait3A_76 = tpu.memref_slice %arg19[%dma_wait3A_75] : memref<29952xf32, #tpu.memory_space<vmem>> -> memref<1248xf32, #tpu.memory_space<vmem>>
      %dma_wait3A_77 = tpu.memref_slice %arg8[%add3A_48] : memref<958464xf32, #tpu.memory_space<hbm>> -> memref<1248xf32, #tpu.memory_space<hbm>>
      tpu.wait_dma2 semaphore(%run_scoped3A : memref<!tpu.dma_semaphore, #tpu.memory_space<semaphore_mem>>) src(%dma_wait3A_77 : memref<1248xf32, #tpu.memory_space<hbm>>) dst(%dma_wait3A_76 : memref<1248xf32, #tpu.memory_space<vmem>>)
      tpu.yield
    }) : () -> ()
    %add3A_49 = arith.constant 918528 : i32
    %add3A_50 = arith.addi %add3A_49, %mul3A_2 : i32
    "tpu.region"() ({
      %run_scoped3A = tpu.sem_alloc : memref<!tpu.dma_semaphore, #tpu.memory_space<semaphore_mem>>
      %dma_start3A = arith.constant 28704 : i32
      %dma_start3A_68 = tpu.memref_slice %arg19[%dma_start3A] : memref<29952xf32, #tpu.memory_space<vmem>> -> memref<1248xf32, #tpu.memory_space<vmem>>
      %dma_start3A_69 = tpu.memref_slice %arg8[%add3A_50] : memref<958464xf32, #tpu.memory_space<hbm>> -> memref<1248xf32, #tpu.memory_space<hbm>>
      %dma_start3A_70 = arith.constant 28704 : i32
      %dma_start3A_71 = tpu.memref_slice %arg19[%dma_start3A_70] : memref<29952xf32, #tpu.memory_space<vmem>> -> memref<1248xf32, #tpu.memory_space<vmem>>
      %dma_start3A_72 = tpu.memref_slice %arg8[%add3A_50] : memref<958464xf32, #tpu.memory_space<hbm>> -> memref<1248xf32, #tpu.memory_space<hbm>>
      tpu.enqueue_dma source(%dma_start3A_72 : memref<1248xf32, #tpu.memory_space<hbm>>) target(%dma_start3A_71 : memref<1248xf32, #tpu.memory_space<vmem>>) target_semaphore(%run_scoped3A : memref<!tpu.dma_semaphore, #tpu.memory_space<semaphore_mem>>)
      %dma_wait3A = arith.constant 28704 : i32
      %dma_wait3A_73 = tpu.memref_slice %arg19[%dma_wait3A] : memref<29952xf32, #tpu.memory_space<vmem>> -> memref<1248xf32, #tpu.memory_space<vmem>>
      %dma_wait3A_74 = tpu.memref_slice %arg8[%add3A_50] : memref<958464xf32, #tpu.memory_space<hbm>> -> memref<1248xf32, #tpu.memory_space<hbm>>
      %dma_wait3A_75 = arith.constant 28704 : i32
      %dma_wait3A_76 = tpu.memref_slice %arg19[%dma_wait3A_75] : memref<29952xf32, #tpu.memory_space<vmem>> -> memref<1248xf32, #tpu.memory_space<vmem>>
      %dma_wait3A_77 = tpu.memref_slice %arg8[%add3A_50] : memref<958464xf32, #tpu.memory_space<hbm>> -> memref<1248xf32, #tpu.memory_space<hbm>>
      tpu.wait_dma2 semaphore(%run_scoped3A : memref<!tpu.dma_semaphore, #tpu.memory_space<semaphore_mem>>) src(%dma_wait3A_77 : memref<1248xf32, #tpu.memory_space<hbm>>) dst(%dma_wait3A_76 : memref<1248xf32, #tpu.memory_space<vmem>>)
      tpu.yield
    }) : () -> ()
    %broadcast_in_dim3A = arith.constant 0.000000e+00 : f32
    %broadcast_in_dim3A_51 = vector.broadcast %broadcast_in_dim3A : f32 to vector<16xf32>
    %scan3A = arith.constant 0 : i32
    %scan3A_52 = arith.constant 0 : i32
    %scan3A_53 = arith.constant 1248 : i32
    %scan3A_54 = arith.addi %scan3A_52, %scan3A_53 : i32
    %scan3A_55 = arith.constant 1 : i32
    scf.for %scan3A_68 = %scan3A_52 to %scan3A_54 step %scan3A_55  : i32 {
      %mul3A_69 = arith.constant 16 : i32
      %mul3A_70 = arith.muli %scan3A_68, %mul3A_69 : i32
      %swap3A = arith.index_cast %mul3A_70 : i32 to index
      %swap3A_71 = tpu.vector_load %arg20[%swap3A] {strides = array<i32>} : memref<19968xf32, #tpu.memory_space<vmem>>, vector<16xf32>,
      tpu.vector_store %arg20[%swap3A], %broadcast_in_dim3A_51 {strides = array<i32>} : memref<19968xf32, #tpu.memory_space<vmem>>, vector<16xf32>,
    }
    %scan3A_56 = arith.constant 1248 : i32
    %broadcast_in_dim3A_57 = arith.constant 1.000000e+00 : f32
    %broadcast_in_dim3A_58 = vector.broadcast %broadcast_in_dim3A_57 : f32 to vector<16xf32>
    %scan3A_59 = arith.constant 0 : i32
    %scan3A_60 = arith.constant 0.333333343 : f32
    %scan3A_61 = arith.constant 0 : i32
    %scan3A_62 = arith.constant 78 : i32
    %scan3A_63 = arith.addi %scan3A_61, %scan3A_62 : i32
    %scan3A_64 = arith.constant 1 : i32
    scf.for %scan3A_68 = %scan3A_61 to %scan3A_63 step %scan3A_64  : i32 {
      %mul3A_69 = arith.constant 16 : i32
      %mul3A_70 = arith.muli %scan3A_68, %mul3A_69 : i32
      %iota3A = tpu.iota {dimensions = array<i32: 0>} : vector<16xi32>
      %add3A_71 = arith.addi %mul3A_2, %mul3A_70 : i32
      %add3A_72 = vector.broadcast %add3A_71 : i32 to vector<16xi32>
      %add3A_73 = arith.addi %add3A_72, %iota3A : vector<16xi32>
      %lt3A = arith.constant 39904 : i32
      %lt3A_74 = vector.broadcast %lt3A : i32 to vector<16xi32>
      %lt3A_75 = arith.cmpi slt, %add3A_73, %lt3A_74 : vector<16xi32>
      %get3A = arith.index_cast %mul3A_70 : i32 to index
      %get3A_76 = tpu.vector_load %arg13[%get3A] {strides = array<i32>} : memref<1248xi32, #tpu.memory_space<vmem>>, vector<16xi32>,
      %get3A_77 = arith.index_cast %mul3A_70 : i32 to index
      %get3A_78 = tpu.vector_load %arg14[%get3A_77] {strides = array<i32>} : memref<1248xi32, #tpu.memory_space<vmem>>, vector<16xi32>,
      %get3A_79 = arith.index_cast %mul3A_70 : i32 to index
      %get3A_80 = tpu.vector_load %arg15[%get3A_79] {strides = array<i32>} : memref<1248xi32, #tpu.memory_space<vmem>>, vector<16xi32>,
      %gather3A = tpu.vector_load_idx %arg16[%get3A_76] : memref<20096xf32, #tpu.memory_space<vmem>>[vector<16xi32>], vector<16xf32>,
      %mul3A_81 = arith.constant 2.560000e+02 : f32
      %mul3A_82 = vector.broadcast %mul3A_81 : f32 to vector<16xf32>
      %mul3A_83 = arith.mulf %gather3A, %mul3A_82 : vector<16xf32>
      %add3A_84 = arith.constant 2.560000e+02 : f32
      %add3A_85 = vector.broadcast %add3A_84 : f32 to vector<16xf32>
      %add3A_86 = arith.addf %mul3A_83, %add3A_85 : vector<16xf32>
      %gather3A_87 = tpu.vector_load_idx %arg16[%get3A_78] : memref<20096xf32, #tpu.memory_space<vmem>>[vector<16xi32>], vector<16xf32>,
      %mul3A_88 = arith.constant 2.560000e+02 : f32
      %mul3A_89 = vector.broadcast %mul3A_88 : f32 to vector<16xf32>
      %mul3A_90 = arith.mulf %gather3A_87, %mul3A_89 : vector<16xf32>
      %add3A_91 = arith.constant 2.560000e+02 : f32
      %add3A_92 = vector.broadcast %add3A_91 : f32 to vector<16xf32>
      %add3A_93 = arith.addf %mul3A_90, %add3A_92 : vector<16xf32>
      %gather3A_94 = tpu.vector_load_idx %arg16[%get3A_80] : memref<20096xf32, #tpu.memory_space<vmem>>[vector<16xi32>], vector<16xf32>,
      %mul3A_95 = arith.constant 2.560000e+02 : f32
      %mul3A_96 = vector.broadcast %mul3A_95 : f32 to vector<16xf32>
      %mul3A_97 = arith.mulf %gather3A_94, %mul3A_96 : vector<16xf32>
      %add3A_98 = arith.constant 2.560000e+02 : f32
      %add3A_99 = vector.broadcast %add3A_98 : f32 to vector<16xf32>
      %add3A_100 = arith.addf %mul3A_97, %add3A_99 : vector<16xf32>
      %gather3A_101 = tpu.vector_load_idx %arg17[%get3A_76] : memref<20096xf32, #tpu.memory_space<vmem>>[vector<16xi32>], vector<16xf32>,
      %mul3A_102 = arith.constant 2.560000e+02 : f32
      %mul3A_103 = vector.broadcast %mul3A_102 : f32 to vector<16xf32>
      %mul3A_104 = arith.mulf %gather3A_101, %mul3A_103 : vector<16xf32>
      %add3A_105 = arith.constant 2.560000e+02 : f32
      %add3A_106 = vector.broadcast %add3A_105 : f32 to vector<16xf32>
      %add3A_107 = arith.addf %mul3A_104, %add3A_106 : vector<16xf32>
      %gather3A_108 = tpu.vector_load_idx %arg17[%get3A_78] : memref<20096xf32, #tpu.memory_space<vmem>>[vector<16xi32>], vector<16xf32>,
      %mul3A_109 = arith.constant 2.560000e+02 : f32
      %mul3A_110 = vector.broadcast %mul3A_109 : f32 to vector<16xf32>
      %mul3A_111 = arith.mulf %gather3A_108, %mul3A_110 : vector<16xf32>
      %add3A_112 = arith.constant 2.560000e+02 : f32
      %add3A_113 = vector.broadcast %add3A_112 : f32 to vector<16xf32>
      %add3A_114 = arith.addf %mul3A_111, %add3A_113 : vector<16xf32>
      %gather3A_115 = tpu.vector_load_idx %arg17[%get3A_80] : memref<20096xf32, #tpu.memory_space<vmem>>[vector<16xi32>], vector<16xf32>,
      %mul3A_116 = arith.constant 2.560000e+02 : f32
      %mul3A_117 = vector.broadcast %mul3A_116 : f32 to vector<16xf32>
      %mul3A_118 = arith.mulf %gather3A_115, %mul3A_117 : vector<16xf32>
      %add3A_119 = arith.constant 2.560000e+02 : f32
      %add3A_120 = vector.broadcast %add3A_119 : f32 to vector<16xf32>
      %add3A_121 = arith.addf %mul3A_118, %add3A_120 : vector<16xf32>
      %gather3A_122 = tpu.vector_load_idx %arg18[%get3A_76] : memref<20096xf32, #tpu.memory_space<vmem>>[vector<16xi32>], vector<16xf32>,
      %mul3A_123 = arith.constant 2.560000e+02 : f32
      %mul3A_124 = vector.broadcast %mul3A_123 : f32 to vector<16xf32>
      %mul3A_125 = arith.mulf %gather3A_122, %mul3A_124 : vector<16xf32>
      %gather3A_126 = tpu.vector_load_idx %arg18[%get3A_78] : memref<20096xf32, #tpu.memory_space<vmem>>[vector<16xi32>], vector<16xf32>,
      %mul3A_127 = arith.constant 2.560000e+02 : f32
      %mul3A_128 = vector.broadcast %mul3A_127 : f32 to vector<16xf32>
      %mul3A_129 = arith.mulf %gather3A_126, %mul3A_128 : vector<16xf32>
      %gather3A_130 = tpu.vector_load_idx %arg18[%get3A_80] : memref<20096xf32, #tpu.memory_space<vmem>>[vector<16xi32>], vector<16xf32>,
      %mul3A_131 = arith.constant 2.560000e+02 : f32
      %mul3A_132 = vector.broadcast %mul3A_131 : f32 to vector<16xf32>
      %mul3A_133 = arith.mulf %gather3A_130, %mul3A_132 : vector<16xf32>
      %add3A_134 = arith.addf %add3A_86, %add3A_93 : vector<16xf32>
      %add3A_135 = arith.addf %add3A_134, %add3A_100 : vector<16xf32>
      %div3A = arith.constant 3.000000e+00 : f32
      %div3A_136 = vector.broadcast %div3A : f32 to vector<16xf32>
      %div3A_137 = arith.divf %add3A_135, %div3A_136 : vector<16xf32>
      %add3A_138 = arith.addf %add3A_107, %add3A_114 : vector<16xf32>
      %add3A_139 = arith.addf %add3A_138, %add3A_121 : vector<16xf32>
      %div3A_140 = arith.constant 3.000000e+00 : f32
      %div3A_141 = vector.broadcast %div3A_140 : f32 to vector<16xf32>
      %div3A_142 = arith.divf %add3A_139, %div3A_141 : vector<16xf32>
      %add3A_143 = arith.addf %mul3A_125, %mul3A_129 : vector<16xf32>
      %add3A_144 = arith.addf %add3A_143, %mul3A_133 : vector<16xf32>
      %div3A_145 = arith.constant 3.000000e+00 : f32
      %div3A_146 = vector.broadcast %div3A_145 : f32 to vector<16xf32>
      %div3A_147 = arith.divf %add3A_144, %div3A_146 : vector<16xf32>
      %convert_element_type3A = arith.fptosi %div3A_137 : vector<16xf32> to vector<16xi32>
      %jit3A = arith.constant 0 : i32
      %jit3A_148 = arith.constant 511 : i32
      %max3A = vector.broadcast %jit3A : i32 to vector<16xi32>
      %max3A_149 = arith.maxsi %max3A, %convert_element_type3A : vector<16xi32>
      %min3A = vector.broadcast %jit3A_148 : i32 to vector<16xi32>
      %min3A_150 = arith.minsi %min3A, %max3A_149 : vector<16xi32>
      %convert_element_type3A_151 = arith.fptosi %div3A_142 : vector<16xf32> to vector<16xi32>
      %jit3A_152 = arith.constant 0 : i32
      %jit3A_153 = arith.constant 511 : i32
      %max3A_154 = vector.broadcast %jit3A_152 : i32 to vector<16xi32>
      %max3A_155 = arith.maxsi %max3A_154, %convert_element_type3A_151 : vector<16xi32>
      %min3A_156 = vector.broadcast %jit3A_153 : i32 to vector<16xi32>
      %min3A_157 = arith.minsi %min3A_156, %max3A_155 : vector<16xi32>
      %ge3A = arith.constant 9976 : i32
      %ge3A_158 = vector.broadcast %ge3A : i32 to vector<16xi32>
      %ge3A_159 = arith.cmpi sge, %add3A_73, %ge3A_158 : vector<16xi32>
      %convert_element_type3A_160 = arith.extui %ge3A_159 : vector<16xi1> to vector<16xi32>
      %ge3A_161 = arith.constant 19952 : i32
      %ge3A_162 = vector.broadcast %ge3A_161 : i32 to vector<16xi32>
      %ge3A_163 = arith.cmpi sge, %add3A_73, %ge3A_162 : vector<16xi32>
      %convert_element_type3A_164 = arith.extui %ge3A_163 : vector<16xi1> to vector<16xi32>
      %add3A_165 = arith.addi %convert_element_type3A_160, %convert_element_type3A_164 : vector<16xi32>
      %ge3A_166 = arith.constant 29928 : i32
      %ge3A_167 = vector.broadcast %ge3A_166 : i32 to vector<16xi32>
      %ge3A_168 = arith.cmpi sge, %add3A_73, %ge3A_167 : vector<16xi32>
      %convert_element_type3A_169 = arith.extui %ge3A_168 : vector<16xi1> to vector<16xi32>
      %add3A_170 = arith.addi %add3A_165, %convert_element_type3A_169 : vector<16xi32>
      %mul3A_171 = arith.constant 512 : i32
      %mul3A_172 = vector.broadcast %mul3A_171 : i32 to vector<16xi32>
      %mul3A_173 = arith.muli %add3A_170, %mul3A_172 : vector<16xi32>
      %add3A_174 = arith.addi %mul3A_173, %min3A_157 : vector<16xi32>
      %mul3A_175 = arith.constant 512 : i32
      %mul3A_176 = vector.broadcast %mul3A_175 : i32 to vector<16xi32>
      %mul3A_177 = arith.muli %add3A_174, %mul3A_176 : vector<16xi32>
      %add3A_178 = arith.addi %mul3A_177, %min3A_150 : vector<16xi32>
      %swap3A = arith.index_cast %mul3A_70 : i32 to index
      %swap3A_179 = tpu.vector_load %arg21[%swap3A] {strides = array<i32>} : memref<1248xi32, #tpu.memory_space<vmem>>, vector<16xi32>,
      tpu.vector_store %arg21[%swap3A], %add3A_178 {strides = array<i32>} : memref<1248xi32, #tpu.memory_space<vmem>>, vector<16xi32>,
      %jit3A_180 = arith.constant 1.000000e+30 : f32
      %broadcast_in_dim3A_181 = vector.broadcast %jit3A_180 : f32 to vector<16xf32>
      %select_n3A = arith.select %lt3A_75, %div3A_147, %broadcast_in_dim3A_181 : vector<16xi1>, vector<16xf32>
      %swap3A_182 = arith.index_cast %mul3A_70 : i32 to index
      %swap3A_183 = tpu.vector_load %arg22[%swap3A_182] {strides = array<i32>} : memref<1248xf32, #tpu.memory_space<vmem>>, vector<16xf32>,
      tpu.vector_store %arg22[%swap3A_182], %select_n3A {strides = array<i32>} : memref<1248xf32, #tpu.memory_space<vmem>>, vector<16xf32>,
      %jit3A_184 = arith.constant -1 : i32
      %broadcast_in_dim3A_185 = vector.broadcast %jit3A_184 : i32 to vector<16xi32>
      %select_n3A_186 = arith.select %lt3A_75, %add3A_73, %broadcast_in_dim3A_185 : vector<16xi1>, vector<16xi32>
      %swap3A_187 = arith.index_cast %mul3A_70 : i32 to index
      %swap3A_188 = tpu.vector_load %arg23[%swap3A_187] {strides = array<i32>} : memref<1248xi32, #tpu.memory_space<vmem>>, vector<16xi32>,
      tpu.vector_store %arg23[%swap3A_187], %select_n3A_186 {strides = array<i32>} : memref<1248xi32, #tpu.memory_space<vmem>>, vector<16xi32>,
      %add3A_189 = vector.broadcast %mul3A_70 : i32 to vector<16xi32>
      %add3A_190 = arith.addi %add3A_189, %iota3A : vector<16xi32>
      %mul3A_191 = arith.constant 16 : i32
      %mul3A_192 = vector.broadcast %mul3A_191 : i32 to vector<16xi32>
      %mul3A_193 = arith.muli %add3A_190, %mul3A_192 : vector<16xi32>
      %add3A_194 = arith.constant 0 : i32
      %add3A_195 = arith.addi %add3A_194, %mul3A_70 : i32
      %get3A_196 = arith.index_cast %add3A_195 : i32 to index
      %get3A_197 = tpu.vector_load %arg19[%get3A_196] {strides = array<i32>} : memref<29952xf32, #tpu.memory_space<vmem>>, vector<16xf32>,
      %add3A_198 = arith.constant 9984 : i32
      %add3A_199 = arith.addi %add3A_198, %mul3A_70 : i32
      %get3A_200 = arith.index_cast %add3A_199 : i32 to index
      %get3A_201 = tpu.vector_load %arg19[%get3A_200] {strides = array<i32>} : memref<29952xf32, #tpu.memory_space<vmem>>, vector<16xf32>,
      %add3A_202 = arith.constant 19968 : i32
      %add3A_203 = arith.addi %add3A_202, %mul3A_70 : i32
      %get3A_204 = arith.index_cast %add3A_203 : i32 to index
      %get3A_205 = tpu.vector_load %arg19[%get3A_204] {strides = array<i32>} : memref<29952xf32, #tpu.memory_space<vmem>>, vector<16xf32>,
      %mul3A_206 = vector.broadcast %scan3A_60 : f32 to vector<16xf32>
      %mul3A_207 = arith.mulf %get3A_197, %mul3A_206 : vector<16xf32>
      %mul3A_208 = vector.broadcast %scan3A_60 : f32 to vector<16xf32>
      %mul3A_209 = arith.mulf %get3A_201, %mul3A_208 : vector<16xf32>
      %add3A_210 = arith.addf %mul3A_207, %mul3A_209 : vector<16xf32>
      %mul3A_211 = vector.broadcast %scan3A_60 : f32 to vector<16xf32>
      %mul3A_212 = arith.mulf %get3A_205, %mul3A_211 : vector<16xf32>
      %add3A_213 = arith.addf %add3A_210, %mul3A_212 : vector<16xf32>
      %add3A_214 = arith.constant 0 : i32
      %add3A_215 = vector.broadcast %add3A_214 : i32 to vector<16xi32>
      %add3A_216 = arith.addi %mul3A_193, %add3A_215 : vector<16xi32>
      tpu.vector_store_idx %arg20[%add3A_216], %add3A_213 : memref<19968xf32, #tpu.memory_space<vmem>>[vector<16xi32>], vector<16xf32>,
      %add3A_217 = arith.constant 1248 : i32
      %add3A_218 = arith.addi %add3A_217, %mul3A_70 : i32
      %get3A_219 = arith.index_cast %add3A_218 : i32 to index
      %get3A_220 = tpu.vector_load %arg19[%get3A_219] {strides = array<i32>} : memref<29952xf32, #tpu.memory_space<vmem>>, vector<16xf32>,
      %add3A_221 = arith.constant 11232 : i32
      %add3A_222 = arith.addi %add3A_221, %mul3A_70 : i32
      %get3A_223 = arith.index_cast %add3A_222 : i32 to index
      %get3A_224 = tpu.vector_load %arg19[%get3A_223] {strides = array<i32>} : memref<29952xf32, #tpu.memory_space<vmem>>, vector<16xf32>,
      %add3A_225 = arith.constant 21216 : i32
      %add3A_226 = arith.addi %add3A_225, %mul3A_70 : i32
      %get3A_227 = arith.index_cast %add3A_226 : i32 to index
      %get3A_228 = tpu.vector_load %arg19[%get3A_227] {strides = array<i32>} : memref<29952xf32, #tpu.memory_space<vmem>>, vector<16xf32>,
      %mul3A_229 = vector.broadcast %scan3A_60 : f32 to vector<16xf32>
      %mul3A_230 = arith.mulf %get3A_220, %mul3A_229 : vector<16xf32>
      %mul3A_231 = vector.broadcast %scan3A_60 : f32 to vector<16xf32>
      %mul3A_232 = arith.mulf %get3A_224, %mul3A_231 : vector<16xf32>
      %add3A_233 = arith.addf %mul3A_230, %mul3A_232 : vector<16xf32>
      %mul3A_234 = vector.broadcast %scan3A_60 : f32 to vector<16xf32>
      %mul3A_235 = arith.mulf %get3A_228, %mul3A_234 : vector<16xf32>
      %add3A_236 = arith.addf %add3A_233, %mul3A_235 : vector<16xf32>
      %add3A_237 = arith.constant 1 : i32
      %add3A_238 = vector.broadcast %add3A_237 : i32 to vector<16xi32>
      %add3A_239 = arith.addi %mul3A_193, %add3A_238 : vector<16xi32>
      tpu.vector_store_idx %arg20[%add3A_239], %add3A_236 : memref<19968xf32, #tpu.memory_space<vmem>>[vector<16xi32>], vector<16xf32>,
      %add3A_240 = arith.constant 2496 : i32
      %add3A_241 = arith.addi %add3A_240, %mul3A_70 : i32
      %get3A_242 = arith.index_cast %add3A_241 : i32 to index
      %get3A_243 = tpu.vector_load %arg19[%get3A_242] {strides = array<i32>} : memref<29952xf32, #tpu.memory_space<vmem>>, vector<16xf32>,
      %add3A_244 = arith.constant 12480 : i32
      %add3A_245 = arith.addi %add3A_244, %mul3A_70 : i32
      %get3A_246 = arith.index_cast %add3A_245 : i32 to index
      %get3A_247 = tpu.vector_load %arg19[%get3A_246] {strides = array<i32>} : memref<29952xf32, #tpu.memory_space<vmem>>, vector<16xf32>,
      %add3A_248 = arith.constant 22464 : i32
      %add3A_249 = arith.addi %add3A_248, %mul3A_70 : i32
      %get3A_250 = arith.index_cast %add3A_249 : i32 to index
      %get3A_251 = tpu.vector_load %arg19[%get3A_250] {strides = array<i32>} : memref<29952xf32, #tpu.memory_space<vmem>>, vector<16xf32>,
      %mul3A_252 = vector.broadcast %scan3A_60 : f32 to vector<16xf32>
      %mul3A_253 = arith.mulf %get3A_243, %mul3A_252 : vector<16xf32>
      %mul3A_254 = vector.broadcast %scan3A_60 : f32 to vector<16xf32>
      %mul3A_255 = arith.mulf %get3A_247, %mul3A_254 : vector<16xf32>
      %add3A_256 = arith.addf %mul3A_253, %mul3A_255 : vector<16xf32>
      %mul3A_257 = vector.broadcast %scan3A_60 : f32 to vector<16xf32>
      %mul3A_258 = arith.mulf %get3A_251, %mul3A_257 : vector<16xf32>
      %add3A_259 = arith.addf %add3A_256, %mul3A_258 : vector<16xf32>
      %add3A_260 = arith.constant 2 : i32
      %add3A_261 = vector.broadcast %add3A_260 : i32 to vector<16xi32>
      %add3A_262 = arith.addi %mul3A_193, %add3A_261 : vector<16xi32>
      tpu.vector_store_idx %arg20[%add3A_262], %add3A_259 : memref<19968xf32, #tpu.memory_space<vmem>>[vector<16xi32>], vector<16xf32>,
      %add3A_263 = arith.constant 3744 : i32
      %add3A_264 = arith.addi %add3A_263, %mul3A_70 : i32
      %get3A_265 = arith.index_cast %add3A_264 : i32 to index
      %get3A_266 = tpu.vector_load %arg19[%get3A_265] {strides = array<i32>} : memref<29952xf32, #tpu.memory_space<vmem>>, vector<16xf32>,
      %add3A_267 = arith.constant 13728 : i32
      %add3A_268 = arith.addi %add3A_267, %mul3A_70 : i32
      %get3A_269 = arith.index_cast %add3A_268 : i32 to index
      %get3A_270 = tpu.vector_load %arg19[%get3A_269] {strides = array<i32>} : memref<29952xf32, #tpu.memory_space<vmem>>, vector<16xf32>,
      %add3A_271 = arith.constant 23712 : i32
      %add3A_272 = arith.addi %add3A_271, %mul3A_70 : i32
      %get3A_273 = arith.index_cast %add3A_272 : i32 to index
      %get3A_274 = tpu.vector_load %arg19[%get3A_273] {strides = array<i32>} : memref<29952xf32, #tpu.memory_space<vmem>>, vector<16xf32>,
      %mul3A_275 = vector.broadcast %scan3A_60 : f32 to vector<16xf32>
      %mul3A_276 = arith.mulf %get3A_266, %mul3A_275 : vector<16xf32>
      %mul3A_277 = vector.broadcast %scan3A_60 : f32 to vector<16xf32>
      %mul3A_278 = arith.mulf %get3A_270, %mul3A_277 : vector<16xf32>
      %add3A_279 = arith.addf %mul3A_276, %mul3A_278 : vector<16xf32>
      %mul3A_280 = vector.broadcast %scan3A_60 : f32 to vector<16xf32>
      %mul3A_281 = arith.mulf %get3A_274, %mul3A_280 : vector<16xf32>
      %add3A_282 = arith.addf %add3A_279, %mul3A_281 : vector<16xf32>
      %add3A_283 = arith.constant 3 : i32
      %add3A_284 = vector.broadcast %add3A_283 : i32 to vector<16xi32>
      %add3A_285 = arith.addi %mul3A_193, %add3A_284 : vector<16xi32>
      tpu.vector_store_idx %arg20[%add3A_285], %add3A_282 : memref<19968xf32, #tpu.memory_space<vmem>>[vector<16xi32>], vector<16xf32>,
      %add3A_286 = arith.constant 4992 : i32
      %add3A_287 = arith.addi %add3A_286, %mul3A_70 : i32
      %get3A_288 = arith.index_cast %add3A_287 : i32 to index
      %get3A_289 = tpu.vector_load %arg19[%get3A_288] {strides = array<i32>} : memref<29952xf32, #tpu.memory_space<vmem>>, vector<16xf32>,
      %add3A_290 = arith.constant 14976 : i32
      %add3A_291 = arith.addi %add3A_290, %mul3A_70 : i32
      %get3A_292 = arith.index_cast %add3A_291 : i32 to index
      %get3A_293 = tpu.vector_load %arg19[%get3A_292] {strides = array<i32>} : memref<29952xf32, #tpu.memory_space<vmem>>, vector<16xf32>,
      %add3A_294 = arith.constant 24960 : i32
      %add3A_295 = arith.addi %add3A_294, %mul3A_70 : i32
      %get3A_296 = arith.index_cast %add3A_295 : i32 to index
      %get3A_297 = tpu.vector_load %arg19[%get3A_296] {strides = array<i32>} : memref<29952xf32, #tpu.memory_space<vmem>>, vector<16xf32>,
      %mul3A_298 = vector.broadcast %scan3A_60 : f32 to vector<16xf32>
      %mul3A_299 = arith.mulf %get3A_289, %mul3A_298 : vector<16xf32>
      %mul3A_300 = vector.broadcast %scan3A_60 : f32 to vector<16xf32>
      %mul3A_301 = arith.mulf %get3A_293, %mul3A_300 : vector<16xf32>
      %add3A_302 = arith.addf %mul3A_299, %mul3A_301 : vector<16xf32>
      %mul3A_303 = vector.broadcast %scan3A_60 : f32 to vector<16xf32>
      %mul3A_304 = arith.mulf %get3A_297, %mul3A_303 : vector<16xf32>
      %add3A_305 = arith.addf %add3A_302, %mul3A_304 : vector<16xf32>
      %add3A_306 = arith.constant 4 : i32
      %add3A_307 = vector.broadcast %add3A_306 : i32 to vector<16xi32>
      %add3A_308 = arith.addi %mul3A_193, %add3A_307 : vector<16xi32>
      tpu.vector_store_idx %arg20[%add3A_308], %add3A_305 : memref<19968xf32, #tpu.memory_space<vmem>>[vector<16xi32>], vector<16xf32>,
      %add3A_309 = arith.constant 6240 : i32
      %add3A_310 = arith.addi %add3A_309, %mul3A_70 : i32
      %get3A_311 = arith.index_cast %add3A_310 : i32 to index
      %get3A_312 = tpu.vector_load %arg19[%get3A_311] {strides = array<i32>} : memref<29952xf32, #tpu.memory_space<vmem>>, vector<16xf32>,
      %add3A_313 = arith.constant 16224 : i32
      %add3A_314 = arith.addi %add3A_313, %mul3A_70 : i32
      %get3A_315 = arith.index_cast %add3A_314 : i32 to index
      %get3A_316 = tpu.vector_load %arg19[%get3A_315] {strides = array<i32>} : memref<29952xf32, #tpu.memory_space<vmem>>, vector<16xf32>,
      %add3A_317 = arith.constant 26208 : i32
      %add3A_318 = arith.addi %add3A_317, %mul3A_70 : i32
      %get3A_319 = arith.index_cast %add3A_318 : i32 to index
      %get3A_320 = tpu.vector_load %arg19[%get3A_319] {strides = array<i32>} : memref<29952xf32, #tpu.memory_space<vmem>>, vector<16xf32>,
      %mul3A_321 = vector.broadcast %scan3A_60 : f32 to vector<16xf32>
      %mul3A_322 = arith.mulf %get3A_312, %mul3A_321 : vector<16xf32>
      %mul3A_323 = vector.broadcast %scan3A_60 : f32 to vector<16xf32>
      %mul3A_324 = arith.mulf %get3A_316, %mul3A_323 : vector<16xf32>
      %add3A_325 = arith.addf %mul3A_322, %mul3A_324 : vector<16xf32>
      %mul3A_326 = vector.broadcast %scan3A_60 : f32 to vector<16xf32>
      %mul3A_327 = arith.mulf %get3A_320, %mul3A_326 : vector<16xf32>
      %add3A_328 = arith.addf %add3A_325, %mul3A_327 : vector<16xf32>
      %add3A_329 = arith.constant 5 : i32
      %add3A_330 = vector.broadcast %add3A_329 : i32 to vector<16xi32>
      %add3A_331 = arith.addi %mul3A_193, %add3A_330 : vector<16xi32>
      tpu.vector_store_idx %arg20[%add3A_331], %add3A_328 : memref<19968xf32, #tpu.memory_space<vmem>>[vector<16xi32>], vector<16xf32>,
      %add3A_332 = arith.constant 7488 : i32
      %add3A_333 = arith.addi %add3A_332, %mul3A_70 : i32
      %get3A_334 = arith.index_cast %add3A_333 : i32 to index
      %get3A_335 = tpu.vector_load %arg19[%get3A_334] {strides = array<i32>} : memref<29952xf32, #tpu.memory_space<vmem>>, vector<16xf32>,
      %add3A_336 = arith.constant 17472 : i32
      %add3A_337 = arith.addi %add3A_336, %mul3A_70 : i32
      %get3A_338 = arith.index_cast %add3A_337 : i32 to index
      %get3A_339 = tpu.vector_load %arg19[%get3A_338] {strides = array<i32>} : memref<29952xf32, #tpu.memory_space<vmem>>, vector<16xf32>,
      %add3A_340 = arith.constant 27456 : i32
      %add3A_341 = arith.addi %add3A_340, %mul3A_70 : i32
      %get3A_342 = arith.index_cast %add3A_341 : i32 to index
      %get3A_343 = tpu.vector_load %arg19[%get3A_342] {strides = array<i32>} : memref<29952xf32, #tpu.memory_space<vmem>>, vector<16xf32>,
      %mul3A_344 = vector.broadcast %scan3A_60 : f32 to vector<16xf32>
      %mul3A_345 = arith.mulf %get3A_335, %mul3A_344 : vector<16xf32>
      %mul3A_346 = vector.broadcast %scan3A_60 : f32 to vector<16xf32>
      %mul3A_347 = arith.mulf %get3A_339, %mul3A_346 : vector<16xf32>
      %add3A_348 = arith.addf %mul3A_345, %mul3A_347 : vector<16xf32>
      %mul3A_349 = vector.broadcast %scan3A_60 : f32 to vector<16xf32>
      %mul3A_350 = arith.mulf %get3A_343, %mul3A_349 : vector<16xf32>
      %add3A_351 = arith.addf %add3A_348, %mul3A_350 : vector<16xf32>
      %add3A_352 = arith.constant 6 : i32
      %add3A_353 = vector.broadcast %add3A_352 : i32 to vector<16xi32>
      %add3A_354 = arith.addi %mul3A_193, %add3A_353 : vector<16xi32>
      tpu.vector_store_idx %arg20[%add3A_354], %add3A_351 : memref<19968xf32, #tpu.memory_space<vmem>>[vector<16xi32>], vector<16xf32>,
      %add3A_355 = arith.constant 8736 : i32
      %add3A_356 = arith.addi %add3A_355, %mul3A_70 : i32
      %get3A_357 = arith.index_cast %add3A_356 : i32 to index
      %get3A_358 = tpu.vector_load %arg19[%get3A_357] {strides = array<i32>} : memref<29952xf32, #tpu.memory_space<vmem>>, vector<16xf32>,
      %add3A_359 = arith.constant 18720 : i32
      %add3A_360 = arith.addi %add3A_359, %mul3A_70 : i32
      %get3A_361 = arith.index_cast %add3A_360 : i32 to index
      %get3A_362 = tpu.vector_load %arg19[%get3A_361] {strides = array<i32>} : memref<29952xf32, #tpu.memory_space<vmem>>, vector<16xf32>,
      %add3A_363 = arith.constant 28704 : i32
      %add3A_364 = arith.addi %add3A_363, %mul3A_70 : i32
      %get3A_365 = arith.index_cast %add3A_364 : i32 to index
      %get3A_366 = tpu.vector_load %arg19[%get3A_365] {strides = array<i32>} : memref<29952xf32, #tpu.memory_space<vmem>>, vector<16xf32>,
      %mul3A_367 = vector.broadcast %scan3A_60 : f32 to vector<16xf32>
      %mul3A_368 = arith.mulf %get3A_358, %mul3A_367 : vector<16xf32>
      %mul3A_369 = vector.broadcast %scan3A_60 : f32 to vector<16xf32>
      %mul3A_370 = arith.mulf %get3A_362, %mul3A_369 : vector<16xf32>
      %add3A_371 = arith.addf %mul3A_368, %mul3A_370 : vector<16xf32>
      %mul3A_372 = vector.broadcast %scan3A_60 : f32 to vector<16xf32>
      %mul3A_373 = arith.mulf %get3A_366, %mul3A_372 : vector<16xf32>
      %add3A_374 = arith.addf %add3A_371, %mul3A_373 : vector<16xf32>
      %add3A_375 = arith.constant 7 : i32
      %add3A_376 = vector.broadcast %add3A_375 : i32 to vector<16xi32>
      %add3A_377 = arith.addi %mul3A_193, %add3A_376 : vector<16xi32>
      tpu.vector_store_idx %arg20[%add3A_377], %add3A_374 : memref<19968xf32, #tpu.memory_space<vmem>>[vector<16xi32>], vector<16xf32>,
      %add3A_378 = arith.constant 8 : i32
      %add3A_379 = vector.broadcast %add3A_378 : i32 to vector<16xi32>
      %add3A_380 = arith.addi %mul3A_193, %add3A_379 : vector<16xi32>
      tpu.vector_store_idx %arg20[%add3A_380], %broadcast_in_dim3A_58 : memref<19968xf32, #tpu.memory_space<vmem>>[vector<16xi32>], vector<16xf32>,
    }
    %scan3A_65 = arith.constant 78 : i32
    "tpu.region"() ({
      %run_scoped3A = tpu.sem_alloc : memref<!tpu.dma_semaphore, #tpu.memory_space<semaphore_mem>>
      %dma_start3A = tpu.memref_slice %arg9[%mul3A_2] : memref<39936xi32, #tpu.memory_space<hbm>> -> memref<1248xi32, #tpu.memory_space<hbm>>
      %dma_start3A_68 = tpu.memref_slice %arg9[%mul3A_2] : memref<39936xi32, #tpu.memory_space<hbm>> -> memref<1248xi32, #tpu.memory_space<hbm>>
      tpu.enqueue_dma source(%arg21 : memref<1248xi32, #tpu.memory_space<vmem>>) target(%dma_start3A_68 : memref<1248xi32, #tpu.memory_space<hbm>>) target_semaphore(%run_scoped3A : memref<!tpu.dma_semaphore, #tpu.memory_space<semaphore_mem>>)
      %dma_wait3A = tpu.memref_slice %arg9[%mul3A_2] : memref<39936xi32, #tpu.memory_space<hbm>> -> memref<1248xi32, #tpu.memory_space<hbm>>
      %dma_wait3A_69 = tpu.memref_slice %arg9[%mul3A_2] : memref<39936xi32, #tpu.memory_space<hbm>> -> memref<1248xi32, #tpu.memory_space<hbm>>
      tpu.wait_dma2 semaphore(%run_scoped3A : memref<!tpu.dma_semaphore, #tpu.memory_space<semaphore_mem>>) src(%arg21 : memref<1248xi32, #tpu.memory_space<vmem>>) dst(%dma_wait3A_69 : memref<1248xi32, #tpu.memory_space<hbm>>)
      tpu.yield
    }) : () -> ()
    "tpu.region"() ({
      %run_scoped3A = tpu.sem_alloc : memref<!tpu.dma_semaphore, #tpu.memory_space<semaphore_mem>>
      %dma_start3A = tpu.memref_slice %arg10[%mul3A_2] : memref<39936xf32, #tpu.memory_space<hbm>> -> memref<1248xf32, #tpu.memory_space<hbm>>
      %dma_start3A_68 = tpu.memref_slice %arg10[%mul3A_2] : memref<39936xf32, #tpu.memory_space<hbm>> -> memref<1248xf32, #tpu.memory_space<hbm>>
      tpu.enqueue_dma source(%arg22 : memref<1248xf32, #tpu.memory_space<vmem>>) target(%dma_start3A_68 : memref<1248xf32, #tpu.memory_space<hbm>>) target_semaphore(%run_scoped3A : memref<!tpu.dma_semaphore, #tpu.memory_space<semaphore_mem>>)
      %dma_wait3A = tpu.memref_slice %arg10[%mul3A_2] : memref<39936xf32, #tpu.memory_space<hbm>> -> memref<1248xf32, #tpu.memory_space<hbm>>
      %dma_wait3A_69 = tpu.memref_slice %arg10[%mul3A_2] : memref<39936xf32, #tpu.memory_space<hbm>> -> memref<1248xf32, #tpu.memory_space<hbm>>
      tpu.wait_dma2 semaphore(%run_scoped3A : memref<!tpu.dma_semaphore, #tpu.memory_space<semaphore_mem>>) src(%arg22 : memref<1248xf32, #tpu.memory_space<vmem>>) dst(%dma_wait3A_69 : memref<1248xf32, #tpu.memory_space<hbm>>)
      tpu.yield
    }) : () -> ()
    "tpu.region"() ({
      %run_scoped3A = tpu.sem_alloc : memref<!tpu.dma_semaphore, #tpu.memory_space<semaphore_mem>>
      %dma_start3A = tpu.memref_slice %arg11[%mul3A_2] : memref<39936xi32, #tpu.memory_space<hbm>> -> memref<1248xi32, #tpu.memory_space<hbm>>
      %dma_start3A_68 = tpu.memref_slice %arg11[%mul3A_2] : memref<39936xi32, #tpu.memory_space<hbm>> -> memref<1248xi32, #tpu.memory_space<hbm>>
      tpu.enqueue_dma source(%arg23 : memref<1248xi32, #tpu.memory_space<vmem>>) target(%dma_start3A_68 : memref<1248xi32, #tpu.memory_space<hbm>>) target_semaphore(%run_scoped3A : memref<!tpu.dma_semaphore, #tpu.memory_space<semaphore_mem>>)
      %dma_wait3A = tpu.memref_slice %arg11[%mul3A_2] : memref<39936xi32, #tpu.memory_space<hbm>> -> memref<1248xi32, #tpu.memory_space<hbm>>
      %dma_wait3A_69 = tpu.memref_slice %arg11[%mul3A_2] : memref<39936xi32, #tpu.memory_space<hbm>> -> memref<1248xi32, #tpu.memory_space<hbm>>
      tpu.wait_dma2 semaphore(%run_scoped3A : memref<!tpu.dma_semaphore, #tpu.memory_space<semaphore_mem>>) src(%arg23 : memref<1248xi32, #tpu.memory_space<vmem>>) dst(%dma_wait3A_69 : memref<1248xi32, #tpu.memory_space<hbm>>)
      tpu.yield
    }) : () -> ()
    %mul3A_66 = arith.constant 16 : i32
    %mul3A_67 = arith.muli %mul3A_2, %mul3A_66 : i32
    "tpu.region"() ({
      %run_scoped3A = tpu.sem_alloc : memref<!tpu.dma_semaphore, #tpu.memory_space<semaphore_mem>>
      %dma_start3A = tpu.memref_slice %arg12[%mul3A_67] : memref<638976xf32, #tpu.memory_space<hbm>> -> memref<19968xf32, #tpu.memory_space<hbm>>
      %dma_start3A_68 = tpu.memref_slice %arg12[%mul3A_67] : memref<638976xf32, #tpu.memory_space<hbm>> -> memref<19968xf32, #tpu.memory_space<hbm>>
      tpu.enqueue_dma source(%arg20 : memref<19968xf32, #tpu.memory_space<vmem>>) target(%dma_start3A_68 : memref<19968xf32, #tpu.memory_space<hbm>>) target_semaphore(%run_scoped3A : memref<!tpu.dma_semaphore, #tpu.memory_space<semaphore_mem>>)
      %dma_wait3A = tpu.memref_slice %arg12[%mul3A_67] : memref<638976xf32, #tpu.memory_space<hbm>> -> memref<19968xf32, #tpu.memory_space<hbm>>
      %dma_wait3A_69 = tpu.memref_slice %arg12[%mul3A_67] : memref<638976xf32, #tpu.memory_space<hbm>> -> memref<19968xf32, #tpu.memory_space<hbm>>
      tpu.wait_dma2 semaphore(%run_scoped3A : memref<!tpu.dma_semaphore, #tpu.memory_space<semaphore_mem>>) src(%arg20 : memref<19968xf32, #tpu.memory_space<vmem>>) dst(%dma_wait3A_69 : memref<19968xf32, #tpu.memory_space<hbm>>)
      tpu.yield
    }) : () -> ()
    return
  }
}

</mosaic_0001>

<sc_bundles>
// kernel: kernel.11.cloned.1.call-start
scs
__scs_entry_jumppad:
0x0: {  	(pc) =	sbr.rel $0x88, $3  }
0x1: {  	(tag) =	ssettag $0x0;
	lr =	simm.s32 $0x1  }
0x2: {  	[smem:$0x3F9E] =	sst lr;
	_ =	strace $0xD0000000  }
0x3: {  	_ = 	snop  }
0x4: {  	_ = 	snop  }
0x5: {  	_ = 	snop  }
0x6: {  	_ = 	snop  }
0x7: {  	_ = 	snop  }
__scs_overlays_trampoline_lowered:
0x8: {  	[smem:$0x3FAD] =	sst s0  }
0x9: {  	[smem:$0x3FAE] =	sst s1  }
0xa: {  	[smem:$0x3FAF] =	sst s2  }
0xb: {  	[smem:$0x3FB0] =	sst s3  }
0xc: {  	[smem:$0x3FB1] =	sst s4  }
0xd: {  	[smem:$0x3FB2] =	sst s5  }
0xe: {  	[smem:$0x3FB3] =	sst s6  }
0xf: {  	[smem:$0x3FB4] =	sst s7  }
0x10: {  	[smem:$0x3FB5] =	sst s8  }
0x11: {  	[smem:$0x3FB6] =	sst s9;
	s0 =	simm.s32 @!p0 $0x0  }
0x12: {  	s1 =	sld [smem:$0x3F9C];
	s0 =	simm.s32 @p0 $0x1  }
0x13: {  	[smem:$0x3FB7] =	sst s0;
	s0 =	simm.s32 @!p1 $0x0  }
0x14: {  	s2 =	sld [smem:$0x3F9B];
	s0 =	simm.s32 @p1 $0x1  }
0x15: {  	[smem:$0x3FB8] =	sst s0;
	s0 =	simm.s32 @!p2 $0x0  }
0x16: {  	s3 =	sld [smem:$0x3FDB];
	s0 =	simm.s32 @p2 $0x1  }
0x17: {  	s4 =	simm.s32 $0x1BF5;
	[smem:$0x3FBA] =	sst s0  }
0x18: {  	s0 =	sld [smem:$0x3F9D];
	_ =	swait.ge [sflag:s4], $0x0  }
0x19: {  	s7 =	sld [smem:$0x3F9E]  }
0x1a: {  	s8 =	sadd.s32 $0xFFFFE003, lr  }
0x1b: {  	s9 =	sadd.s32 $0xFFFFFEF7, lr;
	s5 =	simm.s32 $0xFFFFFFFF;
	p2 =	slt.u32 s8, $0xFFFFF086  }
0x1c: {  	p1 =	slt.u32 s9, $0xF7A;
	s5 =	simm.s32 @!p2 $0x0  }
0x1d: {  	s5 =	simm.s32 @p1 $0x1;
	p0 =	seq.s32 s7, s2  }
0x1e: {  	s7 =	smul.u32 @!p0 $0xF7A, s2;
	p2 =	seq.s32 @!p0 s5, $0x0  }
0x1f: {  	s9 =	smul.u32 $0xF7A, s1;
	s8 =	simm.s32 @!p0 $0x1BF5;
	p2 =	por !p2, p0  }
0x20: {  	[sflag:s8] =	ssyncset.s32 @!p0 $0xFFFFF086;
	s6 =	sadd.s32 @!p0 s3, s7;
	s7 =	simm.s32 @!p0 $0x108  }
0x21: {  	s3 =	sadd.s32 s3, s9;
	s6 =	sadd.s32 @!p0 $0x88, s6;
	s7 =	simm.s32 @p2 $0x1082  }
0x22: {  	[simem:s7], [sflag:s8] =	dma.local @!p0 [hbm:s6], $0xF7A  }
0x23: {  	s9 =	sor.u32 $0xD0000000, s2;
	s6 =	simm.s32 $0x108;
	_ =	swait.ge @!p0 [sflag:s8], $0x0  }
0x24: {  	s3 =	sadd.s32 $0x88, s3;
	s6 =	simm.s32 @!p1 $0x1082;
	[sflag:s4] =	ssyncset.s32 $0xFFFFF086  }
0x25: {  	[simem:s6], [sflag:s4] =	dma.local [hbm:s3], $0xF7A  }
0x26: {  	[smem:$0x3F9E] =	sst s1;
	(tag) =	ssettag s2;
	_ =	strace s9  }
0x27: {  	s1 =	sld [smem:$0x3FAE]  }
0x28: {  	s2 =	sld [smem:$0x3FAF]  }
0x29: {  	s4 =	sld [smem:$0x3FB1]  }
0x2a: {  	p0 =	seq.s32 s5, $0x0;
	s5 =	sld [smem:$0x3FB2]  }
0x2b: {  	s6 =	sld [smem:$0x3FB3]  }
0x2c: {  	s7 =	sld [smem:$0x3FB4]  }
0x2d: {  	s3 =	simm.s32 $0x108;
	s8 =	sld [smem:$0x3FB5]  }
0x2e: {  	s3 =	simm.s32 @!p0 $0x1082;
	s9 =	sld [smem:$0x3FB6]  }
0x2f: {  	lr =	sadd.s32 s0, s3;
	s0 =	sld [smem:$0x3FAD]  }
0x30: {  	s3 =	sld [smem:$0x3FB0]  }
0x31: {  	[smem:$0x3FB9] =	sst s10  }
0x32: {  	s10 =	sld [smem:$0x3FB7];
	_ =	sdelay $0x3  }
0x33: {  	p0 =	seq.s32 s10, $0x1;
	s10 =	sld [smem:$0x3FB9];
	_ =	sdelay $0x3  }
0x34: {  	[smem:$0x3FB9] =	sst s10  }
0x35: {  	s10 =	sld [smem:$0x3FB8];
	_ =	sdelay $0x3  }
0x36: {  	p1 =	seq.s32 s10, $0x1;
	s10 =	sld [smem:$0x3FB9];
	_ =	sdelay $0x3  }
0x37: {  	[smem:$0x3FB9] =	sst s10  }
0x38: {  	s10 =	sld [smem:$0x3FBA]  }
0x39: {  	_ = 	snop;
	(pc) =	sbr.ind lr, $3  }
0x3a: {  	_ = 	snop  }
0x3b: {  	_ = 	snop  }
0x3c: {  	p2 =	seq.s32 s10, $0x1;
	s10 =	sld [smem:$0x3FB9]  }
0x3d: {  	_ =	shalt  }
0x3e: {  	_ =	shalt  }
0x3f: {  	_ =	shalt  }
0x40: {  	_ =	shalt  }
0x41: {  	_ =	shalt  }
0x42: {  	_ =	shalt  }
0x43: {  	_ =	shalt  }
0x44: {  	_ =	shalt  }
0x45: {  	_ =	shalt  }
0x46: {  	_ =	shalt  }
0x47: {  	_ =	shalt  }
0x48: {  	_ =	shalt  }
0x49: {  	_ =	shalt  }
0x4a: {  	_ =	shalt  }
0x4b: {  	_ =	shalt  }
0x4c: {  	_ =	shalt  }
0x4d: {  	_ =	shalt  }
0x4e: {  	_ =	shalt  }
0x4f: {  	_ =	shalt  }
0x50: {  	_ =	shalt  }
0x51: {  	_ =	shalt  }
0x52: {  	_ =	shalt  }
0x53: {  	_ =	shalt  }
0x54: {  	_ =	shalt  }
0x55: {  	_ =	shalt  }
0x56: {  	_ =	shalt  }
0x57: {  	_ =	shalt  }
0x58: {  	_ =	shalt  }
0x59: {  	_ =	shalt  }
0x5a: {  	_ =	shalt  }
0x5b: {  	_ =	shalt  }
0x5c: {  	_ =	shalt  }
0x5d: {  	_ =	shalt  }
0x5e: {  	_ =	shalt  }
0x5f: {  	_ =	shalt  }
0x60: {  	_ =	shalt  }
0x61: {  	_ =	shalt  }
0x62: {  	_ =	shalt  }
0x63: {  	_ =	shalt  }
0x64: {  	_ =	shalt  }
0x65: {  	_ =	shalt  }
0x66: {  	_ =	shalt  }
0x67: {  	_ =	shalt  }
0x68: {  	_ =	shalt  }
0x69: {  	_ =	shalt  }
0x6a: {  	_ =	shalt  }
0x6b: {  	_ =	shalt  }
0x6c: {  	_ =	shalt  }
0x6d: {  	_ =	shalt  }
0x6e: {  	_ =	shalt  }
0x6f: {  	_ =	shalt  }
0x70: {  	_ =	shalt  }
0x71: {  	_ =	shalt  }
0x72: {  	_ =	shalt  }
0x73: {  	_ =	shalt  }
0x74: {  	_ =	shalt  }
0x75: {  	_ =	shalt  }
0x76: {  	_ =	shalt  }
0x77: {  	_ =	shalt  }
0x78: {  	_ =	shalt  }
0x79: {  	_ =	shalt  }
0x7a: {  	_ =	shalt  }
0x7b: {  	_ =	shalt  }
0x7c: {  	_ =	shalt  }
0x7d: {  	_ =	shalt  }
0x7e: {  	_ =	shalt  }
0x7f: {  	_ =	shalt  }
0x80: {  	_ =	shalt  }
0x81: {  	_ =	shalt  }
0x82: {  	_ =	shalt  }
0x83: {  	_ =	shalt  }
0x84: {  	_ =	shalt  }
0x85: {  	_ =	shalt  }
0x86: {  	_ =	shalt  }
0x87: {  	_ =	shalt  }
.Lfunc_end0:
.L_simem_size_0:
called_computation.2_lowered:
.L_overlay_start_0:
0x88: {  	s2 =	sld [smem:$0x3FD9]  }
0x89: {  	s3 =	sld [smem:$0x3FFE];
	_ =	sdelay $0x1  }
0x8a: {  	s1 =	srdreg.scid  }
0x8b: {  	s0 =	sand.u32 $0x1, s1  }
0x8c: {  	s17 =	sshll.u32 s0, $0xA;
	s2 =	sadd.s32 s3, s2  }
0x8d: {  	s2 =	sadd.s32 s2, s17  }
0x8e: {  	[smem:$0x3FC5] =	sst s2  }
0x8f: {  	_ = 	snop  }
0x90: {  	s2 =	sld [smem:$0x3FD0];
	(tm) =	ssettm $0x1  }
0x91: {  	s18 =	sld [smem:$0x3FFB];
	_ =	sdelay $0x3  }
0x92: {  	_ =	strace s18  }
0x93: {  	s3 =	sld [smem:$0x3FFC];
	_ =	sdelay $0x3  }
0x94: {  	_ =	strace s3  }
0x95: {  	s3 =	sld [smem:$0x3FFD];
	_ =	sdelay $0x3  }
0x96: {  	_ =	strace s3  }
0x97: {  	_ =	strace $0x8FFFFFFF  }
0x98: {  	s19 =	sld [smem:$0x3FDB];
	_ =	sdelay $0x1  }
0x99: {  	s4 =	simm.s32 $_scs_section_size  }
0x9a: {  	s5 =	simm.s32 $_size__tile_overlayer_lowered;
	s6 =	simm.s32 $_tile_overlayer_lowered  }
0x9b: {  	s22 =	simm.s32 $0x1BFF;
	s21 =	sshll.u32 s6, $0x1;
	s3 =	sadd.s32 s4, s19  }
0x9c: {  	s7 =	simm.s32 $0x0;
	s20 =	sshll.u32 s5, $0x1;
	s5 =	sadd.s32 s21, s3  }
0x9d: {  	[timem:s7], [sflag:s22] =	dma.local [hbm:s5], s20  }
0x9e: {  	_ =	swait.ge [sflag:s22], s20  }
0x9f: {  	s4 =	ssub.s32 $0x0, s20;
	[sflag:s22] =	ssyncset.done $0x0  }
0xa0: {  	[sflag:s22] =	ssyncadd.s32 s4;
	_ =	sdelay $0x1  }
0xa1: {  	s23 =	simm.s32 $0x1B8B  }
0xa2: {  	_ =	swait.ge [sflag:s23], $0x1  }
0xa3: {  	[sflag:s23] =	ssyncset.done $0x0  }
0xa4: {  	s25 =	simm.s32 $0x1B8E;
	s24 =	sld [smem:$0x3FFE];
	[sflag:s23] =	ssyncadd.s32 $0xFFFFFFFF  }
0xa5: {  	s26 =	simm.s32 $execute0_lowered;
	[smem:$0x3FD2] =	sst s25  }
0xa6: {  	s5 =	sshll.u32 s26, $0x1;
	_ =	strace $0x8000004C;
	[dreg:$0x1] =	wrdreg $0xFFFFFFFF  }
0xa7: {  	s28 =	simm.s32 $_size_execute0_lowered;
	s3 =	sadd.s32 s3, s5;
	[dreg:$0x0] =	wrdreg $0x0  }
0xa8: {  	s5 =	sshll.u32 s28, $0x1;
	[dreg:$0x2] =	wrdreg s3  }
0xa9: {  	[dreg:$0x3] =	wrdreg s5  }
0xaa: {  	[dreg:$0x4] =	wrdreg $0xC0  }
0xab: {  	_ =	task [dreg:s7], $0x5FFFF  }
0xac: {  	[dreg:$0x1] =	wrdreg $0xFFFFFFFF  }
0xad: {  	[dreg:$0x0] =	wrdreg $0x60  }
0xae: {  	[dreg:$0x2] =	wrdreg s2  }
0xaf: {  	[dreg:$0x3] =	wrdreg s24  }
0xb0: {  	[dreg:$0x4] =	wrdreg $0x9  }
0xb1: {  	_ =	task.clear_ibuf [dreg:s7], $0x5FFFF;
	_ =	strace $0x9000004C  }
0xb2: {  	s29 =	simm.s32 $0x9;
	_ =	strace $0x8000004E  }
0xb3: {  	_ =	swait.ge [sflag:s29], $0x1  }
0xb4: {  	[sflag:s29] =	ssyncadd.s32 $0xFFFFFFFF  }
0xb5: {  	_ =	strace $0x9000004E  }
0xb6: {  	_ =	sfence  }
0xb7: {  	s30 =	sld [smem:$0x0];
	_ =	sdelay $0x2  }
0xb8: {  	s31 =	sshll.u32 s1, $0xD;
	s1 =	sshrl.u32 s1, $0x2  }
0xb9: {  	s3 =	sand.u32 $0x4000, s31;
	s1 =	sadd.s32 s1, s30  }
0xba: {  	s0 =	sor.u32 s3, s0;
	s1 =	sshll.u32 s1, $0x11  }
0xbb: {  	s0 =	sor.u32 s1, s0  }
0xbc: {  	s0 =	sadd.s32 $0x8F2B, s0  }
0xbd: {  	[sflag:s0] =	ssyncadd.remote.s32 $0x1  }
0xbe: {  	_ =	sfence.sel $0xFFFF  }
0xbf: {  	[dreg:$0x0] =	wrdreg $0xFFFFFFFF;
	(pc) =	sbr.abs _section_cstart, $3  }
0xc0: {  	[dreg:$0x1] =	wrdreg $0xFFFFFFFF  }
0xc1: {  	_ =	task.clear_ibuf [dreg:s7], $0x2FFFF;
	_ =	strace $0x9FFFFFFF  }
0xc2: {  	(tm) =	ssettm $0x7FFFFFFF  }
0xc3: {  	_ =	shalt  }
tec
execute0_lowered:
.L_overlay_start_1:
0x0: {  	(tag) =	ssettag $0x1  }
0x1: {  	s0 =	rddreg [dreg:$0x0]  }
0x2: {  	s1 =	rddreg [dreg:$0x1];
	s2 =	simm.s32 $0x0;
	s4 =	srdreg.scid  }
0x3: {  	s6 =	stileid.u32;
	s15 =	simm.s32 $0x1;
	s16 =	simm.s32 $0x15000  }
0x4: {  	s17 =	simm.s32 $0x10800;
	s18 =	simm.s32 $0x11000;
	s19 =	simm.s32 $0x11800  }
0x5: {  	s20 =	simm.s32 $0x12000;
	s21 =	simm.s32 $0x12800;
	s22 =	simm.s32 $0x13000  }
0x6: {  	s23 =	simm.s32 $0x13800;
	s24 =	simm.s32 $0x14000;
	s25 =	simm.s32 $0x14800  }
0x7: {  	s26 =	simm.s32 $0x0;
	[smem:$0x7FF] =	sst s2;
	s3 =	sadd.s32 $0x1D400, s1  }
0x8: {  	s29 =	sand.u32 $0x1, s4;
	s30 =	sshll.u32 s6, $0x1;
	s31 =	sshrl.u32 s6, $0x2  }
0x9: {  	_ =	strace $0x8000004D;
	s5 =	ssub.s32 $0x2, s29;
	s1 =	sor.u32 s29, s30  }
0xa: {  	v0 =	vlaneseq.u32;
	s6 =	smul.u32 $0x240000, s31;
	s4 =	sshll.u32 s31, $0x12;
	s7 =	sshll.u32 s1, $0xF  }
0xb: {  	v0 =	vmul.u32 $0x11, v0;
	s8 =	sshrl.u32 s5, $0x1;
	s1 =	sshll.u32 s1, $0xC;
	s4 =	ssub.s32 s7, s4  }
0xc: {  	s14 =	ssub.s32 s5, s8;
	s5 =	sadd.s32 s0, s1;
	s4 =	sadd.s32 s6, s4  }
0xd: {  	v1 =	vimm.f32 $0.0e+00;
	v2 =	vadd.s32 $0x1, v0;
	s14 =	smax.u32 s14, $0x1;
	s6 =	sadd.s32 $0x40000, s4;
	s7 =	sadd.s32 $0x80000, s4  }
0xe: {  	v3 =	vadd.s32 $0x2, v0;
	v4 =	vadd.s32 $0x3, v0;
	v5 =	vadd.s32 $0x4, v0;
	s8 =	sadd.s32 $0xC0000, s4;
	s9 =	sadd.s32 $0x100000, s4;
	s10 =	sadd.s32 $0x140000, s4  }
0xf: {  	v6 =	vadd.s32 $0x5, v0;
	v7 =	vadd.s32 $0x6, v0;
	v8 =	vadd.s32 $0x7, v0;
	s11 =	sadd.s32 $0x180000, s4;
	s12 =	sadd.s32 $0x1C0000, s4;
	s13 =	sadd.s32 $0x200000, s4  }
.LBB2_1:
0x10: {  	[tilespmem:s2], [sflag:$0x1] =	stream.linear.gather [hbm4b:s5+s2], $0x8000, $0x38;
	[tilespmem:$0x15110] =	vst v63  }
0x11: {  	_ =	swait.ge [sflag:s15], $0x8000  }
0x12: {  	[sflag:s15] =	ssyncset.done $0x0  }
0x13: {  	s28 =	simm.s32 $0x0;
	s29 =	simm.s32 $0x0;
	[sflag:s15] =	ssyncadd.s32 $0xFFFF8000  }
.LBB2_2:
0x14: {  	v9 =	vmov s28;
	_ =	sdelay $0x3  }
0x15: {  	s30 =	sshll.u32 s29, $0xB;
	s0 =	simm.s32 $0x0;
	s1 =	simm.s32 $0x40  }
.LBB2_3:
0x16: {  	p0 =	sne.s32 s1, $0x1FC0;
	v10 =	vld.idx.msk [tilespmem:v9+s0+$0x0 ss:$0x1], $0xffff;
	_ =	sdelay $0x3  }
.Ltmp0:
0x17: {  	(pc) =	sbr.rel @p0 .LBB2_3-.Ltmp0, $4  }
0x18: {  	_ = 	snop  }
0x19: {  	vm0 =	vgt.s32 v10, $0x0  }
0x1a: {  	v10 =	vnsel vm0, $0x0, v10  }
0x1b: {  	[tilespmem:s0+$0x8000] =	vst v10;
	s0 =	sshra.s32 s1, $0x2;
	s1 =	sadd.s32 $0x40, s1  }
0x1c: {  	_ =	sdelay $0x3  }
0x1d: {  	v10 =	vld.idx.msk [tilespmem:v9+s0+$0x0 ss:$0x1], $0xffff;
	_ =	sdelay $0x4  }
0x1e: {  	vm0 =	vgt.s32 v10, $0x0  }
0x1f: {  	v10 =	vnsel vm0, $0x0, v10  }
0x20: {  	s31 =	simm.s32 $0x8880;
	[tilespmem:s0+$0x8000] =	vst v10  }
0x21: {  	v10 =	vld [tilespmem:s31+$0xFFFFFF80];
	_ =	sdelay $0x4  }
0x22: {  	[tilespmem:$0x15000] =	vst v10  }
0x23: {  	v10 =	vld [tilespmem:s31+$0xFFFFFF90];
	_ =	sdelay $0x4  }
0x24: {  	[tilespmem:$0x15011] =	vst v10  }
0x25: {  	v10 =	vld [tilespmem:s31+$0xFFFFFFA0];
	_ =	sdelay $0x4  }
0x26: {  	[tilespmem:$0x15022] =	vst v10  }
0x27: {  	v10 =	vld [tilespmem:s31+$0xFFFFFFB0];
	_ =	sdelay $0x4  }
0x28: {  	[tilespmem:$0x15033] =	vst v10  }
0x29: {  	v10 =	vld [tilespmem:s31+$0xFFFFFFC0];
	_ =	sdelay $0x4  }
0x2a: {  	[tilespmem:$0x15044] =	vst v10  }
0x2b: {  	v10 =	vld [tilespmem:s31+$0xFFFFFFD0];
	_ =	sdelay $0x4  }
0x2c: {  	[tilespmem:$0x15055] =	vst v10  }
0x2d: {  	v10 =	vld [tilespmem:s31+$0xFFFFFFE0];
	_ =	sdelay $0x4  }
0x2e: {  	[tilespmem:$0x15066] =	vst v10  }
0x2f: {  	v10 =	vld [tilespmem:s31+$0xFFFFFFF0];
	_ =	sdelay $0x4  }
0x30: {  	[tilespmem:$0x15077] =	vst v10  }
0x31: {  	v10 =	vld [tilespmem:s31+$0x0];
	_ =	sdelay $0x4  }
0x32: {  	[tilespmem:$0x15088] =	vst v10  }
0x33: {  	v10 =	vld [tilespmem:s31+$0x10];
	_ =	sdelay $0x4  }
0x34: {  	[tilespmem:$0x15099] =	vst v10  }
0x35: {  	v10 =	vld [tilespmem:s31+$0x20];
	_ =	sdelay $0x4  }
0x36: {  	[tilespmem:$0x150AA] =	vst v10  }
0x37: {  	v10 =	vld [tilespmem:s31+$0x30];
	_ =	sdelay $0x4  }
0x38: {  	[tilespmem:$0x150BB] =	vst v10  }
0x39: {  	v10 =	vld [tilespmem:s31+$0x40];
	_ =	sdelay $0x4  }
0x3a: {  	[tilespmem:$0x150CC] =	vst v10  }
0x3b: {  	v10 =	vld [tilespmem:s31+$0x50];
	_ =	sdelay $0x4  }
0x3c: {  	[tilespmem:$0x150DD] =	vst v10  }
0x3d: {  	v10 =	vld [tilespmem:s31+$0x60];
	_ =	sdelay $0x4  }
0x3e: {  	[tilespmem:$0x150EE] =	vst v10  }
0x3f: {  	v10 =	vld [tilespmem:s31+$0x70];
	_ =	sdelay $0x4  }
0x40: {  	s1 =	simm.s32 $0x0;
	[tilespmem:$0x150FF] =	vst v10  }
0x41: {  	v10 =	vld.idx.msk [tilespmem:v9+s1+$0x0 ss:$0x1], $0xffff  }
0x42: {  	v11 =	vld.idx.msk [tilespmem:v0+s16+$0x0], $0xffff;
	_ =	sdelay $0x3  }
0x43: {  	vm15 =	vgt.s32 v10, $0xFFFFFFFF  }
0x44: {  	v10 =	vnsel vm15, $0x0, v11  }
0x45: {  	[tilespmem:s1+$0x10800] =	vst v10  }
0x46: {  	v10 =	vld.idx.msk [tilespmem:v2+s16+$0x0], $0xffff;
	_ =	sdelay $0x4  }
0x47: {  	v10 =	vnsel vm15, $0x0, v10  }
0x48: {  	[tilespmem:s1+$0x11000] =	vst v10  }
0x49: {  	v10 =	vld.idx.msk [tilespmem:v3+s16+$0x0], $0xffff;
	_ =	sdelay $0x4  }
0x4a: {  	v10 =	vnsel vm15, $0x0, v10  }
0x4b: {  	[tilespmem:s1+$0x11800] =	vst v10  }
0x4c: {  	v10 =	vld.idx.msk [tilespmem:v4+s16+$0x0], $0xffff;
	_ =	sdelay $0x4  }
0x4d: {  	v10 =	vnsel vm15, $0x0, v10  }
0x4e: {  	[tilespmem:s1+$0x12000] =	vst v10  }
0x4f: {  	v10 =	vld.idx.msk [tilespmem:v5+s16+$0x0], $0xffff;
	_ =	sdelay $0x4  }
0x50: {  	v10 =	vnsel vm15, $0x0, v10  }
0x51: {  	[tilespmem:s1+$0x12800] =	vst v10  }
0x52: {  	v10 =	vld.idx.msk [tilespmem:v6+s16+$0x0], $0xffff;
	_ =	sdelay $0x4  }
0x53: {  	v10 =	vnsel vm15, $0x0, v10  }
0x54: {  	[tilespmem:s1+$0x13000] =	vst v10  }
0x55: {  	v10 =	vld.idx.msk [tilespmem:v7+s16+$0x0], $0xffff;
	_ =	sdelay $0x4  }
0x56: {  	v10 =	vnsel vm15, $0x0, v10  }
0x57: {  	[tilespmem:s1+$0x13800] =	vst v10  }
0x58: {  	v10 =	vld.idx.msk [tilespmem:v8+s16+$0x0], $0xffff;
	_ =	sdelay $0x3  }
0x59: {  	v11 =	vsel vm15, $0x3F800000, v1  }
0x5a: {  	s0 =	simm.s32 $0x40;
	[tilespmem:s1+$0x14800] =	vst v11;
	v10 =	vnsel vm15, $0x0, v10  }
.LBB2_5:
0x5b: {  	p0 =	sne.s32 s0, $0x1FC0  }
0x5c: {  	[tilespmem:s1+$0x14000] =	vst v10;
	s31 =	sadd.s32 $0x100, s31;
	s1 =	smov.u32 s0;
	s0 =	sadd.s32 $0x40, s0  }
0x5d: {  	v10 =	vld [tilespmem:s31+$0xFFFFFF80];
	_ =	sdelay $0x4  }
0x5e: {  	[tilespmem:$0x15000] =	vst v10  }
0x5f: {  	v10 =	vld [tilespmem:s31+$0xFFFFFF90];
	_ =	sdelay $0x4  }
0x60: {  	[tilespmem:$0x15011] =	vst v10  }
0x61: {  	v10 =	vld [tilespmem:s31+$0xFFFFFFA0];
	_ =	sdelay $0x4  }
0x62: {  	[tilespmem:$0x15022] =	vst v10  }
0x63: {  	v10 =	vld [tilespmem:s31+$0xFFFFFFB0];
	_ =	sdelay $0x4  }
0x64: {  	[tilespmem:$0x15033] =	vst v10  }
0x65: {  	v10 =	vld [tilespmem:s31+$0xFFFFFFC0];
	_ =	sdelay $0x4  }
0x66: {  	[tilespmem:$0x15044] =	vst v10  }
0x67: {  	v10 =	vld [tilespmem:s31+$0xFFFFFFD0];
	_ =	sdelay $0x4  }
0x68: {  	[tilespmem:$0x15055] =	vst v10  }
0x69: {  	v10 =	vld [tilespmem:s31+$0xFFFFFFE0];
	_ =	sdelay $0x4  }
0x6a: {  	[tilespmem:$0x15066] =	vst v10  }
0x6b: {  	v10 =	vld [tilespmem:s31+$0xFFFFFFF0];
	_ =	sdelay $0x4  }
0x6c: {  	[tilespmem:$0x15077] =	vst v10  }
0x6d: {  	v10 =	vld [tilespmem:s31+$0x0];
	_ =	sdelay $0x4  }
0x6e: {  	[tilespmem:$0x15088] =	vst v10  }
0x6f: {  	v10 =	vld [tilespmem:s31+$0x10];
	_ =	sdelay $0x4  }
0x70: {  	[tilespmem:$0x15099] =	vst v10  }
0x71: {  	v10 =	vld [tilespmem:s31+$0x20];
	_ =	sdelay $0x4  }
0x72: {  	[tilespmem:$0x150AA] =	vst v10  }
0x73: {  	v10 =	vld [tilespmem:s31+$0x30];
	_ =	sdelay $0x4  }
0x74: {  	[tilespmem:$0x150BB] =	vst v10  }
0x75: {  	v10 =	vld [tilespmem:s31+$0x40];
	_ =	sdelay $0x4  }
0x76: {  	[tilespmem:$0x150CC] =	vst v10  }
0x77: {  	v10 =	vld [tilespmem:s31+$0x50];
	_ =	sdelay $0x4  }
0x78: {  	[tilespmem:$0x150DD] =	vst v10  }
0x79: {  	v10 =	vld [tilespmem:s31+$0x60];
	_ =	sdelay $0x4  }
0x7a: {  	[tilespmem:$0x150EE] =	vst v10  }
0x7b: {  	v10 =	vld [tilespmem:s31+$0x70];
	_ =	sdelay $0x4  }
0x7c: {  	s1 =	sshra.s32 s1, $0x2;
	[tilespmem:$0x150FF] =	vst v10  }
0x7d: {  	v10 =	vld.idx.msk [tilespmem:v9+s1+$0x0 ss:$0x1], $0xffff  }
0x7e: {  	v11 =	vld.idx.msk [tilespmem:v0+s16+$0x0], $0xffff;
	_ =	sdelay $0x4  }
0x7f: {  	vm0 =	vgt.s32 v10, $0xFFFFFFFF  }
0x80: {  	v10 =	vnsel vm0, $0x0, v11  }
0x81: {  	[tilespmem:s1+$0x10800] =	vst v10  }
0x82: {  	v10 =	vld.idx.msk [tilespmem:v2+s16+$0x0], $0xffff;
	_ =	sdelay $0x5  }
0x83: {  	v10 =	vnsel vm0, $0x0, v10  }
0x84: {  	[tilespmem:s1+$0x11000] =	vst v10  }
0x85: {  	v10 =	vld.idx.msk [tilespmem:v3+s16+$0x0], $0xffff;
	_ =	sdelay $0x5  }
0x86: {  	v10 =	vnsel vm0, $0x0, v10  }
0x87: {  	[tilespmem:s1+$0x11800] =	vst v10  }
0x88: {  	v10 =	vld.idx.msk [tilespmem:v4+s16+$0x0], $0xffff;
	_ =	sdelay $0x5  }
0x89: {  	v10 =	vnsel vm0, $0x0, v10  }
0x8a: {  	[tilespmem:s1+$0x12000] =	vst v10  }
0x8b: {  	v10 =	vld.idx.msk [tilespmem:v5+s16+$0x0], $0xffff;
	_ =	sdelay $0x5  }
0x8c: {  	v10 =	vnsel vm0, $0x0, v10  }
0x8d: {  	[tilespmem:s1+$0x12800] =	vst v10  }
0x8e: {  	v10 =	vld.idx.msk [tilespmem:v6+s16+$0x0], $0xffff;
	_ =	sdelay $0x5  }
0x8f: {  	v10 =	vnsel vm0, $0x0, v10  }
0x90: {  	[tilespmem:s1+$0x13000] =	vst v10  }
0x91: {  	v10 =	vld.idx.msk [tilespmem:v7+s16+$0x0], $0xffff;
	_ =	sdelay $0x5  }
0x92: {  	v10 =	vnsel vm0, $0x0, v10  }
0x93: {  	[tilespmem:s1+$0x13800] =	vst v10  }
0x94: {  	v11 =	vsel vm0, $0x3F800000, v1;
	v10 =	vld.idx.msk [tilespmem:v8+s16+$0x0], $0xffff  }
0x95: {  	[tilespmem:s1+$0x14800] =	vst v11  }
.Ltmp1:
0x96: {  	(pc) =	sbr.rel @p0 .LBB2_5-.Ltmp1, $2  }
0x97: {  	_ =	sdelay $0x2  }
0x98: {  	v10 =	vnsel vm0, $0x0, v10  }
0x99: {  	s0 =	sor.u32 s4, s30  }
0x9a: {  	s0 =	sshrl.u32 s0, $0x3  }
0x9b: {  	[tilespmem:s1+$0x14000] =	vst v10;
	s0 =	sadd.s32 s3, s0  }
0x9c: {  	[hbm4b:s0+s2] =	stream.linear.scatter [tilespmem:s17], [sflag:$0x1], $0x800, $0x38;
	[tilespmem:$0x15110] =	vst v63  }
0x9d: {  	s1 =	sadd.s32 s6, s30;
	_ =	swait.ge [sflag:s15], $0x800  }
0x9e: {  	s0 =	sshrl.u32 s1, $0x3;
	[sflag:s15] =	ssyncset.done $0x0  }
0x9f: {  	s0 =	sadd.s32 s3, s0;
	[sflag:s15] =	ssyncadd.s32 $0xFFFFF800  }
0xa0: {  	[hbm4b:s0+s2] =	stream.linear.scatter [tilespmem:s18], [sflag:$0x1], $0x800, $0x38;
	[tilespmem:$0x15110] =	vst v63  }
0xa1: {  	s31 =	sadd.s32 s7, s30;
	_ =	swait.ge [sflag:s15], $0x800  }
0xa2: {  	s0 =	sshrl.u32 s31, $0x3;
	[sflag:s15] =	ssyncset.done $0x0  }
0xa3: {  	s0 =	sadd.s32 s3, s0;
	[sflag:s15] =	ssyncadd.s32 $0xFFFFF800  }
0xa4: {  	[hbm4b:s0+s2] =	stream.linear.scatter [tilespmem:s19], [sflag:$0x1], $0x800, $0x38;
	[tilespmem:$0x15110] =	vst v63  }
0xa5: {  	s1 =	sadd.s32 s8, s30;
	_ =	swait.ge [sflag:s15], $0x800  }
0xa6: {  	s0 =	sshrl.u32 s1, $0x3;
	[sflag:s15] =	ssyncset.done $0x0  }
0xa7: {  	s0 =	sadd.s32 s3, s0;
	[sflag:s15] =	ssyncadd.s32 $0xFFFFF800  }
0xa8: {  	[hbm4b:s0+s2] =	stream.linear.scatter [tilespmem:s20], [sflag:$0x1], $0x800, $0x38;
	[tilespmem:$0x15110] =	vst v63  }
0xa9: {  	s31 =	sadd.s32 s9, s30;
	_ =	swait.ge [sflag:s15], $0x800  }
0xaa: {  	s0 =	sshrl.u32 s31, $0x3;
	[sflag:s15] =	ssyncset.done $0x0  }
0xab: {  	s0 =	sadd.s32 s3, s0;
	[sflag:s15] =	ssyncadd.s32 $0xFFFFF800  }
0xac: {  	[hbm4b:s0+s2] =	stream.linear.scatter [tilespmem:s21], [sflag:$0x1], $0x800, $0x38;
	[tilespmem:$0x15110] =	vst v63  }
0xad: {  	s1 =	sadd.s32 s10, s30;
	_ =	swait.ge [sflag:s15], $0x800  }
0xae: {  	s0 =	sshrl.u32 s1, $0x3;
	[sflag:s15] =	ssyncset.done $0x0  }
0xaf: {  	s0 =	sadd.s32 s3, s0;
	[sflag:s15] =	ssyncadd.s32 $0xFFFFF800  }
0xb0: {  	[hbm4b:s0+s2] =	stream.linear.scatter [tilespmem:s22], [sflag:$0x1], $0x800, $0x38;
	[tilespmem:$0x15110] =	vst v63  }
0xb1: {  	s31 =	sadd.s32 s11, s30;
	_ =	swait.ge [sflag:s15], $0x800  }
0xb2: {  	s0 =	sshrl.u32 s31, $0x3;
	[sflag:s15] =	ssyncset.done $0x0  }
0xb3: {  	s0 =	sadd.s32 s3, s0;
	[sflag:s15] =	ssyncadd.s32 $0xFFFFF800  }
0xb4: {  	[hbm4b:s0+s2] =	stream.linear.scatter [tilespmem:s23], [sflag:$0x1], $0x800, $0x38;
	[tilespmem:$0x15110] =	vst v63  }
0xb5: {  	s1 =	sadd.s32 s12, s30;
	_ =	swait.ge [sflag:s15], $0x800  }
0xb6: {  	s0 =	sshrl.u32 s1, $0x3;
	[sflag:s15] =	ssyncset.done $0x0  }
0xb7: {  	s0 =	sadd.s32 s3, s0;
	[sflag:s15] =	ssyncadd.s32 $0xFFFFF800  }
0xb8: {  	[hbm4b:s0+s2] =	stream.linear.scatter [tilespmem:s24], [sflag:$0x1], $0x800, $0x38;
	[tilespmem:$0x15110] =	vst v63  }
0xb9: {  	s29 =	sadd.s32 $0x1, s29;
	s31 =	sadd.s32 s13, s30;
	_ =	swait.ge [sflag:s15], $0x800  }
0xba: {  	p0 =	sne.s32 s29, $0x10;
	s0 =	sshrl.u32 s31, $0x3;
	[sflag:s15] =	ssyncset.done $0x0  }
.Ltmp2:
0xbb: {  	s0 =	sadd.s32 s3, s0;
	[sflag:s15] =	ssyncadd.s32 $0xFFFFF800;
	(pc) =	sbr.rel @p0 .LBB2_2-.Ltmp2, $4  }
0xbc: {  	[hbm4b:s0+s2] =	stream.linear.scatter [tilespmem:s25], [sflag:$0x1], $0x800, $0x38;
	[tilespmem:$0x15110] =	vst v63  }
0xbd: {  	_ =	swait.ge [sflag:s15], $0x800  }
0xbe: {  	[sflag:s15] =	ssyncset.done $0x0  }
0xbf: {  	s28 =	sadd.s32 $0x800, s28;
	[sflag:s15] =	ssyncadd.s32 $0xFFFFF800  }
0xc0: {  	s26 =	sadd.s32 $0x1, s26  }
0xc1: {  	p0 =	sne.s32 s26, s14  }
.Ltmp3:
0xc2: {  	_ = 	snop;
	(pc) =	sbr.rel @p0 .LBB2_1-.Ltmp3, $1  }
0xc3: {  	_ =	sdelay $0x3  }
0xc4: {  	_ =	sfence.sel $0x180000  }
0xc5: {  	[bflag:$0x0] =	sbarrier.arrive $0xFFFF  }
0xc6: {  	_ =	strace $0x9000004D  }
0xc7: {  	s0 =	stileid.u32;
	[bflag:$0x2] =	sbarrier.arrive $0xFFFF  }
0xc8: {  	p0 =	sne.s32 s0, $0x0;
	s0 =	rddreg [dreg:$0x2]  }
0xc9: {  	s0 =	sadd.s32 @!p0 $0x100000, s0  }
0xca: {  	[sflag:s0] =	ssyncadd.tile.s32 @!p0 $0x1;
	_ =	shalt  }
.Lfunc_end2:
_tile_overlayer_lowered:
.L_overlay_start_2:
0xcb: {  	(tag) =	ssettag $0x2  }
0xcc: {  	s0 =	rddreg [dreg:$0x0];
	s2 =	stileid.u32  }
0xcd: {  	s1 =	rddreg [dreg:$0x1];
	p0 =	sne.s32 s2, $0x0  }
0xce: {  	s3 =	rddreg [dreg:$0x2];
	[bflag:$0x3] =	sbarrier.arrive $0xFFFF;
	s2 =	simm.s32 @!p0 $0x1C01  }
0xcf: {  	[timem:s3], [sflag:s2] =	dma.local @!p0 [hbm:s0], s1  }
0xd0: {  	s0 =	simm.s32 @!p0 $0x1  }
0xd1: {  	_ =	swait.ge @!p0 [sflag:s0], s1  }
0xd2: {  	s1 =	ssub.s32 @!p0 $0x0, s1;
	[sflag:s0] =	ssyncset.done @!p0 $0x0  }
0xd3: {  	[sflag:s0] =	ssyncadd.s32 @!p0 s1  }
0xd4: {  	[bflag:$0x3] =	sbarrier.arrive $0xFFFF  }
0xd5: {  	_ =	shalt  }

// kernel: kernel.5.cloned.1.call-start
scs
__scs_entry_jumppad:
0x0: {  	(pc) =	sbr.rel $0x88, $3  }
0x1: {  	(tag) =	ssettag $0x0;
	lr =	simm.s32 $0x1  }
0x2: {  	[smem:$0x3F9E] =	sst lr;
	_ =	strace $0xD0000000  }
0x3: {  	_ = 	snop  }
0x4: {  	_ = 	snop  }
0x5: {  	_ = 	snop  }
0x6: {  	_ = 	snop  }
0x7: {  	_ = 	snop  }
__scs_overlays_trampoline_lowered:
0x8: {  	[smem:$0x3FAD] =	sst s0  }
0x9: {  	[smem:$0x3FAE] =	sst s1  }
0xa: {  	[smem:$0x3FAF] =	sst s2  }
0xb: {  	[smem:$0x3FB0] =	sst s3  }
0xc: {  	[smem:$0x3FB1] =	sst s4  }
0xd: {  	[smem:$0x3FB2] =	sst s5  }
0xe: {  	[smem:$0x3FB3] =	sst s6  }
0xf: {  	[smem:$0x3FB4] =	sst s7  }
0x10: {  	[smem:$0x3FB5] =	sst s8  }
0x11: {  	[smem:$0x3FB6] =	sst s9;
	s0 =	simm.s32 @!p0 $0x0  }
0x12: {  	s1 =	sld [smem:$0x3F9C];
	s0 =	simm.s32 @p0 $0x1  }
0x13: {  	[smem:$0x3FB7] =	sst s0;
	s0 =	simm.s32 @!p1 $0x0  }
0x14: {  	s2 =	sld [smem:$0x3F9B];
	s0 =	simm.s32 @p1 $0x1  }
0x15: {  	[smem:$0x3FB8] =	sst s0;
	s0 =	simm.s32 @!p2 $0x0  }
0x16: {  	s3 =	sld [smem:$0x3FDB];
	s0 =	simm.s32 @p2 $0x1  }
0x17: {  	s4 =	simm.s32 $0x1BF5;
	[smem:$0x3FBA] =	sst s0  }
0x18: {  	s0 =	sld [smem:$0x3F9D];
	_ =	swait.ge [sflag:s4], $0x0  }
0x19: {  	s7 =	sld [smem:$0x3F9E]  }
0x1a: {  	s8 =	sadd.s32 $0xFFFFE003, lr  }
0x1b: {  	s9 =	sadd.s32 $0xFFFFFEF7, lr;
	s5 =	simm.s32 $0xFFFFFFFF;
	p2 =	slt.u32 s8, $0xFFFFF086  }
0x1c: {  	p1 =	slt.u32 s9, $0xF7A;
	s5 =	simm.s32 @!p2 $0x0  }
0x1d: {  	s5 =	simm.s32 @p1 $0x1;
	p0 =	seq.s32 s7, s2  }
0x1e: {  	s7 =	smul.u32 @!p0 $0xF7A, s2;
	p2 =	seq.s32 @!p0 s5, $0x0  }
0x1f: {  	s9 =	smul.u32 $0xF7A, s1;
	s8 =	simm.s32 @!p0 $0x1BF5;
	p2 =	por !p2, p0  }
0x20: {  	[sflag:s8] =	ssyncset.s32 @!p0 $0xFFFFF086;
	s6 =	sadd.s32 @!p0 s3, s7;
	s7 =	simm.s32 @!p0 $0x108  }
0x21: {  	s3 =	sadd.s32 s3, s9;
	s6 =	sadd.s32 @!p0 $0x88, s6;
	s7 =	simm.s32 @p2 $0x1082  }
0x22: {  	[simem:s7], [sflag:s8] =	dma.local @!p0 [hbm:s6], $0xF7A  }
0x23: {  	s9 =	sor.u32 $0xD0000000, s2;
	s6 =	simm.s32 $0x108;
	_ =	swait.ge @!p0 [sflag:s8], $0x0  }
0x24: {  	s3 =	sadd.s32 $0x88, s3;
	s6 =	simm.s32 @!p1 $0x1082;
	[sflag:s4] =	ssyncset.s32 $0xFFFFF086  }
0x25: {  	[simem:s6], [sflag:s4] =	dma.local [hbm:s3], $0xF7A  }
0x26: {  	[smem:$0x3F9E] =	sst s1;
	(tag) =	ssettag s2;
	_ =	strace s9  }
0x27: {  	s1 =	sld [smem:$0x3FAE]  }
0x28: {  	s2 =	sld [smem:$0x3FAF]  }
0x29: {  	s4 =	sld [smem:$0x3FB1]  }
0x2a: {  	p0 =	seq.s32 s5, $0x0;
	s5 =	sld [smem:$0x3FB2]  }
0x2b: {  	s6 =	sld [smem:$0x3FB3]  }
0x2c: {  	s7 =	sld [smem:$0x3FB4]  }
0x2d: {  	s3 =	simm.s32 $0x108;
	s8 =	sld [smem:$0x3FB5]  }
0x2e: {  	s3 =	simm.s32 @!p0 $0x1082;
	s9 =	sld [smem:$0x3FB6]  }
0x2f: {  	lr =	sadd.s32 s0, s3;
	s0 =	sld [smem:$0x3FAD]  }
0x30: {  	s3 =	sld [smem:$0x3FB0]  }
0x31: {  	[smem:$0x3FB9] =	sst s10  }
0x32: {  	s10 =	sld [smem:$0x3FB7];
	_ =	sdelay $0x3  }
0x33: {  	p0 =	seq.s32 s10, $0x1;
	s10 =	sld [smem:$0x3FB9];
	_ =	sdelay $0x3  }
0x34: {  	[smem:$0x3FB9] =	sst s10  }
0x35: {  	s10 =	sld [smem:$0x3FB8];
	_ =	sdelay $0x3  }
0x36: {  	p1 =	seq.s32 s10, $0x1;
	s10 =	sld [smem:$0x3FB9];
	_ =	sdelay $0x3  }
0x37: {  	[smem:$0x3FB9] =	sst s10  }
0x38: {  	s10 =	sld [smem:$0x3FBA]  }
0x39: {  	_ = 	snop;
	(pc) =	sbr.ind lr, $3  }
0x3a: {  	_ = 	snop  }
0x3b: {  	_ = 	snop  }
0x3c: {  	p2 =	seq.s32 s10, $0x1;
	s10 =	sld [smem:$0x3FB9]  }
0x3d: {  	_ =	shalt  }
0x3e: {  	_ =	shalt  }
0x3f: {  	_ =	shalt  }
0x40: {  	_ =	shalt  }
0x41: {  	_ =	shalt  }
0x42: {  	_ =	shalt  }
0x43: {  	_ =	shalt  }
0x44: {  	_ =	shalt  }
0x45: {  	_ =	shalt  }
0x46: {  	_ =	shalt  }
0x47: {  	_ =	shalt  }
0x48: {  	_ =	shalt  }
0x49: {  	_ =	shalt  }
0x4a: {  	_ =	shalt  }
0x4b: {  	_ =	shalt  }
0x4c: {  	_ =	shalt  }
0x4d: {  	_ =	shalt  }
0x4e: {  	_ =	shalt  }
0x4f: {  	_ =	shalt  }
0x50: {  	_ =	shalt  }
0x51: {  	_ =	shalt  }
0x52: {  	_ =	shalt  }
0x53: {  	_ =	shalt  }
0x54: {  	_ =	shalt  }
0x55: {  	_ =	shalt  }
0x56: {  	_ =	shalt  }
0x57: {  	_ =	shalt  }
0x58: {  	_ =	shalt  }
0x59: {  	_ =	shalt  }
0x5a: {  	_ =	shalt  }
0x5b: {  	_ =	shalt  }
0x5c: {  	_ =	shalt  }
0x5d: {  	_ =	shalt  }
0x5e: {  	_ =	shalt  }
0x5f: {  	_ =	shalt  }
0x60: {  	_ =	shalt  }
0x61: {  	_ =	shalt  }
0x62: {  	_ =	shalt  }
0x63: {  	_ =	shalt  }
0x64: {  	_ =	shalt  }
0x65: {  	_ =	shalt  }
0x66: {  	_ =	shalt  }
0x67: {  	_ =	shalt  }
0x68: {  	_ =	shalt  }
0x69: {  	_ =	shalt  }
0x6a: {  	_ =	shalt  }
0x6b: {  	_ =	shalt  }
0x6c: {  	_ =	shalt  }
0x6d: {  	_ =	shalt  }
0x6e: {  	_ =	shalt  }
0x6f: {  	_ =	shalt  }
0x70: {  	_ =	shalt  }
0x71: {  	_ =	shalt  }
0x72: {  	_ =	shalt  }
0x73: {  	_ =	shalt  }
0x74: {  	_ =	shalt  }
0x75: {  	_ =	shalt  }
0x76: {  	_ =	shalt  }
0x77: {  	_ =	shalt  }
0x78: {  	_ =	shalt  }
0x79: {  	_ =	shalt  }
0x7a: {  	_ =	shalt  }
0x7b: {  	_ =	shalt  }
0x7c: {  	_ =	shalt  }
0x7d: {  	_ =	shalt  }
0x7e: {  	_ =	shalt  }
0x7f: {  	_ =	shalt  }
0x80: {  	_ =	shalt  }
0x81: {  	_ =	shalt  }
0x82: {  	_ =	shalt  }
0x83: {  	_ =	shalt  }
0x84: {  	_ =	shalt  }
0x85: {  	_ =	shalt  }
0x86: {  	_ =	shalt  }
0x87: {  	_ =	shalt  }
.Lfunc_end0:
.L_simem_size_0:
called_computation_lowered:
.L_overlay_start_0:
0x88: {  	s2 =	sld [smem:$0x3FD9]  }
0x89: {  	s3 =	sld [smem:$0x3FFE];
	_ =	sdelay $0x1  }
0x8a: {  	s1 =	srdreg.scid  }
0x8b: {  	s0 =	sand.u32 $0x1, s1  }
0x8c: {  	s17 =	sshll.u32 s0, $0xA;
	s2 =	sadd.s32 s3, s2  }
0x8d: {  	s2 =	sadd.s32 s2, s17  }
0x8e: {  	[smem:$0x3FC5] =	sst s2  }
0x8f: {  	_ = 	snop  }
0x90: {  	s2 =	sld [smem:$0x3FD0];
	(tm) =	ssettm $0x1  }
0x91: {  	s18 =	sld [smem:$0x3FFB];
	_ =	sdelay $0x3  }
0x92: {  	_ =	strace s18  }
0x93: {  	s3 =	sld [smem:$0x3FFC];
	_ =	sdelay $0x3  }
0x94: {  	_ =	strace s3  }
0x95: {  	s3 =	sld [smem:$0x3FFD];
	_ =	sdelay $0x3  }
0x96: {  	_ =	strace s3  }
0x97: {  	_ =	strace $0x8FFFFFFF  }
0x98: {  	s19 =	sld [smem:$0x3FDB];
	_ =	sdelay $0x1  }
0x99: {  	s4 =	simm.s32 $_scs_section_size  }
0x9a: {  	s5 =	simm.s32 $_size__tile_overlayer_lowered;
	s6 =	simm.s32 $_tile_overlayer_lowered  }
0x9b: {  	s22 =	simm.s32 $0x1BFF;
	s21 =	sshll.u32 s6, $0x1;
	s3 =	sadd.s32 s4, s19  }
0x9c: {  	s7 =	simm.s32 $0x0;
	s20 =	sshll.u32 s5, $0x1;
	s5 =	sadd.s32 s21, s3  }
0x9d: {  	[timem:s7], [sflag:s22] =	dma.local [hbm:s5], s20  }
0x9e: {  	_ =	swait.ge [sflag:s22], s20  }
0x9f: {  	s4 =	ssub.s32 $0x0, s20;
	[sflag:s22] =	ssyncset.done $0x0  }
0xa0: {  	[sflag:s22] =	ssyncadd.s32 s4;
	_ =	sdelay $0x1  }
0xa1: {  	s23 =	simm.s32 $0x1B8B  }
0xa2: {  	_ =	swait.ge [sflag:s23], $0x1  }
0xa3: {  	[sflag:s23] =	ssyncset.done $0x0  }
0xa4: {  	s25 =	simm.s32 $0x1B8E;
	s24 =	sld [smem:$0x3FFE];
	[sflag:s23] =	ssyncadd.s32 $0xFFFFFFFF  }
0xa5: {  	s26 =	simm.s32 $execute0_lowered;
	[smem:$0x3FD2] =	sst s25  }
0xa6: {  	s5 =	sshll.u32 s26, $0x1;
	_ =	strace $0x80000046;
	[dreg:$0x1] =	wrdreg $0xFFFFFFFF  }
0xa7: {  	s28 =	simm.s32 $_size_execute0_lowered;
	s3 =	sadd.s32 s3, s5;
	[dreg:$0x0] =	wrdreg $0x0  }
0xa8: {  	s5 =	sshll.u32 s28, $0x1;
	[dreg:$0x2] =	wrdreg s3  }
0xa9: {  	[dreg:$0x3] =	wrdreg s5  }
0xaa: {  	[dreg:$0x4] =	wrdreg $0xC0  }
0xab: {  	_ =	task [dreg:s7], $0x5FFFF  }
0xac: {  	[dreg:$0x1] =	wrdreg $0xFFFFFFFF  }
0xad: {  	[dreg:$0x0] =	wrdreg $0x60  }
0xae: {  	[dreg:$0x2] =	wrdreg s24  }
0xaf: {  	[dreg:$0x3] =	wrdreg s2  }
0xb0: {  	[dreg:$0x4] =	wrdreg $0x9  }
0xb1: {  	_ =	task.clear_ibuf [dreg:s7], $0x5FFFF;
	_ =	strace $0x90000046  }
0xb2: {  	s29 =	simm.s32 $0x9;
	_ =	strace $0x80000048  }
0xb3: {  	_ =	swait.ge [sflag:s29], $0x1  }
0xb4: {  	[sflag:s29] =	ssyncadd.s32 $0xFFFFFFFF  }
0xb5: {  	_ =	strace $0x90000048  }
0xb6: {  	_ =	sfence  }
0xb7: {  	s30 =	sld [smem:$0x0];
	_ =	sdelay $0x2  }
0xb8: {  	s31 =	sshll.u32 s1, $0xD;
	s1 =	sshrl.u32 s1, $0x2  }
0xb9: {  	s3 =	sand.u32 $0x4000, s31;
	s1 =	sadd.s32 s1, s30  }
0xba: {  	s0 =	sor.u32 s3, s0;
	s1 =	sshll.u32 s1, $0x11  }
0xbb: {  	s0 =	sor.u32 s1, s0  }
0xbc: {  	s0 =	sadd.s32 $0x8F2B, s0  }
0xbd: {  	[sflag:s0] =	ssyncadd.remote.s32 $0x1  }
0xbe: {  	_ =	sfence.sel $0xFFFF  }
0xbf: {  	[dreg:$0x0] =	wrdreg $0xFFFFFFFF;
	(pc) =	sbr.abs _section_cstart, $3  }
0xc0: {  	[dreg:$0x1] =	wrdreg $0xFFFFFFFF  }
0xc1: {  	_ =	task.clear_ibuf [dreg:s7], $0x2FFFF;
	_ =	strace $0x9FFFFFFF  }
0xc2: {  	(tm) =	ssettm $0x7FFFFFFF  }
0xc3: {  	_ =	shalt  }
tec
execute0_lowered:
.L_overlay_start_1:
0x0: {  	(tag) =	ssettag $0x1  }
0x1: {  	s0 =	rddreg [dreg:$0x0]  }
0x2: {  	s1 =	srdreg.scid;
	s10 =	stileid.u32  }
0x3: {  	s3 =	rddreg [dreg:$0x1];
	s2 =	simm.s32 $0x0;
	s1 =	sand.u32 $0x1, s1  }
0x4: {  	s4 =	sshll.u32 s10, $0x1;
	[smem:$0x7FF] =	sst s2;
	s6 =	sadd.s32 $0x1A00, s0  }
0x5: {  	s11 =	sadd.s32 $0x1000, s0;
	s7 =	sadd.s32 $0x600, s0;
	s4 =	sor.u32 s1, s4  }
0x6: {  	_ =	strace $0x80000047;
	[dreg:$0x3] =	wrdreg s6;
	s5 =	smul.u32 $0x4E0, s4  }
0x7: {  	s22 =	smul.u32 $0x9C0, s10;
	s10 =	simm.s32 $0x1;
	[dreg:$0x4] =	wrdreg s11  }
0x8: {  	s12 =	ssub.s32 $0x2, s1;
	[dreg:$0x5] =	wrdreg s7;
	s5 =	sshrl.u32 s5, $0x3  }
0x9: {  	s1 =	smul.u32 $0x4E0, s1;
	s11 =	simm.s32 $0xEA0;
	s13 =	sadd.s32 s5, s0  }
0xa: {  	s4 =	smul.u32 $0x9C0, s4;
	s8 =	sshrl.u32 s12, $0x1;
	s15 =	sadd.s32 $0x4C00, s13  }
0xb: {  	s14 =	ssub.s32 s12, s8;
	s16 =	sadd.s32 $0x3800, s13;
	[dreg:$0x6] =	wrdreg s15  }
0xc: {  	s9 =	sadd.s32 s3, s5;
	s17 =	sadd.s32 $0x2400, s13;
	[dreg:$0x7] =	wrdreg s16  }
0xd: {  	s12 =	simm.s32 $0x5D20;
	s3 =	sadd.s32 $0x1380, s9;
	[dreg:$0x8] =	wrdreg s17  }
0xe: {  	s0 =	sadd.s32 s4, s0;
	s18 =	sadd.s32 $0x2700, s9;
	[dreg:$0x9] =	wrdreg s3  }
0xf: {  	s19 =	sadd.s32 $0x3A80, s9;
	s20 =	sadd.s32 $0x4E00, s9;
	[dreg:$0xa] =	wrdreg s18  }
0x10: {  	s21 =	sadd.s32 $0x6180, s9;
	s5 =	sadd.s32 $0x7500, s9;
	[dreg:$0xb] =	wrdreg s19  }
0x11: {  	v0 =	vimm.f32 $3.000000000e+00;
	s23 =	sadd.s32 $0x8880, s9;
	s24 =	sadd.s32 $0x9C00, s9;
	[dreg:$0xc] =	wrdreg s20  }
0x12: {  	(erf) = vrcp.f32 v0;
	s25 =	sadd.s32 $0xAF80, s9;
	s26 =	sadd.s32 $0xC300, s9;
	[dreg:$0xd] =	wrdreg s21  }
0x13: {  	s28 =	sadd.s32 $0xEA00, s9;
	s29 =	sadd.s32 $0xFD80, s9;
	[dreg:$0xe] =	wrdreg s5  }
0x14: {  	s30 =	sadd.s32 $0x11100, s9;
	s31 =	sadd.s32 $0x12480, s9;
	[dreg:$0xf] =	wrdreg s23  }
0x15: {  	s4 =	sadd.s32 $0x17280, s9;
	s6 =	sadd.s32 $0x19980, s9;
	[dreg:$0x10] =	wrdreg s24  }
0x16: {  	s7 =	sadd.s32 $0x1AD00, s9;
	s8 =	sadd.s32 $0x1C080, s9;
	[dreg:$0x11] =	wrdreg s25  }
0x17: {  	[dreg:$0x12] =	wrdreg s26;
	s20 =	sadd.s32 $0x6000, s13;
	s21 =	sadd.s32 s1, s22  }
0x18: {  	s22 =	sadd.s32 $0x7400, s13;
	s23 =	sadd.s32 $0x8800, s13;
	s24 =	sadd.s32 $0x9C00, s0  }
0x19: {  	s25 =	smax.u32 s14, $0x1;
	s26 =	sadd.s32 $0xD680, s9;
	s1 =	sadd.s32 $0x13800, s9  }
0x1a: {  	v1 =	vlaneseq.u32;
	v3 =	vimm.s32 $0x0;
	s0 =	sadd.s32 $0x14B80, s9;
	s3 =	sadd.s32 $0x15F00, s9;
	s5 =	sadd.s32 $0x18600, s9  }
0x1b: {  	v5 =	vimm.f32 $1.000000000e+00;
	v4 =	vmul.u32 $0x10, v1;
	v0 =	vimm.f32 $0.0e+00;
	s13 =	simm.s32 $0xABA0;
	s14 =	simm.s32 $0x16F20;
	s15 =	simm.s32 $0x0;
	v2 =	vpop (erf)  }
.LBB2_1:
0x1c: {  	s16 =	rddreg [dreg:$0x6]  }
0x1d: {  	[tilespmem:s2], [sflag:$0x1] =	stream.linear.gather [hbm4b:s16+s2], $0x4E0, $0x38;
	[tilespmem:$0x1CBC0] =	vst v63  }
0x1e: {  	_ =	swait.ge [sflag:s10], $0x4E0  }
0x1f: {  	[sflag:s10] =	ssyncset.done $0x0  }
0x20: {  	s17 =	simm.s32 $0x4E0;
	s19 =	rddreg [dreg:$0x7];
	[sflag:s10] =	ssyncadd.s32 $0xFFFFFB20  }
0x21: {  	[tilespmem:s17], [sflag:$0x1] =	stream.linear.gather [hbm4b:s19+s2], $0x4E0, $0x38;
	[tilespmem:$0x1CBC0] =	vst v63  }
0x22: {  	_ =	swait.ge [sflag:s10], $0x4E0  }
0x23: {  	[sflag:s10] =	ssyncset.done $0x0  }
0x24: {  	s19 =	simm.s32 $0x9C0;
	s18 =	rddreg [dreg:$0x8];
	[sflag:s10] =	ssyncadd.s32 $0xFFFFFB20  }
0x25: {  	[tilespmem:s19], [sflag:$0x1] =	stream.linear.gather [hbm4b:s18+s2], $0x4E0, $0x38;
	[tilespmem:$0x1CBC0] =	vst v63  }
0x26: {  	_ =	swait.ge [sflag:s10], $0x4E0  }
0x27: {  	[sflag:s10] =	ssyncset.done $0x0  }
0x28: {  	s17 =	rddreg [dreg:$0x3];
	[sflag:s10] =	ssyncadd.s32 $0xFFFFFB20  }
0x29: {  	[tilespmem:s11], [sflag:$0x1] =	stream.linear.gather [hbm4b:s17+s2], $0x4E80, $0x38;
	[tilespmem:$0x1CBC0] =	vst v63  }
0x2a: {  	_ =	swait.ge [sflag:s10], $0x4E80  }
0x2b: {  	[sflag:s10] =	ssyncset.done $0x0  }
0x2c: {  	s18 =	rddreg [dreg:$0x4];
	[sflag:s10] =	ssyncadd.s32 $0xFFFFB180  }
0x2d: {  	[tilespmem:s12], [sflag:$0x1] =	stream.linear.gather [hbm4b:s18+s2], $0x4E80, $0x38;
	[tilespmem:$0x1CBC0] =	vst v63  }
0x2e: {  	_ =	swait.ge [sflag:s10], $0x4E80  }
0x2f: {  	[sflag:s10] =	ssyncset.done $0x0  }
0x30: {  	s19 =	rddreg [dreg:$0x5];
	[sflag:s10] =	ssyncadd.s32 $0xFFFFB180  }
0x31: {  	[tilespmem:s13], [sflag:$0x1] =	stream.linear.gather [hbm4b:s19+s2], $0x4E80, $0x38;
	[tilespmem:$0x1CBC0] =	vst v63  }
0x32: {  	_ =	swait.ge [sflag:s10], $0x4E80  }
0x33: {  	[sflag:s10] =	ssyncset.done $0x0  }
0x34: {  	s17 =	simm.s32 $0xFA20;
	[sflag:s10] =	ssyncadd.s32 $0xFFFFB180  }
0x35: {  	[tilespmem:s17], [sflag:$0x1] =	stream.linear.gather [hbm4b:s9+s2], $0x4E0, $0x38;
	[tilespmem:$0x1CBC0] =	vst v63  }
0x36: {  	_ =	swait.ge [sflag:s10], $0x4E0  }
0x37: {  	[sflag:s10] =	ssyncset.done $0x0  }
0x38: {  	s19 =	simm.s32 $0xFF00;
	s18 =	rddreg [dreg:$0x9];
	[sflag:s10] =	ssyncadd.s32 $0xFFFFFB20  }
0x39: {  	[tilespmem:s19], [sflag:$0x1] =	stream.linear.gather [hbm4b:s18+s2], $0x4E0, $0x38;
	[tilespmem:$0x1CBC0] =	vst v63  }
0x3a: {  	_ =	swait.ge [sflag:s10], $0x4E0  }
0x3b: {  	[sflag:s10] =	ssyncset.done $0x0  }
0x3c: {  	s19 =	simm.s32 $0x103E0;
	s18 =	rddreg [dreg:$0xa];
	[sflag:s10] =	ssyncadd.s32 $0xFFFFFB20  }
0x3d: {  	[tilespmem:s19], [sflag:$0x1] =	stream.linear.gather [hbm4b:s18+s2], $0x4E0, $0x38;
	[tilespmem:$0x1CBC0] =	vst v63  }
0x3e: {  	_ =	swait.ge [sflag:s10], $0x4E0  }
0x3f: {  	[sflag:s10] =	ssyncset.done $0x0  }
0x40: {  	s19 =	simm.s32 $0x108C0;
	s18 =	rddreg [dreg:$0xb];
	[sflag:s10] =	ssyncadd.s32 $0xFFFFFB20  }
0x41: {  	[tilespmem:s19], [sflag:$0x1] =	stream.linear.gather [hbm4b:s18+s2], $0x4E0, $0x38;
	[tilespmem:$0x1CBC0] =	vst v63  }
0x42: {  	_ =	swait.ge [sflag:s10], $0x4E0  }
0x43: {  	[sflag:s10] =	ssyncset.done $0x0  }
0x44: {  	s19 =	simm.s32 $0x10DA0;
	s18 =	rddreg [dreg:$0xc];
	[sflag:s10] =	ssyncadd.s32 $0xFFFFFB20  }
0x45: {  	[tilespmem:s19], [sflag:$0x1] =	stream.linear.gather [hbm4b:s18+s2], $0x4E0, $0x38;
	[tilespmem:$0x1CBC0] =	vst v63  }
0x46: {  	_ =	swait.ge [sflag:s10], $0x4E0  }
0x47: {  	[sflag:s10] =	ssyncset.done $0x0  }
0x48: {  	s19 =	simm.s32 $0x11280;
	s18 =	rddreg [dreg:$0xd];
	[sflag:s10] =	ssyncadd.s32 $0xFFFFFB20  }
0x49: {  	[tilespmem:s19], [sflag:$0x1] =	stream.linear.gather [hbm4b:s18+s2], $0x4E0, $0x38;
	[tilespmem:$0x1CBC0] =	vst v63  }
0x4a: {  	_ =	swait.ge [sflag:s10], $0x4E0  }
0x4b: {  	[sflag:s10] =	ssyncset.done $0x0  }
0x4c: {  	s19 =	simm.s32 $0x11760;
	s18 =	rddreg [dreg:$0xe];
	[sflag:s10] =	ssyncadd.s32 $0xFFFFFB20  }
0x4d: {  	[tilespmem:s19], [sflag:$0x1] =	stream.linear.gather [hbm4b:s18+s2], $0x4E0, $0x38;
	[tilespmem:$0x1CBC0] =	vst v63  }
0x4e: {  	_ =	swait.ge [sflag:s10], $0x4E0  }
0x4f: {  	[sflag:s10] =	ssyncset.done $0x0  }
0x50: {  	s19 =	simm.s32 $0x11C40;
	s18 =	rddreg [dreg:$0xf];
	[sflag:s10] =	ssyncadd.s32 $0xFFFFFB20  }
0x51: {  	[tilespmem:s19], [sflag:$0x1] =	stream.linear.gather [hbm4b:s18+s2], $0x4E0, $0x38;
	[tilespmem:$0x1CBC0] =	vst v63  }
0x52: {  	_ =	swait.ge [sflag:s10], $0x4E0  }
0x53: {  	[sflag:s10] =	ssyncset.done $0x0  }
0x54: {  	s19 =	simm.s32 $0x12120;
	s18 =	rddreg [dreg:$0x10];
	[sflag:s10] =	ssyncadd.s32 $0xFFFFFB20  }
0x55: {  	[tilespmem:s19], [sflag:$0x1] =	stream.linear.gather [hbm4b:s18+s2], $0x4E0, $0x38;
	[tilespmem:$0x1CBC0] =	vst v63  }
0x56: {  	_ =	swait.ge [sflag:s10], $0x4E0  }
0x57: {  	[sflag:s10] =	ssyncset.done $0x0  }
0x58: {  	s19 =	simm.s32 $0x12600;
	s18 =	rddreg [dreg:$0x11];
	[sflag:s10] =	ssyncadd.s32 $0xFFFFFB20  }
0x59: {  	[tilespmem:s19], [sflag:$0x1] =	stream.linear.gather [hbm4b:s18+s2], $0x4E0, $0x38;
	[tilespmem:$0x1CBC0] =	vst v63  }
0x5a: {  	_ =	swait.ge [sflag:s10], $0x4E0  }
0x5b: {  	[sflag:s10] =	ssyncset.done $0x0  }
0x5c: {  	s18 =	simm.s32 $0x12AE0;
	s17 =	rddreg [dreg:$0x12];
	[sflag:s10] =	ssyncadd.s32 $0xFFFFFB20  }
0x5d: {  	[tilespmem:s18], [sflag:$0x1] =	stream.linear.gather [hbm4b:s17+s2], $0x4E0, $0x38;
	[tilespmem:$0x1CBC0] =	vst v63  }
0x5e: {  	_ =	swait.ge [sflag:s10], $0x4E0  }
0x5f: {  	[sflag:s10] =	ssyncset.done $0x0  }
0x60: {  	s19 =	simm.s32 $0x12FC0;
	[sflag:s10] =	ssyncadd.s32 $0xFFFFFB20  }
0x61: {  	[tilespmem:s19], [sflag:$0x1] =	stream.linear.gather [hbm4b:s26+s2], $0x4E0, $0x38;
	[tilespmem:$0x1CBC0] =	vst v63  }
0x62: {  	_ =	swait.ge [sflag:s10], $0x4E0  }
0x63: {  	[sflag:s10] =	ssyncset.done $0x0  }
0x64: {  	s17 =	simm.s32 $0x134A0;
	[sflag:s10] =	ssyncadd.s32 $0xFFFFFB20  }
0x65: {  	[tilespmem:s17], [sflag:$0x1] =	stream.linear.gather [hbm4b:s28+s2], $0x4E0, $0x38;
	[tilespmem:$0x1CBC0] =	vst v63  }
0x66: {  	_ =	swait.ge [sflag:s10], $0x4E0  }
0x67: {  	[sflag:s10] =	ssyncset.done $0x0  }
0x68: {  	s18 =	simm.s32 $0x13980;
	[sflag:s10] =	ssyncadd.s32 $0xFFFFFB20  }
0x69: {  	[tilespmem:s18], [sflag:$0x1] =	stream.linear.gather [hbm4b:s29+s2], $0x4E0, $0x38;
	[tilespmem:$0x1CBC0] =	vst v63  }
0x6a: {  	_ =	swait.ge [sflag:s10], $0x4E0  }
0x6b: {  	[sflag:s10] =	ssyncset.done $0x0  }
0x6c: {  	s19 =	simm.s32 $0x13E60;
	[sflag:s10] =	ssyncadd.s32 $0xFFFFFB20  }
0x6d: {  	[tilespmem:s19], [sflag:$0x1] =	stream.linear.gather [hbm4b:s30+s2], $0x4E0, $0x38;
	[tilespmem:$0x1CBC0] =	vst v63  }
0x6e: {  	_ =	swait.ge [sflag:s10], $0x4E0  }
0x6f: {  	[sflag:s10] =	ssyncset.done $0x0  }
0x70: {  	s17 =	simm.s32 $0x14340;
	[sflag:s10] =	ssyncadd.s32 $0xFFFFFB20  }
0x71: {  	[tilespmem:s17], [sflag:$0x1] =	stream.linear.gather [hbm4b:s31+s2], $0x4E0, $0x38;
	[tilespmem:$0x1CBC0] =	vst v63  }
0x72: {  	_ =	swait.ge [sflag:s10], $0x4E0  }
0x73: {  	[sflag:s10] =	ssyncset.done $0x0  }
0x74: {  	s18 =	simm.s32 $0x14820;
	[sflag:s10] =	ssyncadd.s32 $0xFFFFFB20  }
0x75: {  	[tilespmem:s18], [sflag:$0x1] =	stream.linear.gather [hbm4b:s1+s2], $0x4E0, $0x38;
	[tilespmem:$0x1CBC0] =	vst v63  }
0x76: {  	_ =	swait.ge [sflag:s10], $0x4E0  }
0x77: {  	[sflag:s10] =	ssyncset.done $0x0  }
0x78: {  	s19 =	simm.s32 $0x14D00;
	[sflag:s10] =	ssyncadd.s32 $0xFFFFFB20  }
0x79: {  	[tilespmem:s19], [sflag:$0x1] =	stream.linear.gather [hbm4b:s0+s2], $0x4E0, $0x38;
	[tilespmem:$0x1CBC0] =	vst v63  }
0x7a: {  	_ =	swait.ge [sflag:s10], $0x4E0  }
0x7b: {  	[sflag:s10] =	ssyncset.done $0x0  }
0x7c: {  	s17 =	simm.s32 $0x151E0;
	[sflag:s10] =	ssyncadd.s32 $0xFFFFFB20  }
0x7d: {  	[tilespmem:s17], [sflag:$0x1] =	stream.linear.gather [hbm4b:s3+s2], $0x4E0, $0x38;
	[tilespmem:$0x1CBC0] =	vst v63  }
0x7e: {  	_ =	swait.ge [sflag:s10], $0x4E0  }
0x7f: {  	[sflag:s10] =	ssyncset.done $0x0  }
0x80: {  	s18 =	simm.s32 $0x156C0;
	[sflag:s10] =	ssyncadd.s32 $0xFFFFFB20  }
0x81: {  	[tilespmem:s18], [sflag:$0x1] =	stream.linear.gather [hbm4b:s4+s2], $0x4E0, $0x38;
	[tilespmem:$0x1CBC0] =	vst v63  }
0x82: {  	_ =	swait.ge [sflag:s10], $0x4E0  }
0x83: {  	[sflag:s10] =	ssyncset.done $0x0  }
0x84: {  	s19 =	simm.s32 $0x15BA0;
	[sflag:s10] =	ssyncadd.s32 $0xFFFFFB20  }
0x85: {  	[tilespmem:s19], [sflag:$0x1] =	stream.linear.gather [hbm4b:s5+s2], $0x4E0, $0x38;
	[tilespmem:$0x1CBC0] =	vst v63  }
0x86: {  	_ =	swait.ge [sflag:s10], $0x4E0  }
0x87: {  	[sflag:s10] =	ssyncset.done $0x0  }
0x88: {  	s17 =	simm.s32 $0x16080;
	[sflag:s10] =	ssyncadd.s32 $0xFFFFFB20  }
0x89: {  	[tilespmem:s17], [sflag:$0x1] =	stream.linear.gather [hbm4b:s6+s2], $0x4E0, $0x38;
	[tilespmem:$0x1CBC0] =	vst v63  }
0x8a: {  	_ =	swait.ge [sflag:s10], $0x4E0  }
0x8b: {  	[sflag:s10] =	ssyncset.done $0x0  }
0x8c: {  	s18 =	simm.s32 $0x16560;
	[sflag:s10] =	ssyncadd.s32 $0xFFFFFB20  }
0x8d: {  	[tilespmem:s18], [sflag:$0x1] =	stream.linear.gather [hbm4b:s7+s2], $0x4E0, $0x38;
	[tilespmem:$0x1CBC0] =	vst v63  }
0x8e: {  	_ =	swait.ge [sflag:s10], $0x4E0  }
0x8f: {  	[sflag:s10] =	ssyncset.done $0x0  }
0x90: {  	s19 =	simm.s32 $0x16A40;
	[sflag:s10] =	ssyncadd.s32 $0xFFFFFB20  }
0x91: {  	[tilespmem:s19], [sflag:$0x1] =	stream.linear.gather [hbm4b:s8+s2], $0x4E0, $0x38;
	[tilespmem:$0x1CBC0] =	vst v63  }
0x92: {  	_ =	swait.ge [sflag:s10], $0x4E0  }
0x93: {  	[sflag:s10] =	ssyncset.done $0x0  }
0x94: {  	s16 =	simm.s32 $0x0;
	[sflag:s10] =	ssyncadd.s32 $0xFFFFFB20  }
.LBB2_2:
0x95: {  	p0 =	sne.s32 s16, $0x137C0  }
.Ltmp0:
0x96: {  	_ = 	snop;
	(pc) =	sbr.rel @p0 .LBB2_2-.Ltmp0, $3  }
0x97: {  	_ =	sdelay $0x1  }
0x98: {  	s17 =	sshra.s32 s16, $0x2  }
0x99: {  	s16 =	sadd.s32 $0x40, s16;
	[tilespmem:s17+$0x16F20] =	vst v0  }
0x9a: {  	s16 =	simm.s32 $0x0  }
0x9b: {  	v6 =	vld [tilespmem:s16+$0x0];
	_ =	sdelay $0x1  }
0x9c: {  	v7 =	vld [tilespmem:s16+$0x9C0]  }
0x9d: {  	v8 =	vld [tilespmem:s16+$0x4E0];
	_ =	sdelay $0x4  }
0x9e: {  	v9 =	vld.idx.msk [tilespmem:v6+s12+$0x0], $0xffff  }
0x9f: {  	v10 =	vld.idx.msk [tilespmem:v6+s11+$0x0], $0xffff  }
0xa0: {  	v11 =	vld.idx.msk [tilespmem:v7+s11+$0x0], $0xffff  }
0xa1: {  	v12 =	vld.idx.msk [tilespmem:v8+s12+$0x0], $0xffff  }
0xa2: {  	v13 =	vld.idx.msk [tilespmem:v7+s12+$0x0], $0xffff  }
0xa3: {  	v14 =	vld.idx.msk [tilespmem:v8+s11+$0x0], $0xffff  }
0xa4: {  	v8 =	vld.idx.msk [tilespmem:v8+s13+$0x0], $0xffff  }
0xa5: {  	s17 =	sadd.s32 $0x0, s21;
	v6 =	vld.idx.msk [tilespmem:v6+s13+$0x0], $0xffff  }
0xa6: {  	v15 =	vmov s17;
	v9 =	vmul.f32 $2.560000000e+02, v9;
	v10 =	vmul.f32 $2.560000000e+02, v10  }
0xa7: {  	v16 =	vor.u32 s17, v1;
	v7 =	vld.idx.msk [tilespmem:v7+s13+$0x0], $0xffff;
	v11 =	vmul.f32 $2.560000000e+02, v11;
	v12 =	vmul.f32 $2.560000000e+02, v12  }
0xa8: {  	vm0 =	vlt.u32 v15, $0x9BE0;
	v13 =	vmul.f32 $2.560000000e+02, v13;
	v14 =	vmul.f32 $2.560000000e+02, v14  }
0xa9: {  	v8 =	vmul.f32 $2.560000000e+02, v8;
	v9 =	vadd.f32 $2.560000000e+02, v9;
	v12 =	vadd.f32 $2.560000000e+02, v12  }
0xaa: {  	v18 =	vld [tilespmem:s16+$0xFA20];
	v6 =	vmul.f32 $2.560000000e+02, v6;
	v10 =	vadd.f32 $2.560000000e+02, v10;
	v13 =	vadd.f32 $2.560000000e+02, v13  }
0xab: {  	v59 =	vld [tilespmem:s16+$0x12120];
	vm1 =	vgt.u32 v16, $0x26F7;
	v14 =	vadd.f32 $2.560000000e+02, v14;
	v9 =	vadd.f32 v12, v9  }
0xac: {  	v7 =	vmul.f32 $2.560000000e+02, v7;
	v11 =	vadd.f32 $2.560000000e+02, v11;
	v6 =	vadd.f32 v8, v6  }
0xad: {  	vm12 =	vgt.u32 v15, $0x4DEF;
	v10 =	vadd.f32 v14, v10;
	v9 =	vadd.f32 v13, v9  }
0xae: {  	vm13 =	vgt.u32 v16, $0x74E7;
	v17 =	vsel vm1, $0x1, v3;
	v6 =	vadd.f32 v7, v6  }
0xaf: {  	v61 =	vmul.f32 $3.333333430e-01, v18;
	v8 =	vmul.f32 v9, v2;
	v9 =	vadd.f32 v11, v10  }
0xb0: {  	v15 =	vsel vm12, $0x1, v3;
	v12 =	vmul.f32 $3.333333430e-01, v59;
	v62 =	vmul.f32 v6, v2  }
0xb1: {  	v60 =	vadd.s32 v15, v17;
	v7 =	vtrunc.f32 v8;
	v8 =	vmul.f32 v9, v2  }
0xb2: {  	v12 =	vadd.f32 v12, v61;
	v10 =	vsel vm13, $0x1, v3;
	v9 =	vld [tilespmem:s16+$0x14820];
	v7 =	vcvt.f32.s32 v7  }
0xb3: {  	s17 =	simm.s32 $0x0;
	v11 =	vnsel vm0, $0xFFFFFFFF, v16;
	v10 =	vadd.s32 v10, v60;
	v6 =	vtrunc.f32 v8  }
0xb4: {  	v8 =	vmov s17;
	v63 =	vcvt.f32.s32 v6;
	vm14 =	vgt.s32 v7, $0x0  }
0xb5: {  	v10 =	vshll.u32 v10, $0x12;
	v6 =	vshll.u32 v8, $0x4;
	v7 =	vnsel vm14, $0x0, v7  }
0xb6: {  	v6 =	vor.u32 v4, v6;
	vm15 =	vgt.s32 v63, $0x0;
	v7 =	vmin.u32 v7, $0x1FF  }
0xb7: {  	v8 =	vmul.f32 $3.333333430e-01, v9;
	v9 =	vnsel vm15, $0x0, v63;
	v7 =	vshll.u32 v7, $0x9  }
0xb8: {  	[tilespmem:s16+$0x1C6E0] =	vst v11;
	v11 =	vnsel vm0, $0x7149F2CA, v62;
	v9 =	vmin.u32 v9, $0x1FF;
	v7 =	vor.u32 v10, v7  }
0xb9: {  	[tilespmem:s16+$0x1C200] =	vst v11;
	v8 =	vadd.f32 v8, v12;
	v7 =	vor.u32 v9, v7  }
0xba: {  	[tilespmem:s16+$0x1BD20] =	vst v7  }
0xbb: {  	[tilespmem:v6+s14+$0x0] =	vst.idx.msk $0xffff, v8  }
0xbc: {  	v7 =	vld [tilespmem:s16+$0xFF00]  }
0xbd: {  	v8 =	vld [tilespmem:s16+$0x12600];
	_ =	sdelay $0x1  }
0xbe: {  	v9 =	vld [tilespmem:s16+$0x14D00];
	_ =	sdelay $0x2  }
0xbf: {  	v7 =	vmul.f32 $3.333333430e-01, v7;
	v8 =	vmul.f32 $3.333333430e-01, v8  }
0xc0: {  	v10 =	vor.u32 $0x1, v6  }
0xc1: {  	v7 =	vadd.f32 v8, v7;
	v8 =	vmul.f32 $3.333333430e-01, v9;
	_ =	sdelay $0x1  }
0xc2: {  	v7 =	vadd.f32 v8, v7;
	_ =	sdelay $0x1  }
0xc3: {  	[tilespmem:v10+s14+$0x0] =	vst.idx.msk $0xffff, v7  }
0xc4: {  	v7 =	vld [tilespmem:s16+$0x103E0]  }
0xc5: {  	v8 =	vld [tilespmem:s16+$0x12AE0];
	_ =	sdelay $0x1  }
0xc6: {  	v9 =	vld [tilespmem:s16+$0x151E0];
	_ =	sdelay $0x2  }
0xc7: {  	v7 =	vmul.f32 $3.333333430e-01, v7;
	v8 =	vmul.f32 $3.333333430e-01, v8  }
0xc8: {  	v10 =	vor.u32 $0x2, v6  }
0xc9: {  	v7 =	vadd.f32 v8, v7;
	v8 =	vmul.f32 $3.333333430e-01, v9;
	_ =	sdelay $0x1  }
0xca: {  	v7 =	vadd.f32 v8, v7;
	_ =	sdelay $0x1  }
0xcb: {  	[tilespmem:v10+s14+$0x0] =	vst.idx.msk $0xffff, v7  }
0xcc: {  	v7 =	vld [tilespmem:s16+$0x108C0]  }
0xcd: {  	v8 =	vld [tilespmem:s16+$0x12FC0];
	_ =	sdelay $0x1  }
0xce: {  	v9 =	vld [tilespmem:s16+$0x156C0];
	_ =	sdelay $0x2  }
0xcf: {  	v7 =	vmul.f32 $3.333333430e-01, v7;
	v8 =	vmul.f32 $3.333333430e-01, v8  }
0xd0: {  	v10 =	vor.u32 $0x3, v6  }
0xd1: {  	v7 =	vadd.f32 v8, v7;
	v8 =	vmul.f32 $3.333333430e-01, v9;
	_ =	sdelay $0x1  }
0xd2: {  	v7 =	vadd.f32 v8, v7;
	_ =	sdelay $0x1  }
0xd3: {  	[tilespmem:v10+s14+$0x0] =	vst.idx.msk $0xffff, v7  }
0xd4: {  	v7 =	vld [tilespmem:s16+$0x10DA0]  }
0xd5: {  	v8 =	vld [tilespmem:s16+$0x134A0];
	_ =	sdelay $0x1  }
0xd6: {  	v9 =	vld [tilespmem:s16+$0x15BA0];
	_ =	sdelay $0x2  }
0xd7: {  	v7 =	vmul.f32 $3.333333430e-01, v7;
	v8 =	vmul.f32 $3.333333430e-01, v8  }
0xd8: {  	v10 =	vor.u32 $0x4, v6  }
0xd9: {  	v7 =	vadd.f32 v8, v7;
	v8 =	vmul.f32 $3.333333430e-01, v9;
	_ =	sdelay $0x1  }
0xda: {  	v7 =	vadd.f32 v8, v7;
	_ =	sdelay $0x1  }
0xdb: {  	[tilespmem:v10+s14+$0x0] =	vst.idx.msk $0xffff, v7  }
0xdc: {  	v7 =	vld [tilespmem:s16+$0x13980]  }
0xdd: {  	v8 =	vld [tilespmem:s16+$0x11280];
	_ =	sdelay $0x1  }
0xde: {  	v9 =	vld [tilespmem:s16+$0x16080];
	_ =	sdelay $0x2  }
0xdf: {  	v7 =	vmul.f32 $3.333333430e-01, v7;
	v8 =	vmul.f32 $3.333333430e-01, v8  }
0xe0: {  	v10 =	vor.u32 $0x5, v6  }
0xe1: {  	v7 =	vadd.f32 v7, v8;
	v8 =	vmul.f32 $3.333333430e-01, v9;
	_ =	sdelay $0x1  }
0xe2: {  	v7 =	vadd.f32 v8, v7;
	_ =	sdelay $0x1  }
0xe3: {  	[tilespmem:v10+s14+$0x0] =	vst.idx.msk $0xffff, v7  }
0xe4: {  	v7 =	vld [tilespmem:s16+$0x11760]  }
0xe5: {  	v8 =	vld [tilespmem:s16+$0x13E60];
	_ =	sdelay $0x1  }
0xe6: {  	v9 =	vld [tilespmem:s16+$0x16560];
	_ =	sdelay $0x2  }
0xe7: {  	v10 =	vmul.f32 $3.333333430e-01, v7;
	v8 =	vmul.f32 $3.333333430e-01, v8;
	_ =	sdelay $0x1  }
0xe8: {  	s18 =	simm.s32 $0x40;
	v7 =	vor.u32 $0x6, v6;
	v9 =	vmul.f32 $3.333333430e-01, v9;
	v8 =	vadd.f32 v8, v10  }
.LBB2_4:
0xe9: {  	p0 =	sne.s32 s18, $0x1340  }
0xea: {  	s17 =	sadd.s32 $0x10, s17;
	s19 =	smov.u32 s18;
	s18 =	sadd.s32 $0x40, s18  }
0xeb: {  	v8 =	vadd.f32 v9, v8;
	_ =	sdelay $0x1  }
0xec: {  	[tilespmem:v7+s14+$0x0] =	vst.idx.msk $0xffff, v8  }
0xed: {  	v7 =	vld [tilespmem:s16+$0x11C40]  }
0xee: {  	v8 =	vld [tilespmem:s16+$0x14340]  }
0xef: {  	v9 =	vld [tilespmem:s16+$0x16A40];
	_ =	sdelay $0x2  }
0xf0: {  	v7 =	vmul.f32 $3.333333430e-01, v7  }
0xf1: {  	v10 =	vor.u32 $0x7, v6;
	v8 =	vmul.f32 $3.333333430e-01, v8  }
0xf2: {  	v6 =	vor.u32 $0x8, v6;
	s16 =	sshra.s32 s19, $0x2;
	v9 =	vmul.f32 $3.333333430e-01, v9  }
0xf3: {  	v7 =	vadd.f32 v8, v7;
	_ =	sdelay $0x1  }
0xf4: {  	v7 =	vadd.f32 v9, v7;
	_ =	sdelay $0x1  }
0xf5: {  	[tilespmem:v10+s14+$0x0] =	vst.idx.msk $0xffff, v7  }
0xf6: {  	[tilespmem:v6+s14+$0x0] =	vst.idx.msk $0xffff, v5  }
0xf7: {  	v6 =	vld [tilespmem:s16+$0x0]  }
0xf8: {  	v7 =	vld [tilespmem:s16+$0x9C0]  }
0xf9: {  	v8 =	vld [tilespmem:s16+$0x4E0];
	_ =	sdelay $0x5  }
0xfa: {  	v9 =	vld.idx.msk [tilespmem:v6+s12+$0x0], $0xffff  }
0xfb: {  	v10 =	vld.idx.msk [tilespmem:v6+s11+$0x0], $0xffff  }
0xfc: {  	v11 =	vld.idx.msk [tilespmem:v7+s11+$0x0], $0xffff  }
0xfd: {  	v12 =	vld.idx.msk [tilespmem:v8+s12+$0x0], $0xffff  }
0xfe: {  	v13 =	vld.idx.msk [tilespmem:v7+s12+$0x0], $0xffff  }
0xff: {  	v14 =	vld.idx.msk [tilespmem:v8+s11+$0x0], $0xffff  }
0x100: {  	v9 =	vmul.f32 $2.560000000e+02, v9  }
0x101: {  	s19 =	sadd.s32 s17, s21;
	v10 =	vmul.f32 $2.560000000e+02, v10;
	v8 =	vld.idx.msk [tilespmem:v8+s13+$0x0], $0xffff  }
0x102: {  	v15 =	vmov s19;
	v11 =	vmul.f32 $2.560000000e+02, v11;
	v9 =	vadd.f32 $2.560000000e+02, v9;
	v6 =	vld.idx.msk [tilespmem:v6+s13+$0x0], $0xffff  }
0x103: {  	v16 =	vor.u32 s19, v1;
	v12 =	vmul.f32 $2.560000000e+02, v12  }
0x104: {  	vm0 =	vlt.u32 v15, $0x9BE0;
	v10 =	vadd.f32 $2.560000000e+02, v10;
	v13 =	vmul.f32 $2.560000000e+02, v13;
	v7 =	vld.idx.msk [tilespmem:v7+s13+$0x0], $0xffff  }
0x105: {  	vm1 =	vgt.u32 v16, $0x26F7;
	v14 =	vmul.f32 $2.560000000e+02, v14;
	v12 =	vadd.f32 $2.560000000e+02, v12  }
0x106: {  	v17 =	vsel vm1, $0x1, v3;
	v11 =	vadd.f32 $2.560000000e+02, v11;
	v13 =	vadd.f32 $2.560000000e+02, v13  }
0x107: {  	vm1 =	vgt.u32 v15, $0x4DEF;
	v8 =	vmul.f32 $2.560000000e+02, v8;
	v9 =	vadd.f32 v12, v9;
	v12 =	vld [tilespmem:s16+$0x12120]  }
0x108: {  	v15 =	vsel vm1, $0x1, v3;
	v14 =	vadd.f32 $2.560000000e+02, v14;
	v6 =	vmul.f32 $2.560000000e+02, v6;
	v18 =	vld [tilespmem:s16+$0xFA20]  }
0x109: {  	vm1 =	vgt.u32 v16, $0x74E7;
	v9 =	vadd.f32 v13, v9;
	v13 =	vadd.s32 v15, v17  }
0x10a: {  	v10 =	vadd.f32 v14, v10;
	v7 =	vmul.f32 $2.560000000e+02, v7;
	v6 =	vadd.f32 v8, v6;
	v8 =	vld [tilespmem:s16+$0x14820]  }
0x10b: {  	v14 =	vsel vm1, $0x1, v3;
	v15 =	vnsel vm0, $0xFFFFFFFF, v16;
	v9 =	vmul.f32 v9, v2  }
0x10c: {  	v10 =	vadd.f32 v11, v10;
	v6 =	vadd.f32 v7, v6;
	[tilespmem:s16+$0x1C6E0] =	vst v15;
	v7 =	vmul.f32 $3.333333430e-01, v12  }
0x10d: {  	v11 =	vadd.s32 v14, v13;
	v9 =	vtrunc.f32 v9;
	v12 =	vmul.f32 $3.333333430e-01, v18  }
0x10e: {  	v11 =	vshll.u32 v11, $0x12;
	v10 =	vmul.f32 v10, v2;
	v9 =	vcvt.f32.s32 v9  }
0x10f: {  	v13 =	vmov s17;
	v6 =	vmul.f32 v6, v2;
	v7 =	vadd.f32 v7, v12  }
0x110: {  	v10 =	vtrunc.f32 v10;
	v12 =	vshll.u32 v13, $0x4;
	v8 =	vmul.f32 $3.333333430e-01, v8  }
0x111: {  	v10 =	vcvt.f32.s32 v10;
	vm1 =	vgt.s32 v9, $0x0;
	v6 =	vnsel vm0, $0x7149F2CA, v6  }
0x112: {  	v9 =	vnsel vm1, $0x0, v9;
	v7 =	vadd.f32 v8, v7;
	[tilespmem:s16+$0x1C200] =	vst v6  }
0x113: {  	vm0 =	vgt.s32 v10, $0x0;
	v8 =	vmin.u32 v9, $0x1FF;
	v6 =	vor.u32 v4, v12  }
0x114: {  	v9 =	vnsel vm0, $0x0, v10;
	v8 =	vshll.u32 v8, $0x9  }
0x115: {  	v9 =	vmin.u32 v9, $0x1FF;
	v8 =	vor.u32 v11, v8  }
0x116: {  	v8 =	vor.u32 v9, v8  }
0x117: {  	[tilespmem:s16+$0x1BD20] =	vst v8  }
0x118: {  	[tilespmem:v6+s14+$0x0] =	vst.idx.msk $0xffff, v7  }
0x119: {  	v7 =	vld [tilespmem:s16+$0xFF00]  }
0x11a: {  	v8 =	vld [tilespmem:s16+$0x12600]  }
0x11b: {  	v9 =	vld [tilespmem:s16+$0x14D00];
	_ =	sdelay $0x2  }
0x11c: {  	v7 =	vmul.f32 $3.333333430e-01, v7  }
0x11d: {  	v8 =	vmul.f32 $3.333333430e-01, v8  }
0x11e: {  	v10 =	vor.u32 $0x1, v6  }
0x11f: {  	v7 =	vadd.f32 v8, v7;
	v8 =	vmul.f32 $3.333333430e-01, v9;
	_ =	sdelay $0x1  }
0x120: {  	v7 =	vadd.f32 v8, v7;
	_ =	sdelay $0x1  }
0x121: {  	[tilespmem:v10+s14+$0x0] =	vst.idx.msk $0xffff, v7  }
0x122: {  	v7 =	vld [tilespmem:s16+$0x103E0]  }
0x123: {  	v8 =	vld [tilespmem:s16+$0x12AE0]  }
0x124: {  	v9 =	vld [tilespmem:s16+$0x151E0];
	_ =	sdelay $0x3  }
0x125: {  	v7 =	vmul.f32 $3.333333430e-01, v7;
	v8 =	vmul.f32 $3.333333430e-01, v8  }
0x126: {  	v10 =	vor.u32 $0x2, v6  }
0x127: {  	v7 =	vadd.f32 v8, v7;
	v8 =	vmul.f32 $3.333333430e-01, v9;
	_ =	sdelay $0x1  }
0x128: {  	v7 =	vadd.f32 v8, v7;
	_ =	sdelay $0x1  }
0x129: {  	[tilespmem:v10+s14+$0x0] =	vst.idx.msk $0xffff, v7  }
0x12a: {  	v7 =	vld [tilespmem:s16+$0x108C0]  }
0x12b: {  	v8 =	vld [tilespmem:s16+$0x12FC0]  }
0x12c: {  	v9 =	vld [tilespmem:s16+$0x156C0];
	_ =	sdelay $0x2  }
0x12d: {  	v7 =	vmul.f32 $3.333333430e-01, v7  }
0x12e: {  	v8 =	vmul.f32 $3.333333430e-01, v8  }
0x12f: {  	v10 =	vor.u32 $0x3, v6  }
0x130: {  	v7 =	vadd.f32 v8, v7;
	v8 =	vmul.f32 $3.333333430e-01, v9;
	_ =	sdelay $0x1  }
0x131: {  	v7 =	vadd.f32 v8, v7;
	_ =	sdelay $0x1  }
0x132: {  	[tilespmem:v10+s14+$0x0] =	vst.idx.msk $0xffff, v7  }
0x133: {  	v7 =	vld [tilespmem:s16+$0x10DA0]  }
0x134: {  	v8 =	vld [tilespmem:s16+$0x134A0]  }
0x135: {  	v9 =	vld [tilespmem:s16+$0x15BA0];
	_ =	sdelay $0x2  }
0x136: {  	v7 =	vmul.f32 $3.333333430e-01, v7  }
0x137: {  	v8 =	vmul.f32 $3.333333430e-01, v8  }
0x138: {  	v10 =	vor.u32 $0x4, v6  }
0x139: {  	v7 =	vadd.f32 v8, v7;
	v8 =	vmul.f32 $3.333333430e-01, v9;
	_ =	sdelay $0x1  }
0x13a: {  	v7 =	vadd.f32 v8, v7;
	_ =	sdelay $0x1  }
0x13b: {  	[tilespmem:v10+s14+$0x0] =	vst.idx.msk $0xffff, v7  }
0x13c: {  	v7 =	vld [tilespmem:s16+$0x13980]  }
0x13d: {  	v8 =	vld [tilespmem:s16+$0x11280]  }
0x13e: {  	v9 =	vld [tilespmem:s16+$0x16080];
	_ =	sdelay $0x2  }
0x13f: {  	v7 =	vmul.f32 $3.333333430e-01, v7  }
0x140: {  	v8 =	vmul.f32 $3.333333430e-01, v8  }
0x141: {  	v10 =	vor.u32 $0x5, v6  }
0x142: {  	v7 =	vadd.f32 v7, v8;
	v8 =	vmul.f32 $3.333333430e-01, v9;
	_ =	sdelay $0x1  }
0x143: {  	v7 =	vadd.f32 v8, v7;
	_ =	sdelay $0x1  }
0x144: {  	[tilespmem:v10+s14+$0x0] =	vst.idx.msk $0xffff, v7  }
0x145: {  	v7 =	vld [tilespmem:s16+$0x11760]  }
0x146: {  	v8 =	vld [tilespmem:s16+$0x13E60]  }
0x147: {  	v9 =	vld [tilespmem:s16+$0x16560];
	_ =	sdelay $0x1  }
.Ltmp1:
0x148: {  	(pc) =	sbr.rel @p0 .LBB2_4-.Ltmp1, $4  }
0x149: {  	v10 =	vmul.f32 $3.333333430e-01, v7  }
0x14a: {  	v8 =	vmul.f32 $3.333333430e-01, v8  }
0x14b: {  	v7 =	vor.u32 $0x6, v6  }
0x14c: {  	v9 =	vmul.f32 $3.333333430e-01, v9;
	v8 =	vadd.f32 v8, v10  }
0x14d: {  	_ =	sdelay $0x1  }
0x14e: {  	v8 =	vadd.f32 v9, v8;
	_ =	sdelay $0x1  }
0x14f: {  	[tilespmem:v7+s14+$0x0] =	vst.idx.msk $0xffff, v8  }
0x150: {  	v7 =	vld [tilespmem:s16+$0x11C40]  }
0x151: {  	v8 =	vld [tilespmem:s16+$0x14340];
	_ =	sdelay $0x1  }
0x152: {  	v63 =	vld [tilespmem:s16+$0x16A40];
	_ =	sdelay $0x2  }
0x153: {  	v7 =	vmul.f32 $3.333333430e-01, v7;
	v8 =	vmul.f32 $3.333333430e-01, v8  }
0x154: {  	v10 =	vor.u32 $0x7, v6  }
0x155: {  	v6 =	vor.u32 $0x8, v6;
	v9 =	vmul.f32 $3.333333430e-01, v63;
	v7 =	vadd.f32 v8, v7;
	_ =	sdelay $0x1  }
0x156: {  	v7 =	vadd.f32 v9, v7;
	_ =	sdelay $0x1  }
0x157: {  	[tilespmem:v10+s14+$0x0] =	vst.idx.msk $0xffff, v7  }
0x158: {  	s17 =	simm.s32 $0x1BD20;
	[tilespmem:v6+s14+$0x0] =	vst.idx.msk $0xffff, v5  }
0x159: {  	[hbm4b:s20+s2] =	stream.linear.scatter [tilespmem:s17], [sflag:$0x1], $0x4E0, $0x38;
	[tilespmem:$0x1CBC0] =	vst v63  }
0x15a: {  	_ =	swait.ge [sflag:s10], $0x4E0  }
0x15b: {  	[sflag:s10] =	ssyncset.done $0x0  }
0x15c: {  	s18 =	simm.s32 $0x1C200;
	[sflag:s10] =	ssyncadd.s32 $0xFFFFFB20  }
0x15d: {  	[hbm4b:s22+s2] =	stream.linear.scatter [tilespmem:s18], [sflag:$0x1], $0x4E0, $0x38;
	[tilespmem:$0x1CBC0] =	vst v63  }
0x15e: {  	_ =	swait.ge [sflag:s10], $0x4E0  }
0x15f: {  	[sflag:s10] =	ssyncset.done $0x0  }
0x160: {  	s19 =	simm.s32 $0x1C6E0;
	[sflag:s10] =	ssyncadd.s32 $0xFFFFFB20  }
0x161: {  	[hbm4b:s23+s2] =	stream.linear.scatter [tilespmem:s19], [sflag:$0x1], $0x4E0, $0x38;
	[tilespmem:$0x1CBC0] =	vst v63  }
0x162: {  	s15 =	sadd.s32 $0x1, s15;
	_ =	swait.ge [sflag:s10], $0x4E0  }
0x163: {  	p0 =	sne.s32 s15, s25;
	[sflag:s10] =	ssyncset.done $0x0  }
.Ltmp2:
0x164: {  	[sflag:s10] =	ssyncadd.s32 $0xFFFFFB20;
	(pc) =	sbr.rel @p0 .LBB2_1-.Ltmp2, $4  }
0x165: {  	[hbm4b:s24+s2] =	stream.linear.scatter [tilespmem:s14], [sflag:$0x1], $0x4E00, $0x38;
	[tilespmem:$0x1CBC0] =	vst v63  }
0x166: {  	_ =	swait.ge [sflag:s10], $0x4E00  }
0x167: {  	[sflag:s10] =	ssyncset.done $0x0  }
0x168: {  	[sflag:s10] =	ssyncadd.s32 $0xFFFFB200  }
0x169: {  	_ =	sfence.sel $0x180000  }
0x16a: {  	[bflag:$0x0] =	sbarrier.arrive $0xFFFF  }
0x16b: {  	_ =	strace $0x90000047  }
0x16c: {  	s0 =	stileid.u32;
	[bflag:$0x2] =	sbarrier.arrive $0xFFFF  }
0x16d: {  	p0 =	sne.s32 s0, $0x0;
	s0 =	rddreg [dreg:$0x2]  }
0x16e: {  	s0 =	sadd.s32 @!p0 $0x100000, s0  }
0x16f: {  	[sflag:s0] =	ssyncadd.tile.s32 @!p0 $0x1;
	_ =	shalt  }
.Lfunc_end2:
_tile_overlayer_lowered:
.L_overlay_start_2:
0x170: {  	(tag) =	ssettag $0x2  }
0x171: {  	s0 =	rddreg [dreg:$0x0];
	s2 =	stileid.u32  }
0x172: {  	s1 =	rddreg [dreg:$0x1];
	p0 =	sne.s32 s2, $0x0  }
0x173: {  	s3 =	rddreg [dreg:$0x2];
	[bflag:$0x3] =	sbarrier.arrive $0xFFFF;
	s2 =	simm.s32 @!p0 $0x1C01  }
0x174: {  	[timem:s3], [sflag:s2] =	dma.local @!p0 [hbm:s0], s1  }
0x175: {  	s0 =	simm.s32 @!p0 $0x1  }
0x176: {  	_ =	swait.ge @!p0 [sflag:s0], s1  }
0x177: {  	s1 =	ssub.s32 @!p0 $0x0, s1;
	[sflag:s0] =	ssyncset.done @!p0 $0x0  }
0x178: {  	[sflag:s0] =	ssyncadd.s32 @!p0 s1  }
0x179: {  	[bflag:$0x3] =	sbarrier.arrive $0xFFFF  }
0x17a: {  	_ =	shalt  }

// kernel: kernel.8.cloned.1.call-start
scs
__scs_entry_jumppad:
0x0: {  	(pc) =	sbr.rel $0x88, $3  }
0x1: {  	(tag) =	ssettag $0x0;
	lr =	simm.s32 $0x1  }
0x2: {  	[smem:$0x3F9E] =	sst lr;
	_ =	strace $0xD0000000  }
0x3: {  	_ = 	snop  }
0x4: {  	_ = 	snop  }
0x5: {  	_ = 	snop  }
0x6: {  	_ = 	snop  }
0x7: {  	_ = 	snop  }
__scs_overlays_trampoline_lowered:
0x8: {  	[smem:$0x3FAD] =	sst s0  }
0x9: {  	[smem:$0x3FAE] =	sst s1  }
0xa: {  	[smem:$0x3FAF] =	sst s2  }
0xb: {  	[smem:$0x3FB0] =	sst s3  }
0xc: {  	[smem:$0x3FB1] =	sst s4  }
0xd: {  	[smem:$0x3FB2] =	sst s5  }
0xe: {  	[smem:$0x3FB3] =	sst s6  }
0xf: {  	[smem:$0x3FB4] =	sst s7  }
0x10: {  	[smem:$0x3FB5] =	sst s8  }
0x11: {  	[smem:$0x3FB6] =	sst s9;
	s0 =	simm.s32 @!p0 $0x0  }
0x12: {  	s1 =	sld [smem:$0x3F9C];
	s0 =	simm.s32 @p0 $0x1  }
0x13: {  	[smem:$0x3FB7] =	sst s0;
	s0 =	simm.s32 @!p1 $0x0  }
0x14: {  	s2 =	sld [smem:$0x3F9B];
	s0 =	simm.s32 @p1 $0x1  }
0x15: {  	[smem:$0x3FB8] =	sst s0;
	s0 =	simm.s32 @!p2 $0x0  }
0x16: {  	s3 =	sld [smem:$0x3FDB];
	s0 =	simm.s32 @p2 $0x1  }
0x17: {  	s4 =	simm.s32 $0x1BF5;
	[smem:$0x3FBA] =	sst s0  }
0x18: {  	s0 =	sld [smem:$0x3F9D];
	_ =	swait.ge [sflag:s4], $0x0  }
0x19: {  	s7 =	sld [smem:$0x3F9E]  }
0x1a: {  	s8 =	sadd.s32 $0xFFFFE003, lr  }
0x1b: {  	s9 =	sadd.s32 $0xFFFFFEF7, lr;
	s5 =	simm.s32 $0xFFFFFFFF;
	p2 =	slt.u32 s8, $0xFFFFF086  }
0x1c: {  	p1 =	slt.u32 s9, $0xF7A;
	s5 =	simm.s32 @!p2 $0x0  }
0x1d: {  	s5 =	simm.s32 @p1 $0x1;
	p0 =	seq.s32 s7, s2  }
0x1e: {  	s7 =	smul.u32 @!p0 $0xF7A, s2;
	p2 =	seq.s32 @!p0 s5, $0x0  }
0x1f: {  	s9 =	smul.u32 $0xF7A, s1;
	s8 =	simm.s32 @!p0 $0x1BF5;
	p2 =	por !p2, p0  }
0x20: {  	[sflag:s8] =	ssyncset.s32 @!p0 $0xFFFFF086;
	s6 =	sadd.s32 @!p0 s3, s7;
	s7 =	simm.s32 @!p0 $0x108  }
0x21: {  	s3 =	sadd.s32 s3, s9;
	s6 =	sadd.s32 @!p0 $0x88, s6;
	s7 =	simm.s32 @p2 $0x1082  }
0x22: {  	[simem:s7], [sflag:s8] =	dma.local @!p0 [hbm:s6], $0xF7A  }
0x23: {  	s9 =	sor.u32 $0xD0000000, s2;
	s6 =	simm.s32 $0x108;
	_ =	swait.ge @!p0 [sflag:s8], $0x0  }
0x24: {  	s3 =	sadd.s32 $0x88, s3;
	s6 =	simm.s32 @!p1 $0x1082;
	[sflag:s4] =	ssyncset.s32 $0xFFFFF086  }
0x25: {  	[simem:s6], [sflag:s4] =	dma.local [hbm:s3], $0xF7A  }
0x26: {  	[smem:$0x3F9E] =	sst s1;
	(tag) =	ssettag s2;
	_ =	strace s9  }
0x27: {  	s1 =	sld [smem:$0x3FAE]  }
0x28: {  	s2 =	sld [smem:$0x3FAF]  }
0x29: {  	s4 =	sld [smem:$0x3FB1]  }
0x2a: {  	p0 =	seq.s32 s5, $0x0;
	s5 =	sld [smem:$0x3FB2]  }
0x2b: {  	s6 =	sld [smem:$0x3FB3]  }
0x2c: {  	s7 =	sld [smem:$0x3FB4]  }
0x2d: {  	s3 =	simm.s32 $0x108;
	s8 =	sld [smem:$0x3FB5]  }
0x2e: {  	s3 =	simm.s32 @!p0 $0x1082;
	s9 =	sld [smem:$0x3FB6]  }
0x2f: {  	lr =	sadd.s32 s0, s3;
	s0 =	sld [smem:$0x3FAD]  }
0x30: {  	s3 =	sld [smem:$0x3FB0]  }
0x31: {  	[smem:$0x3FB9] =	sst s10  }
0x32: {  	s10 =	sld [smem:$0x3FB7];
	_ =	sdelay $0x3  }
0x33: {  	p0 =	seq.s32 s10, $0x1;
	s10 =	sld [smem:$0x3FB9];
	_ =	sdelay $0x3  }
0x34: {  	[smem:$0x3FB9] =	sst s10  }
0x35: {  	s10 =	sld [smem:$0x3FB8];
	_ =	sdelay $0x3  }
0x36: {  	p1 =	seq.s32 s10, $0x1;
	s10 =	sld [smem:$0x3FB9];
	_ =	sdelay $0x3  }
0x37: {  	[smem:$0x3FB9] =	sst s10  }
0x38: {  	s10 =	sld [smem:$0x3FBA]  }
0x39: {  	_ = 	snop;
	(pc) =	sbr.ind lr, $3  }
0x3a: {  	_ = 	snop  }
0x3b: {  	_ = 	snop  }
0x3c: {  	p2 =	seq.s32 s10, $0x1;
	s10 =	sld [smem:$0x3FB9]  }
0x3d: {  	_ =	shalt  }
0x3e: {  	_ =	shalt  }
0x3f: {  	_ =	shalt  }
0x40: {  	_ =	shalt  }
0x41: {  	_ =	shalt  }
0x42: {  	_ =	shalt  }
0x43: {  	_ =	shalt  }
0x44: {  	_ =	shalt  }
0x45: {  	_ =	shalt  }
0x46: {  	_ =	shalt  }
0x47: {  	_ =	shalt  }
0x48: {  	_ =	shalt  }
0x49: {  	_ =	shalt  }
0x4a: {  	_ =	shalt  }
0x4b: {  	_ =	shalt  }
0x4c: {  	_ =	shalt  }
0x4d: {  	_ =	shalt  }
0x4e: {  	_ =	shalt  }
0x4f: {  	_ =	shalt  }
0x50: {  	_ =	shalt  }
0x51: {  	_ =	shalt  }
0x52: {  	_ =	shalt  }
0x53: {  	_ =	shalt  }
0x54: {  	_ =	shalt  }
0x55: {  	_ =	shalt  }
0x56: {  	_ =	shalt  }
0x57: {  	_ =	shalt  }
0x58: {  	_ =	shalt  }
0x59: {  	_ =	shalt  }
0x5a: {  	_ =	shalt  }
0x5b: {  	_ =	shalt  }
0x5c: {  	_ =	shalt  }
0x5d: {  	_ =	shalt  }
0x5e: {  	_ =	shalt  }
0x5f: {  	_ =	shalt  }
0x60: {  	_ =	shalt  }
0x61: {  	_ =	shalt  }
0x62: {  	_ =	shalt  }
0x63: {  	_ =	shalt  }
0x64: {  	_ =	shalt  }
0x65: {  	_ =	shalt  }
0x66: {  	_ =	shalt  }
0x67: {  	_ =	shalt  }
0x68: {  	_ =	shalt  }
0x69: {  	_ =	shalt  }
0x6a: {  	_ =	shalt  }
0x6b: {  	_ =	shalt  }
0x6c: {  	_ =	shalt  }
0x6d: {  	_ =	shalt  }
0x6e: {  	_ =	shalt  }
0x6f: {  	_ =	shalt  }
0x70: {  	_ =	shalt  }
0x71: {  	_ =	shalt  }
0x72: {  	_ =	shalt  }
0x73: {  	_ =	shalt  }
0x74: {  	_ =	shalt  }
0x75: {  	_ =	shalt  }
0x76: {  	_ =	shalt  }
0x77: {  	_ =	shalt  }
0x78: {  	_ =	shalt  }
0x79: {  	_ =	shalt  }
0x7a: {  	_ =	shalt  }
0x7b: {  	_ =	shalt  }
0x7c: {  	_ =	shalt  }
0x7d: {  	_ =	shalt  }
0x7e: {  	_ =	shalt  }
0x7f: {  	_ =	shalt  }
0x80: {  	_ =	shalt  }
0x81: {  	_ =	shalt  }
0x82: {  	_ =	shalt  }
0x83: {  	_ =	shalt  }
0x84: {  	_ =	shalt  }
0x85: {  	_ =	shalt  }
0x86: {  	_ =	shalt  }
0x87: {  	_ =	shalt  }
.Lfunc_end0:
.L_simem_size_0:
called_computation.1_lowered:
.L_overlay_start_0:
0x88: {  	s2 =	sld [smem:$0x3FD9]  }
0x89: {  	s3 =	sld [smem:$0x3FFE];
	_ =	sdelay $0x1  }
0x8a: {  	s1 =	srdreg.scid  }
0x8b: {  	s0 =	sand.u32 $0x1, s1  }
0x8c: {  	s17 =	sshll.u32 s0, $0xA;
	s2 =	sadd.s32 s3, s2  }
0x8d: {  	s2 =	sadd.s32 s2, s17  }
0x8e: {  	[smem:$0x3FC5] =	sst s2  }
0x8f: {  	_ = 	snop  }
0x90: {  	s2 =	sld [smem:$0x3FD0];
	(tm) =	ssettm $0x1  }
0x91: {  	s18 =	sld [smem:$0x3FFB];
	_ =	sdelay $0x3  }
0x92: {  	_ =	strace s18  }
0x93: {  	s3 =	sld [smem:$0x3FFC];
	_ =	sdelay $0x3  }
0x94: {  	_ =	strace s3  }
0x95: {  	s3 =	sld [smem:$0x3FFD];
	_ =	sdelay $0x3  }
0x96: {  	_ =	strace s3  }
0x97: {  	_ =	strace $0x8FFFFFFF  }
0x98: {  	s19 =	sld [smem:$0x3FDB];
	_ =	sdelay $0x1  }
0x99: {  	s4 =	simm.s32 $_scs_section_size  }
0x9a: {  	s5 =	simm.s32 $_size__tile_overlayer_lowered;
	s6 =	simm.s32 $_tile_overlayer_lowered  }
0x9b: {  	s22 =	simm.s32 $0x1BFF;
	s21 =	sshll.u32 s6, $0x1;
	s3 =	sadd.s32 s4, s19  }
0x9c: {  	s7 =	simm.s32 $0x0;
	s20 =	sshll.u32 s5, $0x1;
	s5 =	sadd.s32 s21, s3  }
0x9d: {  	[timem:s7], [sflag:s22] =	dma.local [hbm:s5], s20  }
0x9e: {  	_ =	swait.ge [sflag:s22], s20  }
0x9f: {  	s4 =	ssub.s32 $0x0, s20;
	[sflag:s22] =	ssyncset.done $0x0  }
0xa0: {  	[sflag:s22] =	ssyncadd.s32 s4;
	_ =	sdelay $0x1  }
0xa1: {  	s23 =	simm.s32 $0x1B8B  }
0xa2: {  	_ =	swait.ge [sflag:s23], $0x1  }
0xa3: {  	[sflag:s23] =	ssyncset.done $0x0  }
0xa4: {  	s25 =	simm.s32 $0x1B8E;
	s24 =	sld [smem:$0x3FFE];
	[sflag:s23] =	ssyncadd.s32 $0xFFFFFFFF  }
0xa5: {  	s26 =	simm.s32 $execute0_lowered;
	[smem:$0x3FD2] =	sst s25  }
0xa6: {  	s5 =	sshll.u32 s26, $0x1;
	_ =	strace $0x80000049;
	[dreg:$0x1] =	wrdreg $0xFFFFFFFF  }
0xa7: {  	s28 =	simm.s32 $_size_execute0_lowered;
	s3 =	sadd.s32 s3, s5;
	[dreg:$0x0] =	wrdreg $0x0  }
0xa8: {  	s5 =	sshll.u32 s28, $0x1;
	[dreg:$0x2] =	wrdreg s3  }
0xa9: {  	[dreg:$0x3] =	wrdreg s5  }
0xaa: {  	[dreg:$0x4] =	wrdreg $0xC0  }
0xab: {  	_ =	task [dreg:s7], $0x5FFFF  }
0xac: {  	[dreg:$0x1] =	wrdreg $0xFFFFFFFF  }
0xad: {  	[dreg:$0x0] =	wrdreg $0x60  }
0xae: {  	[dreg:$0x2] =	wrdreg s24  }
0xaf: {  	[dreg:$0x3] =	wrdreg s2  }
0xb0: {  	[dreg:$0x4] =	wrdreg $0x9  }
0xb1: {  	_ =	task.clear_ibuf [dreg:s7], $0x5FFFF;
	_ =	strace $0x90000049  }
0xb2: {  	s29 =	simm.s32 $0x9;
	_ =	strace $0x8000004B  }
0xb3: {  	_ =	swait.ge [sflag:s29], $0x1  }
0xb4: {  	[sflag:s29] =	ssyncadd.s32 $0xFFFFFFFF  }
0xb5: {  	_ =	strace $0x9000004B  }
0xb6: {  	_ =	sfence  }
0xb7: {  	s30 =	sld [smem:$0x0];
	_ =	sdelay $0x2  }
0xb8: {  	s31 =	sshll.u32 s1, $0xD;
	s1 =	sshrl.u32 s1, $0x2  }
0xb9: {  	s3 =	sand.u32 $0x4000, s31;
	s1 =	sadd.s32 s1, s30  }
0xba: {  	s0 =	sor.u32 s3, s0;
	s1 =	sshll.u32 s1, $0x11  }
0xbb: {  	s0 =	sor.u32 s1, s0  }
0xbc: {  	s0 =	sadd.s32 $0x8F2B, s0  }
0xbd: {  	[sflag:s0] =	ssyncadd.remote.s32 $0x1  }
0xbe: {  	_ =	sfence.sel $0xFFFF  }
0xbf: {  	[dreg:$0x0] =	wrdreg $0xFFFFFFFF;
	(pc) =	sbr.abs _section_cstart, $3  }
0xc0: {  	[dreg:$0x1] =	wrdreg $0xFFFFFFFF  }
0xc1: {  	_ =	task.clear_ibuf [dreg:s7], $0x2FFFF;
	_ =	strace $0x9FFFFFFF  }
0xc2: {  	(tm) =	ssettm $0x7FFFFFFF  }
0xc3: {  	_ =	shalt  }
tec
execute0_lowered:
.L_overlay_start_1:
0x0: {  	(tag) =	ssettag $0x1  }
0x1: {  	s5 =	rddreg [dreg:$0x0]  }
0x2: {  	s6 =	rddreg [dreg:$0x1]  }
0x3: {  	s0 =	rddreg [dreg:$0x2];
	s1 =	simm.s32 $0x0;
	s4 =	srdreg.scid  }
0x4: {  	s2 =	stileid.u32;
	s11 =	simm.s32 $0x11380;
	s12 =	simm.s32 $0x8000  }
0x5: {  	s13 =	simm.s32 $0x0;
	[smem:$0x7FF] =	sst s1;
	s3 =	sadd.s32 $0x6000, s5  }
0x6: {  	s4 =	sand.u32 $0x1, s4;
	s8 =	sshll.u32 s2, $0x10;
	_ =	strace $0x8000004A  }
.Ltmp0:
0x7: {  	s7 =	ssub.s32 $0x2, s4;
	s9 =	sshll.u32 s4, $0xF;
	(pc) =	sbr.rel .LBB2_1-.Ltmp0, $4  }
0x8: {  	s4 =	sadd.s32 $0x7400, s5;
	s10 =	sshrl.u32 s7, $0x1;
	s8 =	sor.u32 s9, s8  }
0x9: {  	s5 =	sadd.s32 $0x8800, s5;
	s7 =	ssub.s32 s7, s10;
	s9 =	sshrl.u32 s8, $0x3  }
0xa: {  	v2 =	vimm.f32 $1.000000000e+06;
	s31 =	sadd.s32 $0x8000, s8;
	v0 =	vmov s8;
	s8 =	simm.s32 $0x10000;
	s10 =	simm.s32 $0x109C0  }
0xb: {  	v3 =	vimm.s32 $0xFFFFFFFF;
	v4 =	vimm.f32 $0.0e+00;
	s6 =	sadd.s32 s6, s9;
	s7 =	smax.u32 s7, $0x1;
	v1 =	vmov s31;
	s9 =	simm.s32 $0x1  }
.LBB2_9:
0xc: {  	s13 =	sadd.s32 $0x1, s13  }
0xd: {  	p0 =	sne.s32 s13, s7  }
.Ltmp1:
0xe: {  	_ = 	snop;
	(pc) =	sbr.rel @!p0 .LBB2_10-.Ltmp1, $4  }
0xf: {  	[hbm4b:s6+s1] =	stream.linear.scatter [tilespmem:s12], [sflag:$0x1], $0x8000, $0x38;
	[tilespmem:$0x11D40] =	vst v63  }
0x10: {  	_ =	swait.ge [sflag:s9], $0x8000  }
0x11: {  	[sflag:s9] =	ssyncset.done $0x0  }
0x12: {  	[sflag:s9] =	ssyncadd.s32 $0xFFFF8000  }
.LBB2_1:
0x13: {  	s14 =	simm.s32 $0x40;
	s15 =	simm.s32 $0x0  }
.LBB2_2:
0x14: {  	p0 =	sne.s32 s14, $0x1FFC0;
	[tilespmem:s15+$0x0] =	vst v2;
	s16 =	smov.u32 s14;
	s14 =	sadd.s32 $0x40, s14  }
.Ltmp2:
0x15: {  	[tilespmem:s15+$0x8000] =	vst v3;
	(pc) =	sbr.rel @p0 .LBB2_2-.Ltmp2, $2  }
0x16: {  	_ =	sdelay $0x2  }
0x17: {  	s15 =	sshra.s32 s16, $0x2  }
.Ltmp3:
0x18: {  	(pc) =	sbr.rel .LBB2_4-.Ltmp3, $3  }
0x19: {  	_ =	sdelay $0x1  }
0x1a: {  	[tilespmem:s15+$0x0] =	vst v2  }
0x1b: {  	s14 =	simm.s32 $0x0;
	[tilespmem:s15+$0x8000] =	vst v3;
	s15 =	simm.s32 $0x0  }
.LBB2_8:
0x1c: {  	s15 =	sadd.s32 $0x1, s15  }
0x1d: {  	p0 =	sne.s32 s15, $0x10  }
.Ltmp4:
0x1e: {  	_ = 	snop;
	(pc) =	sbr.rel @!p0 .LBB2_9-.Ltmp4, $1  }
0x1f: {  	_ =	sdelay $0x3  }
.LBB2_4:
0x20: {  	s16 =	smul.u32 $0x138, s15;
	_ =	sdelay $0x1  }
0x21: {  	s17 =	sadd.s32 s3, s16  }
0x22: {  	[tilespmem:s8], [sflag:$0x1] =	stream.linear.gather [hbm4b:s17+s14], $0x9C0, $0x38;
	[tilespmem:$0x11D40] =	vst v63  }
0x23: {  	_ =	swait.ge [sflag:s9], $0x9C0  }
0x24: {  	[sflag:s9] =	ssyncset.done $0x0  }
0x25: {  	s31 =	sadd.s32 s4, s16;
	[sflag:s9] =	ssyncadd.s32 $0xFFFFF640  }
0x26: {  	[tilespmem:s10], [sflag:$0x1] =	stream.linear.gather [hbm4b:s31+s14], $0x9C0, $0x38;
	[tilespmem:$0x11D40] =	vst v63  }
0x27: {  	_ =	swait.ge [sflag:s9], $0x9C0  }
0x28: {  	[sflag:s9] =	ssyncset.done $0x0  }
.Ltmp5:
0x29: {  	s16 =	sadd.s32 s5, s16;
	[sflag:s9] =	ssyncadd.s32 $0xFFFFF640;
	(pc) =	sbr.rel .LBB2_5-.Ltmp5, $4  }
0x2a: {  	[tilespmem:s11], [sflag:$0x1] =	stream.linear.gather [hbm4b:s16+s14], $0x9C0, $0x38;
	[tilespmem:$0x11D40] =	vst v63  }
0x2b: {  	_ =	swait.ge [sflag:s9], $0x9C0  }
0x2c: {  	[sflag:s9] =	ssyncset.done $0x0  }
0x2d: {  	s16 =	simm.s32 $0x0;
	[sflag:s9] =	ssyncadd.s32 $0xFFFFF640  }
.LBB2_7:
0x2e: {  	s16 =	sadd.s32 $0x1, s16  }
0x2f: {  	p0 =	sne.s32 s16, $0x9C  }
.Ltmp6:
0x30: {  	_ = 	snop;
	(pc) =	sbr.rel @!p0 .LBB2_8-.Ltmp6, $1  }
0x31: {  	_ =	sdelay $0x3  }
.LBB2_5:
0x32: {  	s17 =	sshll.u32 s16, $0x4  }
0x33: {  	v5 =	vld [tilespmem:s17+$0x10000];
	_ =	sdelay $0x4  }
0x34: {  	vm0 =	vge.s32 v5, v0;
	vm1 =	vlt.s32 v5, v1  }
0x35: {  	v5 =	vsub.s32 v5, v0;
	vm0 =	vmand vm0, vm1  }
0x36: {  	v5 =	vnsel vm0, $0x0, v5;
	_ =	sdelay $0x2  }
0x37: {  	v6 =	vld [tilespmem:s17+$0x109C0]  }
0x38: {  	v7 =	vld [tilespmem:s17+$0x11380]  }
0x39: {  	v8 =	vld.idx.msk [tilespmem:v5+s1+$0x0], $0xffff  }
0x3a: {  	v9 =	vld.idx.msk [tilespmem:v5+s12+$0x0], $0xffff;
	_ =	sdelay $0x4  }
0x3b: {  	vm1 =	veq.f32 v6, v8;
	vm2 =	vgt.s32 v7, v9  }
0x3c: {  	vm3 =	vlt.f32 v6, v8;
	vm1 =	vmand vm1, vm2  }
0x3d: {  	vm1 =	vmor vm3, vm1  }
0x3e: {  	vm1 =	vmand vm0, vm1  }
0x3f: {  	v8 =	vsel vm1, $0x3F800000, v4  }
0x40: {  	(xrf0) =	vmax.scan.msk.f32 $0xffff, v8;
	_ =	sdelay $0x5  }
0x41: {  	v8, _, _ =	vpop (xrf0)  }
0x42: {  	(v2sf) =	vpush v8, $0xF;
	_ =	sdelay $0xe  }
0x43: {  	s31 =	spop (v2sf)  }
0x44: {  	p0 =	sgt.f32 s31, $0.0e+00  }
.Ltmp7:
0x45: {  	_ = 	snop;
	(pc) =	sbr.rel @!p0 .LBB2_7-.Ltmp7, $1  }
0x46: {  	_ =	sdelay $0x3  }
.LBB2_6:
0x47: {  	[tilespmem:v5+s1+$0x0] =	vst.idx.msk vm1, v6  }
0x48: {  	[tilespmem:v5+s12+$0x0] =	vst.idx.msk vm1, v7  }
0x49: {  	v8 =	vld.idx.msk [tilespmem:v5+s1+$0x0], $0xffff  }
0x4a: {  	v9 =	vld.idx.msk [tilespmem:v5+s12+$0x0], $0xffff;
	_ =	sdelay $0x4  }
0x4b: {  	vm1 =	veq.f32 v6, v8;
	vm2 =	vgt.s32 v7, v9  }
0x4c: {  	vm3 =	vlt.f32 v6, v8;
	vm1 =	vmand vm1, vm2  }
0x4d: {  	vm1 =	vmor vm3, vm1  }
0x4e: {  	vm1 =	vmand vm0, vm1  }
0x4f: {  	v8 =	vsel vm1, $0x3F800000, v4  }
0x50: {  	(xrf0) =	vmax.scan.msk.f32 $0xffff, v8;
	_ =	sdelay $0x5  }
0x51: {  	v8, _, _ =	vpop (xrf0)  }
0x52: {  	(v2sf) =	vpush v8, $0xF;
	_ =	sdelay $0xe  }
0x53: {  	s17 =	spop (v2sf)  }
0x54: {  	p0 =	sgt.f32 s17, $0.0e+00  }
.Ltmp8:
0x55: {  	_ = 	snop;
	(pc) =	sbr.rel @p0 .LBB2_6-.Ltmp8, $1  }
0x56: {  	_ =	sdelay $0x3  }
.Ltmp9:
0x57: {  	_ = 	snop;
	(pc) =	sbr.rel .LBB2_7-.Ltmp9, $1  }
0x58: {  	_ =	sdelay $0x3  }
.LBB2_10:
0x59: {  	_ =	sfence.sel $0x180000  }
0x5a: {  	[bflag:$0x0] =	sbarrier.arrive $0xFFFF  }
0x5b: {  	p0 =	sne.s32 s2, $0x0;
	_ =	strace $0x9000004A  }
0x5c: {  	s0 =	sadd.s32 @!p0 $0x100000, s0;
	[bflag:$0x2] =	sbarrier.arrive $0xFFFF  }
0x5d: {  	[sflag:s0] =	ssyncadd.tile.s32 @!p0 $0x1;
	_ =	shalt  }
.Lfunc_end2:
_tile_overlayer_lowered:
.L_overlay_start_2:
0x5e: {  	(tag) =	ssettag $0x2  }
0x5f: {  	s0 =	rddreg [dreg:$0x0];
	s2 =	stileid.u32  }
0x60: {  	s1 =	rddreg [dreg:$0x1];
	p0 =	sne.s32 s2, $0x0  }
0x61: {  	s3 =	rddreg [dreg:$0x2];
	[bflag:$0x3] =	sbarrier.arrive $0xFFFF;
	s2 =	simm.s32 @!p0 $0x1C01  }
0x62: {  	[timem:s3], [sflag:s2] =	dma.local @!p0 [hbm:s0], s1  }
0x63: {  	s0 =	simm.s32 @!p0 $0x1  }
0x64: {  	_ =	swait.ge @!p0 [sflag:s0], s1  }
0x65: {  	s1 =	ssub.s32 @!p0 $0x0, s1;
	[sflag:s0] =	ssyncset.done @!p0 $0x0  }
0x66: {  	[sflag:s0] =	ssyncadd.s32 @!p0 s1  }
0x67: {  	[bflag:$0x3] =	sbarrier.arrive $0xFFFF  }
0x68: {  	_ =	shalt  }

</sc_bundles>
